<compile_context>
chip_gen: v7x
topology: tpu7x:2x2x1
jax: 0.10.2.dev20260603
libtpu: 0.0.44.dev20260713+nightly
codegen_flags: <defaults>
</compile_context>

<pallas_src>
import numpy as np
import jax
import jax.numpy as jnp
from jax import lax
from jax.experimental import pallas as pl
from jax.experimental.pallas import tpu as pltpu
from jax.experimental.pallas import tpu_sc as plsc

_D = 2048
_H = 512
_B = 4
_N = 4096
_TN = 1024
_G = (_B * _N) // _TN
_K_RANK = 3277

_INTERPRET = False

_SQRT_HALF = np.float32(np.sqrt(0.5))

_ERFC_P = [2.326819970068386e-2, -1.387039388740657e-1, 3.687424674597105e-1,
           -5.824733027278666e-1, 6.210004764949774e-1, -4.944515323274145e-1,
           3.404879937665872e-1, -2.741127028184656e-1, 5.638259427386472e-1]
_ERFC_R = [-1.047766399936249e+1, 1.297719955372516e+1, -7.495518717768503e+0,
           2.921019019210786e+0, -1.015265279202700e+0, 4.218463358204948e-1,
           -2.820767439740514e-1, 5.641895067754075e-1]
_ERF_T = [7.853861353153693e-5, -8.010193625184903e-4, 5.188327685732524e-3,
          -2.685381193529856e-2, 1.128358514861418e-1, -3.761262582423300e-1,
          1.128379165726710e+0]
_MAXLOG = np.float32(88.72283905206835)


def _poly(y, coefs):
    p = jnp.zeros_like(y)
    for c in coefs:
        p = p * y + np.float32(c)
    return p


def _erfc_f32(x):
    abs_x = jnp.abs(x)
    w = -(x * x)
    z = jnp.exp(w)
    q = 1.0 / abs_x
    y2 = q * q
    small = abs_x < 2.0
    p = jnp.zeros_like(x)
    for cp, cr in zip(_ERFC_P, [0.0] + _ERFC_R):
        p = p * y2 + jnp.where(small, np.float32(cp), np.float32(cr))
    yv = z * q * p
    y_clamp = jnp.where(w < -_MAXLOG, 0.0, yv)
    erfc_big = jnp.where(x < 0.0, 2.0 - y_clamp, y_clamp)
    erf_small = x * _poly(x * x, _ERF_T)
    return jnp.where(abs_x > 1.0, erfc_big, 1.0 - erf_small)


def _score_body(x_ref, w1t_ref, b1_ref, w2p_ref, b2_ref, t_ref, o_ref):
    x = x_ref[0]
    h = jnp.dot(x.astype(jnp.bfloat16), w1t_ref[...].astype(jnp.bfloat16),
                preferred_element_type=jnp.float32)
    h = h + b1_ref[...]
    g = 0.5 * h * _erfc_f32(h * -_SQRT_HALF)
    logit = jnp.dot(g.astype(jnp.bfloat16), w2p_ref[...].astype(jnp.bfloat16),
                    preferred_element_type=jnp.float32)[:, 0]
    logit = logit + b2_ref[0, 0]
    o_ref[0, 0] = (1.0 / (1.0 + jnp.exp(-logit))) * t_ref[0, 0, 0]


def _sc_thr_body(keys_hbm, rare_hbm, mask_hbm, keys_v, rare_v, hist_v):
    c = lax.axis_index("c")
    s_id = lax.axis_index("s")
    b = c * 2 + s_id // 8
    is_master = (s_id % 8) == 0

    @pl.when(is_master)
    def _():
        pltpu.sync_copy(keys_hbm.at[b], keys_v)
        pltpu.sync_copy(rare_hbm.at[b], rare_v)

        lanes = lax.iota(jnp.int32, 16)
        ones = jnp.ones((16,), jnp.int32)
        zeros = jnp.zeros((16,), jnp.int32)

        def _scalarize(v):
            return jnp.max(v) if getattr(v, "ndim", 0) else v

        _U = 8

        krem = jnp.int32(_K_RANK)
        prefix = jnp.int32(0)
        for shift, bits in ((22, 8), (14, 8), (6, 8), (0, 6)):
            nbins = 1 << bits

            def zero_body(i, carry):
                for u in range(_U):
                    hist_v[pl.ds((i * _U + u) * 16, 16)] = zeros
                return carry
            lax.fori_loop(0, nbins // _U, zero_body, 0)

            pshift = shift + bits
            top = shift == 22

            def build_body(i, carry):
                for u in range(_U):
                    k = keys_v[pl.ds((i * _U + u) * 16, 16)]
                    m = None if top else (k >> pshift) == prefix
                    d = (k >> shift) & (nbins - 1)
                    plsc.addupdate_scatter(hist_v, [d * 16 + lanes], ones, mask=m)
                return carry
            lax.fori_loop(0, _N // 16 // _U, build_body, 0)

            def chunk_body(j, ctot):
                acc = zeros
                for u in range(16):
                    acc = acc + hist_v[pl.ds(j * 256 + u * 16, 16)]
                return jnp.where(lanes == j, jnp.sum(acc), ctot)
            ctot = lax.fori_loop(0, nbins // 16, chunk_body, zeros)
            ccum = plsc.cumsum(ctot)
            cidx = _scalarize(plsc.all_reduce_ffs(ccum >= krem))
            krem = krem - jnp.sum(jnp.where(lanes == cidx, ccum - ctot, zeros))

            def bin_body(u, btot):
                v = hist_v[pl.ds((cidx * 16 + u) * 16, 16)]
                return jnp.where(lanes == u, jnp.sum(v), btot)
            btot = lax.fori_loop(0, 16, bin_body, zeros)
            bcum = plsc.cumsum(btot)
            bidx = _scalarize(plsc.all_reduce_ffs(bcum >= krem))
            krem = krem - jnp.sum(jnp.where(lanes == bidx, bcum - btot, zeros))
            prefix = (prefix << bits) | (cidx * 16 + bidx)

        thr_key = prefix

        def mask_body(i, carry):
            for u in range(_U):
                sl = pl.ds((i * _U + u) * 16, 16)
                keep = (keys_v[sl] > thr_key) & (rare_v[sl] == 0)
                rare_v[sl] = keep.astype(jnp.int32)
            return carry
        lax.fori_loop(0, _N // 16 // _U, mask_body, 0)
        pltpu.sync_copy(rare_v, mask_hbm.at[b])


def kernel(token_repr, t_frac, rare_mask, W1, b1, W2, b2):
    x = token_repr.reshape(_G, _TN, _D)
    w1t = W1.T
    b1r = b1.reshape(1, _H)
    w2p = jnp.zeros((_H, 128), W2.dtype).at[:, 0].set(W2[0])
    b2r = b2.reshape(1, 1)

    t_tile = jnp.repeat(t_frac, _N // _TN).reshape(_G, 1, 1)

    scores = pl.pallas_call(
        _score_body,
        grid=(_G,),
        in_specs=[
            pl.BlockSpec((1, _TN, _D), lambda i: (i, 0, 0)),
            pl.BlockSpec((_D, _H), lambda i: (0, 0)),
            pl.BlockSpec((1, _H), lambda i: (0, 0)),
            pl.BlockSpec((_H, 128), lambda i: (0, 0)),
            pl.BlockSpec(memory_space=pltpu.SMEM),
            pl.BlockSpec((1, 1, 1), lambda i: (i, 0, 0), memory_space=pltpu.SMEM),
        ],
        out_specs=pl.BlockSpec((1, 1, _TN), lambda i: (i, 0, 0)),
        out_shape=jax.ShapeDtypeStruct((_G, 1, _TN), jnp.float32),
        interpret=_INTERPRET,
    )(x, w1t, b1r, w2p, b2r, t_tile)

    scores = scores.reshape(_B, _N)
    keys = lax.bitcast_convert_type(scores, jnp.int32)
    rare_i = rare_mask.astype(jnp.int32)

    mask_i = pl.kernel(
        _sc_thr_body,
        out_type=jax.ShapeDtypeStruct((_B, _N), jnp.int32),
        mesh=plsc.VectorSubcoreMesh(core_axis_name="c", subcore_axis_name="s"),
        compiler_params=pltpu.CompilerParams(needs_layout_passes=False),
        scratch_types=[
            pltpu.VMEM((_N,), jnp.int32),
            pltpu.VMEM((_N,), jnp.int32),
            pltpu.VMEM((_N,), jnp.int32),
        ],
    )(keys, rare_i)

    return mask_i.astype(jnp.bool_), scores

# --- scband reference (transcript-rebuilt; emitter-appended) ---
"""Pipeline reference for scband-group-bskip-predictor-78288663872353 (READ-ONLY COPY).

The authoritative reference and input builder live on the scoring server;
editing this copy changes nothing except your own understanding.
"""

import jax, jax.numpy as jnp
import numpy as np

D = 2048
H = D // 4
B = 4
N = 4096
FLOOR = 0.2


def setup_inputs(seed: int = 0) -> dict:
    key = jax.random.key(seed)
    k_x, k_t, k_m, k_w1, k_b1, k_w2, k_b2 = jax.random.split(key, 7)
    token_repr = jax.random.normal(k_x, (B, N, D), dtype=jnp.float32)
    t_frac = jax.random.uniform(k_t, (B,), dtype=jnp.float32)
    rare_mask = jax.random.randint(k_m, (B, N), 0, 2).astype(jnp.bool_)
    # nn.Linear default init: U(-1/sqrt(fan_in), 1/sqrt(fan_in)); use scaled normal for simplicity
    W1 = jax.random.normal(k_w1, (H, D), dtype=jnp.float32) * (1.0 / np.sqrt(D))
    b1 = jax.random.normal(k_b1, (H,), dtype=jnp.float32) * 0.01
    W2 = jax.random.normal(k_w2, (1, H), dtype=jnp.float32) * (1.0 / np.sqrt(H))
    b2 = jax.random.normal(k_b2, (1,), dtype=jnp.float32) * 0.01
    return {"token_repr": token_repr, "t_frac": t_frac, "rare_mask": rare_mask,
            "W1": W1, "b1": b1, "W2": W2, "b2": b2}


def reference(token_repr, t_frac, rare_mask, W1, b1, W2, b2):
    # mlp: Linear(D -> D//4) -> GELU(exact) -> Linear(D//4 -> 1) -> Sigmoid
    h = token_repr @ W1.T + b1
    h = jax.nn.gelu(h, approximate=False)
    scores = jax.nn.sigmoid(h @ W2.T + b2)  # [B, N, 1]
    scores = jnp.squeeze(scores, axis=-1)   # [B, N]
    t_gate = t_frac[:, None]                # broadcast over N (expand_as)
    scores = scores * t_gate
    # torch.quantile default interpolation='linear' == jnp.quantile default
    threshold = jnp.quantile(scores, 1.0 - FLOOR, axis=-1, keepdims=True)
    skip_mask = scores > threshold
    skip_mask = skip_mask & (~rare_mask)
    return skip_mask, scores

if __name__ == "__main__":
    import jax
    _d = setup_inputs()
    print(jax.jit(kernel)(*tuple(_d.values())))

</pallas_src>

<mosaic_0001>
#map = affine_map<(d0, d1) -> (0, 0)>
module attributes {stable_mosaic.version = 14 : i64} {
  func.func @_sc_thr_body(%arg0: i32, %arg1: i32, %arg2: memref<4x4096xi32, #tpu.memory_space<hbm>>, %arg3: memref<4x4096xi32, #tpu.memory_space<hbm>>, %arg4: memref<4x4096xi32, #tpu.memory_space<hbm>>, %arg5: memref<4096xi32, #tpu.memory_space<vmem>>, %arg6: memref<4096xi32, #tpu.memory_space<vmem>>, %arg7: memref<4096xi32, #tpu.memory_space<vmem>>) attributes {dimension_semantics = [#tpu.dimension_semantics<core_parallel>, #tpu.dimension_semantics<subcore_parallel>], iteration_bounds = array<i64: 2, 16>, scalar_prefetch = 0 : i64, scratch_operands = 3 : i64, tpu.core_type = #tpu.core_type<sc_vector_subcore>, window_params = [{transform_indices = #map}, {transform_indices = #map}, {transform_indices = #map}]} {
    %mul3A = arith.constant 2 : i32
    %mul3A_0 = arith.muli %arg0, %mul3A : i32
    %jit3A = arith.constant 8 : i32
    %div3A = arith.divsi %arg1, %jit3A : i32
    %sign3A = arith.constant 0 : i32
    %sign3A_1 = arith.cmpi sgt, %arg1, %sign3A : i32
    %sign3A_2 = arith.extui %sign3A_1 : i1 to i32
    %sign3A_3 = arith.constant 0 : i32
    %sign3A_4 = arith.cmpi slt, %arg1, %sign3A_3 : i32
    %sign3A_5 = arith.extui %sign3A_4 : i1 to i32
    %sign3A_6 = arith.subi %sign3A_2, %sign3A_5 : i32
    %sign3A_7 = arith.constant 0 : i32
    %sign3A_8 = arith.cmpi sgt, %jit3A, %sign3A_7 : i32
    %sign3A_9 = arith.extui %sign3A_8 : i1 to i32
    %sign3A_10 = arith.constant 0 : i32
    %sign3A_11 = arith.cmpi slt, %jit3A, %sign3A_10 : i32
    %sign3A_12 = arith.extui %sign3A_11 : i1 to i32
    %sign3A_13 = arith.subi %sign3A_9, %sign3A_12 : i32
    %ne3A = arith.cmpi ne, %sign3A_6, %sign3A_13 : i32
    %rem3A = arith.remsi %arg1, %jit3A : i32
    %ne3A_14 = arith.constant 0 : i32
    %ne3A_15 = arith.cmpi ne, %rem3A, %ne3A_14 : i32
    %and3A = arith.andi %ne3A, %ne3A_15 : i1
    %sub3A = arith.constant 1 : i32
    %sub3A_16 = arith.subi %div3A, %sub3A : i32
    %select_n3A = arith.select %and3A, %sub3A_16, %div3A : i32
    %add3A = arith.addi %mul3A_0, %select_n3A : i32
    %jit3A_17 = arith.constant 8 : i32
    %eq3A = arith.constant 0 : i32
    %eq3A_18 = arith.cmpi eq, %jit3A_17, %eq3A : i32
    %jit3A_19 = arith.constant 1 : i32
    %select_n3A_20 = arith.select %eq3A_18, %jit3A_19, %jit3A_17 : i32
    %rem3A_21 = arith.remsi %arg1, %select_n3A_20 : i32
    %ne3A_22 = arith.constant 0 : i32
    %ne3A_23 = arith.cmpi ne, %rem3A_21, %ne3A_22 : i32
    %lt3A = arith.constant 0 : i32
    %lt3A_24 = arith.cmpi slt, %rem3A_21, %lt3A : i32
    %lt3A_25 = arith.constant 0 : i32
    %lt3A_26 = arith.cmpi slt, %select_n3A_20, %lt3A_25 : i32
    %ne3A_27 = arith.xori %lt3A_24, %lt3A_26 : i1
    %and3A_28 = arith.andi %ne3A_27, %ne3A_23 : i1
    %add3A_29 = arith.addi %rem3A_21, %select_n3A_20 : i32
    %select_n3A_30 = arith.select %and3A_28, %add3A_29, %rem3A_21 : i32
    %eq3A_31 = arith.constant 0 : i32
    %eq3A_32 = arith.cmpi eq, %select_n3A_30, %eq3A_31 : i32
    %convert_element_type3A = arith.extui %eq3A_32 : i1 to i32
    %cond3A = arith.constant 0 : i32
    %cond3A_33 = arith.cmpi ne, %convert_element_type3A, %cond3A : i32
    scf.if %cond3A_33 {
      "tpu.region"() ({
        %run_scoped3A = tpu.sem_alloc : memref<!tpu.dma_semaphore, #tpu.memory_space<semaphore_mem>>
        %dma_start3A = arith.constant 0 : i32
        %dma_start3A_342 = tpu.memref_slice %arg2[%add3A, %dma_start3A] : memref<4x4096xi32, #tpu.memory_space<hbm>> -> memref<1x4096xi32, #tpu.memory_space<hbm>>
        %dma_start3A_343 = tpu.memref_squeeze %dma_start3A_342 : memref<1x4096xi32, #tpu.memory_space<hbm>> -> memref<4096xi32, #tpu.memory_space<hbm>>
        %dma_start3A_344 = arith.constant 0 : i32
        %dma_start3A_345 = tpu.memref_slice %arg2[%add3A, %dma_start3A_344] : memref<4x4096xi32, #tpu.memory_space<hbm>> -> memref<1x4096xi32, #tpu.memory_space<hbm>>
        %dma_start3A_346 = tpu.memref_squeeze %dma_start3A_345 : memref<1x4096xi32, #tpu.memory_space<hbm>> -> memref<4096xi32, #tpu.memory_space<hbm>>
        tpu.enqueue_dma source(%dma_start3A_346 : memref<4096xi32, #tpu.memory_space<hbm>>) target(%arg5 : memref<4096xi32, #tpu.memory_space<vmem>>) target_semaphore(%run_scoped3A : memref<!tpu.dma_semaphore, #tpu.memory_space<semaphore_mem>>)
        %dma_wait3A = arith.constant 0 : i32
        %dma_wait3A_347 = tpu.memref_slice %arg2[%add3A, %dma_wait3A] : memref<4x4096xi32, #tpu.memory_space<hbm>> -> memref<1x4096xi32, #tpu.memory_space<hbm>>
        %dma_wait3A_348 = tpu.memref_squeeze %dma_wait3A_347 : memref<1x4096xi32, #tpu.memory_space<hbm>> -> memref<4096xi32, #tpu.memory_space<hbm>>
        %dma_wait3A_349 = arith.constant 0 : i32
        %dma_wait3A_350 = tpu.memref_slice %arg2[%add3A, %dma_wait3A_349] : memref<4x4096xi32, #tpu.memory_space<hbm>> -> memref<1x4096xi32, #tpu.memory_space<hbm>>
        %dma_wait3A_351 = tpu.memref_squeeze %dma_wait3A_350 : memref<1x4096xi32, #tpu.memory_space<hbm>> -> memref<4096xi32, #tpu.memory_space<hbm>>
        tpu.wait_dma2 semaphore(%run_scoped3A : memref<!tpu.dma_semaphore, #tpu.memory_space<semaphore_mem>>) src(%dma_wait3A_351 : memref<4096xi32, #tpu.memory_space<hbm>>) dst(%arg5 : memref<4096xi32, #tpu.memory_space<vmem>>)
        tpu.yield
      }) : () -> ()
      "tpu.region"() ({
        %run_scoped3A = tpu.sem_alloc : memref<!tpu.dma_semaphore, #tpu.memory_space<semaphore_mem>>
        %dma_start3A = arith.constant 0 : i32
        %dma_start3A_342 = tpu.memref_slice %arg3[%add3A, %dma_start3A] : memref<4x4096xi32, #tpu.memory_space<hbm>> -> memref<1x4096xi32, #tpu.memory_space<hbm>>
        %dma_start3A_343 = tpu.memref_squeeze %dma_start3A_342 : memref<1x4096xi32, #tpu.memory_space<hbm>> -> memref<4096xi32, #tpu.memory_space<hbm>>
        %dma_start3A_344 = arith.constant 0 : i32
        %dma_start3A_345 = tpu.memref_slice %arg3[%add3A, %dma_start3A_344] : memref<4x4096xi32, #tpu.memory_space<hbm>> -> memref<1x4096xi32, #tpu.memory_space<hbm>>
        %dma_start3A_346 = tpu.memref_squeeze %dma_start3A_345 : memref<1x4096xi32, #tpu.memory_space<hbm>> -> memref<4096xi32, #tpu.memory_space<hbm>>
        tpu.enqueue_dma source(%dma_start3A_346 : memref<4096xi32, #tpu.memory_space<hbm>>) target(%arg6 : memref<4096xi32, #tpu.memory_space<vmem>>) target_semaphore(%run_scoped3A : memref<!tpu.dma_semaphore, #tpu.memory_space<semaphore_mem>>)
        %dma_wait3A = arith.constant 0 : i32
        %dma_wait3A_347 = tpu.memref_slice %arg3[%add3A, %dma_wait3A] : memref<4x4096xi32, #tpu.memory_space<hbm>> -> memref<1x4096xi32, #tpu.memory_space<hbm>>
        %dma_wait3A_348 = tpu.memref_squeeze %dma_wait3A_347 : memref<1x4096xi32, #tpu.memory_space<hbm>> -> memref<4096xi32, #tpu.memory_space<hbm>>
        %dma_wait3A_349 = arith.constant 0 : i32
        %dma_wait3A_350 = tpu.memref_slice %arg3[%add3A, %dma_wait3A_349] : memref<4x4096xi32, #tpu.memory_space<hbm>> -> memref<1x4096xi32, #tpu.memory_space<hbm>>
        %dma_wait3A_351 = tpu.memref_squeeze %dma_wait3A_350 : memref<1x4096xi32, #tpu.memory_space<hbm>> -> memref<4096xi32, #tpu.memory_space<hbm>>
        tpu.wait_dma2 semaphore(%run_scoped3A : memref<!tpu.dma_semaphore, #tpu.memory_space<semaphore_mem>>) src(%dma_wait3A_351 : memref<4096xi32, #tpu.memory_space<hbm>>) dst(%arg6 : memref<4096xi32, #tpu.memory_space<vmem>>)
        tpu.yield
      }) : () -> ()
      %iota3A = tpu.iota {dimensions = array<i32: 0>} : vector<16xi32>
      %broadcast_in_dim3A = arith.constant 1 : i32
      %broadcast_in_dim3A_34 = vector.broadcast %broadcast_in_dim3A : i32 to vector<16xi32>
      %broadcast_in_dim3A_35 = arith.constant 0 : i32
      %broadcast_in_dim3A_36 = vector.broadcast %broadcast_in_dim3A_35 : i32 to vector<16xi32>
      %scan3A = arith.constant 0 : i32
      %scan3A_37 = arith.constant 0 : i32
      %scan3A_38 = arith.constant 32 : i32
      %scan3A_39 = arith.addi %scan3A_37, %scan3A_38 : i32
      %scan3A_40 = arith.constant 1 : i32
      scf.for %scan3A_342 = %scan3A_37 to %scan3A_39 step %scan3A_40  : i32 {
        %mul3A_343 = arith.constant 8 : i32
        %mul3A_344 = arith.muli %scan3A_342, %mul3A_343 : i32
        %add3A_345 = arith.constant 0 : i32
        %add3A_346 = arith.addi %mul3A_344, %add3A_345 : i32
        %mul3A_347 = arith.constant 16 : i32
        %mul3A_348 = arith.muli %add3A_346, %mul3A_347 : i32
        %swap3A = arith.index_cast %mul3A_348 : i32 to index
        %swap3A_349 = tpu.vector_load %arg7[%swap3A] {strides = array<i32>} : memref<4096xi32, #tpu.memory_space<vmem>>, vector<16xi32>,
        tpu.vector_store %arg7[%swap3A], %broadcast_in_dim3A_36 {strides = array<i32>} : memref<4096xi32, #tpu.memory_space<vmem>>, vector<16xi32>,
        %mul3A_350 = arith.constant 8 : i32
        %mul3A_351 = arith.muli %scan3A_342, %mul3A_350 : i32
        %add3A_352 = arith.constant 1 : i32
        %add3A_353 = arith.addi %mul3A_351, %add3A_352 : i32
        %mul3A_354 = arith.constant 16 : i32
        %mul3A_355 = arith.muli %add3A_353, %mul3A_354 : i32
        %swap3A_356 = arith.index_cast %mul3A_355 : i32 to index
        %swap3A_357 = tpu.vector_load %arg7[%swap3A_356] {strides = array<i32>} : memref<4096xi32, #tpu.memory_space<vmem>>, vector<16xi32>,
        tpu.vector_store %arg7[%swap3A_356], %broadcast_in_dim3A_36 {strides = array<i32>} : memref<4096xi32, #tpu.memory_space<vmem>>, vector<16xi32>,
        %mul3A_358 = arith.constant 8 : i32
        %mul3A_359 = arith.muli %scan3A_342, %mul3A_358 : i32
        %add3A_360 = arith.constant 2 : i32
        %add3A_361 = arith.addi %mul3A_359, %add3A_360 : i32
        %mul3A_362 = arith.constant 16 : i32
        %mul3A_363 = arith.muli %add3A_361, %mul3A_362 : i32
        %swap3A_364 = arith.index_cast %mul3A_363 : i32 to index
        %swap3A_365 = tpu.vector_load %arg7[%swap3A_364] {strides = array<i32>} : memref<4096xi32, #tpu.memory_space<vmem>>, vector<16xi32>,
        tpu.vector_store %arg7[%swap3A_364], %broadcast_in_dim3A_36 {strides = array<i32>} : memref<4096xi32, #tpu.memory_space<vmem>>, vector<16xi32>,
        %mul3A_366 = arith.constant 8 : i32
        %mul3A_367 = arith.muli %scan3A_342, %mul3A_366 : i32
        %add3A_368 = arith.constant 3 : i32
        %add3A_369 = arith.addi %mul3A_367, %add3A_368 : i32
        %mul3A_370 = arith.constant 16 : i32
        %mul3A_371 = arith.muli %add3A_369, %mul3A_370 : i32
        %swap3A_372 = arith.index_cast %mul3A_371 : i32 to index
        %swap3A_373 = tpu.vector_load %arg7[%swap3A_372] {strides = array<i32>} : memref<4096xi32, #tpu.memory_space<vmem>>, vector<16xi32>,
        tpu.vector_store %arg7[%swap3A_372], %broadcast_in_dim3A_36 {strides = array<i32>} : memref<4096xi32, #tpu.memory_space<vmem>>, vector<16xi32>,
        %mul3A_374 = arith.constant 8 : i32
        %mul3A_375 = arith.muli %scan3A_342, %mul3A_374 : i32
        %add3A_376 = arith.constant 4 : i32
        %add3A_377 = arith.addi %mul3A_375, %add3A_376 : i32
        %mul3A_378 = arith.constant 16 : i32
        %mul3A_379 = arith.muli %add3A_377, %mul3A_378 : i32
        %swap3A_380 = arith.index_cast %mul3A_379 : i32 to index
        %swap3A_381 = tpu.vector_load %arg7[%swap3A_380] {strides = array<i32>} : memref<4096xi32, #tpu.memory_space<vmem>>, vector<16xi32>,
        tpu.vector_store %arg7[%swap3A_380], %broadcast_in_dim3A_36 {strides = array<i32>} : memref<4096xi32, #tpu.memory_space<vmem>>, vector<16xi32>,
        %mul3A_382 = arith.constant 8 : i32
        %mul3A_383 = arith.muli %scan3A_342, %mul3A_382 : i32
        %add3A_384 = arith.constant 5 : i32
        %add3A_385 = arith.addi %mul3A_383, %add3A_384 : i32
        %mul3A_386 = arith.constant 16 : i32
        %mul3A_387 = arith.muli %add3A_385, %mul3A_386 : i32
        %swap3A_388 = arith.index_cast %mul3A_387 : i32 to index
        %swap3A_389 = tpu.vector_load %arg7[%swap3A_388] {strides = array<i32>} : memref<4096xi32, #tpu.memory_space<vmem>>, vector<16xi32>,
        tpu.vector_store %arg7[%swap3A_388], %broadcast_in_dim3A_36 {strides = array<i32>} : memref<4096xi32, #tpu.memory_space<vmem>>, vector<16xi32>,
        %mul3A_390 = arith.constant 8 : i32
        %mul3A_391 = arith.muli %scan3A_342, %mul3A_390 : i32
        %add3A_392 = arith.constant 6 : i32
        %add3A_393 = arith.addi %mul3A_391, %add3A_392 : i32
        %mul3A_394 = arith.constant 16 : i32
        %mul3A_395 = arith.muli %add3A_393, %mul3A_394 : i32
        %swap3A_396 = arith.index_cast %mul3A_395 : i32 to index
        %swap3A_397 = tpu.vector_load %arg7[%swap3A_396] {strides = array<i32>} : memref<4096xi32, #tpu.memory_space<vmem>>, vector<16xi32>,
        tpu.vector_store %arg7[%swap3A_396], %broadcast_in_dim3A_36 {strides = array<i32>} : memref<4096xi32, #tpu.memory_space<vmem>>, vector<16xi32>,
        %mul3A_398 = arith.constant 8 : i32
        %mul3A_399 = arith.muli %scan3A_342, %mul3A_398 : i32
        %add3A_400 = arith.constant 7 : i32
        %add3A_401 = arith.addi %mul3A_399, %add3A_400 : i32
        %mul3A_402 = arith.constant 16 : i32
        %mul3A_403 = arith.muli %add3A_401, %mul3A_402 : i32
        %swap3A_404 = arith.index_cast %mul3A_403 : i32 to index
        %swap3A_405 = tpu.vector_load %arg7[%swap3A_404] {strides = array<i32>} : memref<4096xi32, #tpu.memory_space<vmem>>, vector<16xi32>,
        tpu.vector_store %arg7[%swap3A_404], %broadcast_in_dim3A_36 {strides = array<i32>} : memref<4096xi32, #tpu.memory_space<vmem>>, vector<16xi32>,
      }
      %scan3A_41 = arith.constant 32 : i32
      %scan3A_42 = arith.constant 0 : i32
      %scan3A_43 = arith.constant 0 : i32
      %scan3A_44 = arith.constant 32 : i32
      %scan3A_45 = arith.addi %scan3A_43, %scan3A_44 : i32
      %scan3A_46 = arith.constant 1 : i32
      scf.for %scan3A_342 = %scan3A_43 to %scan3A_45 step %scan3A_46  : i32 {
        %mul3A_343 = arith.constant 8 : i32
        %mul3A_344 = arith.muli %scan3A_342, %mul3A_343 : i32
        %add3A_345 = arith.constant 0 : i32
        %add3A_346 = arith.addi %mul3A_344, %add3A_345 : i32
        %mul3A_347 = arith.constant 16 : i32
        %mul3A_348 = arith.muli %add3A_346, %mul3A_347 : i32
        %get3A = arith.index_cast %mul3A_348 : i32 to index
        %get3A_349 = tpu.vector_load %arg5[%get3A] {strides = array<i32>} : memref<4096xi32, #tpu.memory_space<vmem>>, vector<16xi32>,
        %shift_right_arithmetic3A = arith.constant 22 : i32
        %shift_right_arithmetic3A_350 = vector.broadcast %shift_right_arithmetic3A : i32 to vector<16xi32>
        %shift_right_arithmetic3A_351 = arith.shrsi %get3A_349, %shift_right_arithmetic3A_350 : vector<16xi32>
        %and3A_352 = arith.constant 255 : i32
        %and3A_353 = vector.broadcast %and3A_352 : i32 to vector<16xi32>
        %and3A_354 = arith.andi %shift_right_arithmetic3A_351, %and3A_353 : vector<16xi32>
        %mul3A_355 = arith.constant 16 : i32
        %mul3A_356 = vector.broadcast %mul3A_355 : i32 to vector<16xi32>
        %mul3A_357 = arith.muli %and3A_354, %mul3A_356 : vector<16xi32>
        %add3A_358 = arith.addi %mul3A_357, %iota3A : vector<16xi32>
        tpu.vector_store_idx %arg7[%add3A_358], %broadcast_in_dim3A_34 {add = true} : memref<4096xi32, #tpu.memory_space<vmem>>[vector<16xi32>], vector<16xi32>,
        %mul3A_359 = arith.constant 8 : i32
        %mul3A_360 = arith.muli %scan3A_342, %mul3A_359 : i32
        %add3A_361 = arith.constant 1 : i32
        %add3A_362 = arith.addi %mul3A_360, %add3A_361 : i32
        %mul3A_363 = arith.constant 16 : i32
        %mul3A_364 = arith.muli %add3A_362, %mul3A_363 : i32
        %get3A_365 = arith.index_cast %mul3A_364 : i32 to index
        %get3A_366 = tpu.vector_load %arg5[%get3A_365] {strides = array<i32>} : memref<4096xi32, #tpu.memory_space<vmem>>, vector<16xi32>,
        %shift_right_arithmetic3A_367 = arith.constant 22 : i32
        %shift_right_arithmetic3A_368 = vector.broadcast %shift_right_arithmetic3A_367 : i32 to vector<16xi32>
        %shift_right_arithmetic3A_369 = arith.shrsi %get3A_366, %shift_right_arithmetic3A_368 : vector<16xi32>
        %and3A_370 = arith.constant 255 : i32
        %and3A_371 = vector.broadcast %and3A_370 : i32 to vector<16xi32>
        %and3A_372 = arith.andi %shift_right_arithmetic3A_369, %and3A_371 : vector<16xi32>
        %mul3A_373 = arith.constant 16 : i32
        %mul3A_374 = vector.broadcast %mul3A_373 : i32 to vector<16xi32>
        %mul3A_375 = arith.muli %and3A_372, %mul3A_374 : vector<16xi32>
        %add3A_376 = arith.addi %mul3A_375, %iota3A : vector<16xi32>
        tpu.vector_store_idx %arg7[%add3A_376], %broadcast_in_dim3A_34 {add = true} : memref<4096xi32, #tpu.memory_space<vmem>>[vector<16xi32>], vector<16xi32>,
        %mul3A_377 = arith.constant 8 : i32
        %mul3A_378 = arith.muli %scan3A_342, %mul3A_377 : i32
        %add3A_379 = arith.constant 2 : i32
        %add3A_380 = arith.addi %mul3A_378, %add3A_379 : i32
        %mul3A_381 = arith.constant 16 : i32
        %mul3A_382 = arith.muli %add3A_380, %mul3A_381 : i32
        %get3A_383 = arith.index_cast %mul3A_382 : i32 to index
        %get3A_384 = tpu.vector_load %arg5[%get3A_383] {strides = array<i32>} : memref<4096xi32, #tpu.memory_space<vmem>>, vector<16xi32>,
        %shift_right_arithmetic3A_385 = arith.constant 22 : i32
        %shift_right_arithmetic3A_386 = vector.broadcast %shift_right_arithmetic3A_385 : i32 to vector<16xi32>
        %shift_right_arithmetic3A_387 = arith.shrsi %get3A_384, %shift_right_arithmetic3A_386 : vector<16xi32>
        %and3A_388 = arith.constant 255 : i32
        %and3A_389 = vector.broadcast %and3A_388 : i32 to vector<16xi32>
        %and3A_390 = arith.andi %shift_right_arithmetic3A_387, %and3A_389 : vector<16xi32>
        %mul3A_391 = arith.constant 16 : i32
        %mul3A_392 = vector.broadcast %mul3A_391 : i32 to vector<16xi32>
        %mul3A_393 = arith.muli %and3A_390, %mul3A_392 : vector<16xi32>
        %add3A_394 = arith.addi %mul3A_393, %iota3A : vector<16xi32>
        tpu.vector_store_idx %arg7[%add3A_394], %broadcast_in_dim3A_34 {add = true} : memref<4096xi32, #tpu.memory_space<vmem>>[vector<16xi32>], vector<16xi32>,
        %mul3A_395 = arith.constant 8 : i32
        %mul3A_396 = arith.muli %scan3A_342, %mul3A_395 : i32
        %add3A_397 = arith.constant 3 : i32
        %add3A_398 = arith.addi %mul3A_396, %add3A_397 : i32
        %mul3A_399 = arith.constant 16 : i32
        %mul3A_400 = arith.muli %add3A_398, %mul3A_399 : i32
        %get3A_401 = arith.index_cast %mul3A_400 : i32 to index
        %get3A_402 = tpu.vector_load %arg5[%get3A_401] {strides = array<i32>} : memref<4096xi32, #tpu.memory_space<vmem>>, vector<16xi32>,
        %shift_right_arithmetic3A_403 = arith.constant 22 : i32
        %shift_right_arithmetic3A_404 = vector.broadcast %shift_right_arithmetic3A_403 : i32 to vector<16xi32>
        %shift_right_arithmetic3A_405 = arith.shrsi %get3A_402, %shift_right_arithmetic3A_404 : vector<16xi32>
        %and3A_406 = arith.constant 255 : i32
        %and3A_407 = vector.broadcast %and3A_406 : i32 to vector<16xi32>
        %and3A_408 = arith.andi %shift_right_arithmetic3A_405, %and3A_407 : vector<16xi32>
        %mul3A_409 = arith.constant 16 : i32
        %mul3A_410 = vector.broadcast %mul3A_409 : i32 to vector<16xi32>
        %mul3A_411 = arith.muli %and3A_408, %mul3A_410 : vector<16xi32>
        %add3A_412 = arith.addi %mul3A_411, %iota3A : vector<16xi32>
        tpu.vector_store_idx %arg7[%add3A_412], %broadcast_in_dim3A_34 {add = true} : memref<4096xi32, #tpu.memory_space<vmem>>[vector<16xi32>], vector<16xi32>,
        %mul3A_413 = arith.constant 8 : i32
        %mul3A_414 = arith.muli %scan3A_342, %mul3A_413 : i32
        %add3A_415 = arith.constant 4 : i32
        %add3A_416 = arith.addi %mul3A_414, %add3A_415 : i32
        %mul3A_417 = arith.constant 16 : i32
        %mul3A_418 = arith.muli %add3A_416, %mul3A_417 : i32
        %get3A_419 = arith.index_cast %mul3A_418 : i32 to index
        %get3A_420 = tpu.vector_load %arg5[%get3A_419] {strides = array<i32>} : memref<4096xi32, #tpu.memory_space<vmem>>, vector<16xi32>,
        %shift_right_arithmetic3A_421 = arith.constant 22 : i32
        %shift_right_arithmetic3A_422 = vector.broadcast %shift_right_arithmetic3A_421 : i32 to vector<16xi32>
        %shift_right_arithmetic3A_423 = arith.shrsi %get3A_420, %shift_right_arithmetic3A_422 : vector<16xi32>
        %and3A_424 = arith.constant 255 : i32
        %and3A_425 = vector.broadcast %and3A_424 : i32 to vector<16xi32>
        %and3A_426 = arith.andi %shift_right_arithmetic3A_423, %and3A_425 : vector<16xi32>
        %mul3A_427 = arith.constant 16 : i32
        %mul3A_428 = vector.broadcast %mul3A_427 : i32 to vector<16xi32>
        %mul3A_429 = arith.muli %and3A_426, %mul3A_428 : vector<16xi32>
        %add3A_430 = arith.addi %mul3A_429, %iota3A : vector<16xi32>
        tpu.vector_store_idx %arg7[%add3A_430], %broadcast_in_dim3A_34 {add = true} : memref<4096xi32, #tpu.memory_space<vmem>>[vector<16xi32>], vector<16xi32>,
        %mul3A_431 = arith.constant 8 : i32
        %mul3A_432 = arith.muli %scan3A_342, %mul3A_431 : i32
        %add3A_433 = arith.constant 5 : i32
        %add3A_434 = arith.addi %mul3A_432, %add3A_433 : i32
        %mul3A_435 = arith.constant 16 : i32
        %mul3A_436 = arith.muli %add3A_434, %mul3A_435 : i32
        %get3A_437 = arith.index_cast %mul3A_436 : i32 to index
        %get3A_438 = tpu.vector_load %arg5[%get3A_437] {strides = array<i32>} : memref<4096xi32, #tpu.memory_space<vmem>>, vector<16xi32>,
        %shift_right_arithmetic3A_439 = arith.constant 22 : i32
        %shift_right_arithmetic3A_440 = vector.broadcast %shift_right_arithmetic3A_439 : i32 to vector<16xi32>
        %shift_right_arithmetic3A_441 = arith.shrsi %get3A_438, %shift_right_arithmetic3A_440 : vector<16xi32>
        %and3A_442 = arith.constant 255 : i32
        %and3A_443 = vector.broadcast %and3A_442 : i32 to vector<16xi32>
        %and3A_444 = arith.andi %shift_right_arithmetic3A_441, %and3A_443 : vector<16xi32>
        %mul3A_445 = arith.constant 16 : i32
        %mul3A_446 = vector.broadcast %mul3A_445 : i32 to vector<16xi32>
        %mul3A_447 = arith.muli %and3A_444, %mul3A_446 : vector<16xi32>
        %add3A_448 = arith.addi %mul3A_447, %iota3A : vector<16xi32>
        tpu.vector_store_idx %arg7[%add3A_448], %broadcast_in_dim3A_34 {add = true} : memref<4096xi32, #tpu.memory_space<vmem>>[vector<16xi32>], vector<16xi32>,
        %mul3A_449 = arith.constant 8 : i32
        %mul3A_450 = arith.muli %scan3A_342, %mul3A_449 : i32
        %add3A_451 = arith.constant 6 : i32
        %add3A_452 = arith.addi %mul3A_450, %add3A_451 : i32
        %mul3A_453 = arith.constant 16 : i32
        %mul3A_454 = arith.muli %add3A_452, %mul3A_453 : i32
        %get3A_455 = arith.index_cast %mul3A_454 : i32 to index
        %get3A_456 = tpu.vector_load %arg5[%get3A_455] {strides = array<i32>} : memref<4096xi32, #tpu.memory_space<vmem>>, vector<16xi32>,
        %shift_right_arithmetic3A_457 = arith.constant 22 : i32
        %shift_right_arithmetic3A_458 = vector.broadcast %shift_right_arithmetic3A_457 : i32 to vector<16xi32>
        %shift_right_arithmetic3A_459 = arith.shrsi %get3A_456, %shift_right_arithmetic3A_458 : vector<16xi32>
        %and3A_460 = arith.constant 255 : i32
        %and3A_461 = vector.broadcast %and3A_460 : i32 to vector<16xi32>
        %and3A_462 = arith.andi %shift_right_arithmetic3A_459, %and3A_461 : vector<16xi32>
        %mul3A_463 = arith.constant 16 : i32
        %mul3A_464 = vector.broadcast %mul3A_463 : i32 to vector<16xi32>
        %mul3A_465 = arith.muli %and3A_462, %mul3A_464 : vector<16xi32>
        %add3A_466 = arith.addi %mul3A_465, %iota3A : vector<16xi32>
        tpu.vector_store_idx %arg7[%add3A_466], %broadcast_in_dim3A_34 {add = true} : memref<4096xi32, #tpu.memory_space<vmem>>[vector<16xi32>], vector<16xi32>,
        %mul3A_467 = arith.constant 8 : i32
        %mul3A_468 = arith.muli %scan3A_342, %mul3A_467 : i32
        %add3A_469 = arith.constant 7 : i32
        %add3A_470 = arith.addi %mul3A_468, %add3A_469 : i32
        %mul3A_471 = arith.constant 16 : i32
        %mul3A_472 = arith.muli %add3A_470, %mul3A_471 : i32
        %get3A_473 = arith.index_cast %mul3A_472 : i32 to index
        %get3A_474 = tpu.vector_load %arg5[%get3A_473] {strides = array<i32>} : memref<4096xi32, #tpu.memory_space<vmem>>, vector<16xi32>,
        %shift_right_arithmetic3A_475 = arith.constant 22 : i32
        %shift_right_arithmetic3A_476 = vector.broadcast %shift_right_arithmetic3A_475 : i32 to vector<16xi32>
        %shift_right_arithmetic3A_477 = arith.shrsi %get3A_474, %shift_right_arithmetic3A_476 : vector<16xi32>
        %and3A_478 = arith.constant 255 : i32
        %and3A_479 = vector.broadcast %and3A_478 : i32 to vector<16xi32>
        %and3A_480 = arith.andi %shift_right_arithmetic3A_477, %and3A_479 : vector<16xi32>
        %mul3A_481 = arith.constant 16 : i32
        %mul3A_482 = vector.broadcast %mul3A_481 : i32 to vector<16xi32>
        %mul3A_483 = arith.muli %and3A_480, %mul3A_482 : vector<16xi32>
        %add3A_484 = arith.addi %mul3A_483, %iota3A : vector<16xi32>
        tpu.vector_store_idx %arg7[%add3A_484], %broadcast_in_dim3A_34 {add = true} : memref<4096xi32, #tpu.memory_space<vmem>>[vector<16xi32>], vector<16xi32>,
      }
      %scan3A_47 = arith.constant 32 : i32
      %scan3A_48 = arith.constant 0 : i32
      %scan3A_49 = arith.constant 16 : i32
      %scan3A_50 = arith.addi %scan3A_48, %scan3A_49 : i32
      %scan3A_51 = arith.constant 1 : i32
      %scan3A_52 = scf.for %scan3A_342 = %scan3A_48 to %scan3A_50 step %scan3A_51 iter_args(%scan3A_343 = %broadcast_in_dim3A_36) -> (vector<16xi32>)  : i32 {
        %mul3A_344 = arith.constant 256 : i32
        %mul3A_345 = arith.muli %scan3A_342, %mul3A_344 : i32
        %add3A_346 = arith.constant 0 : i32
        %add3A_347 = arith.addi %mul3A_345, %add3A_346 : i32
        %get3A = arith.index_cast %add3A_347 : i32 to index
        %get3A_348 = tpu.vector_load %arg7[%get3A] {strides = array<i32>} : memref<4096xi32, #tpu.memory_space<vmem>>, vector<16xi32>,
        %add3A_349 = arith.addi %broadcast_in_dim3A_36, %get3A_348 : vector<16xi32>
        %mul3A_350 = arith.constant 256 : i32
        %mul3A_351 = arith.muli %scan3A_342, %mul3A_350 : i32
        %add3A_352 = arith.constant 16 : i32
        %add3A_353 = arith.addi %mul3A_351, %add3A_352 : i32
        %get3A_354 = arith.index_cast %add3A_353 : i32 to index
        %get3A_355 = tpu.vector_load %arg7[%get3A_354] {strides = array<i32>} : memref<4096xi32, #tpu.memory_space<vmem>>, vector<16xi32>,
        %add3A_356 = arith.addi %add3A_349, %get3A_355 : vector<16xi32>
        %mul3A_357 = arith.constant 256 : i32
        %mul3A_358 = arith.muli %scan3A_342, %mul3A_357 : i32
        %add3A_359 = arith.constant 32 : i32
        %add3A_360 = arith.addi %mul3A_358, %add3A_359 : i32
        %get3A_361 = arith.index_cast %add3A_360 : i32 to index
        %get3A_362 = tpu.vector_load %arg7[%get3A_361] {strides = array<i32>} : memref<4096xi32, #tpu.memory_space<vmem>>, vector<16xi32>,
        %add3A_363 = arith.addi %add3A_356, %get3A_362 : vector<16xi32>
        %mul3A_364 = arith.constant 256 : i32
        %mul3A_365 = arith.muli %scan3A_342, %mul3A_364 : i32
        %add3A_366 = arith.constant 48 : i32
        %add3A_367 = arith.addi %mul3A_365, %add3A_366 : i32
        %get3A_368 = arith.index_cast %add3A_367 : i32 to index
        %get3A_369 = tpu.vector_load %arg7[%get3A_368] {strides = array<i32>} : memref<4096xi32, #tpu.memory_space<vmem>>, vector<16xi32>,
        %add3A_370 = arith.addi %add3A_363, %get3A_369 : vector<16xi32>
        %mul3A_371 = arith.constant 256 : i32
        %mul3A_372 = arith.muli %scan3A_342, %mul3A_371 : i32
        %add3A_373 = arith.constant 64 : i32
        %add3A_374 = arith.addi %mul3A_372, %add3A_373 : i32
        %get3A_375 = arith.index_cast %add3A_374 : i32 to index
        %get3A_376 = tpu.vector_load %arg7[%get3A_375] {strides = array<i32>} : memref<4096xi32, #tpu.memory_space<vmem>>, vector<16xi32>,
        %add3A_377 = arith.addi %add3A_370, %get3A_376 : vector<16xi32>
        %mul3A_378 = arith.constant 256 : i32
        %mul3A_379 = arith.muli %scan3A_342, %mul3A_378 : i32
        %add3A_380 = arith.constant 80 : i32
        %add3A_381 = arith.addi %mul3A_379, %add3A_380 : i32
        %get3A_382 = arith.index_cast %add3A_381 : i32 to index
        %get3A_383 = tpu.vector_load %arg7[%get3A_382] {strides = array<i32>} : memref<4096xi32, #tpu.memory_space<vmem>>, vector<16xi32>,
        %add3A_384 = arith.addi %add3A_377, %get3A_383 : vector<16xi32>
        %mul3A_385 = arith.constant 256 : i32
        %mul3A_386 = arith.muli %scan3A_342, %mul3A_385 : i32
        %add3A_387 = arith.constant 96 : i32
        %add3A_388 = arith.addi %mul3A_386, %add3A_387 : i32
        %get3A_389 = arith.index_cast %add3A_388 : i32 to index
        %get3A_390 = tpu.vector_load %arg7[%get3A_389] {strides = array<i32>} : memref<4096xi32, #tpu.memory_space<vmem>>, vector<16xi32>,
        %add3A_391 = arith.addi %add3A_384, %get3A_390 : vector<16xi32>
        %mul3A_392 = arith.constant 256 : i32
        %mul3A_393 = arith.muli %scan3A_342, %mul3A_392 : i32
        %add3A_394 = arith.constant 112 : i32
        %add3A_395 = arith.addi %mul3A_393, %add3A_394 : i32
        %get3A_396 = arith.index_cast %add3A_395 : i32 to index
        %get3A_397 = tpu.vector_load %arg7[%get3A_396] {strides = array<i32>} : memref<4096xi32, #tpu.memory_space<vmem>>, vector<16xi32>,
        %add3A_398 = arith.addi %add3A_391, %get3A_397 : vector<16xi32>
        %mul3A_399 = arith.constant 256 : i32
        %mul3A_400 = arith.muli %scan3A_342, %mul3A_399 : i32
        %add3A_401 = arith.constant 128 : i32
        %add3A_402 = arith.addi %mul3A_400, %add3A_401 : i32
        %get3A_403 = arith.index_cast %add3A_402 : i32 to index
        %get3A_404 = tpu.vector_load %arg7[%get3A_403] {strides = array<i32>} : memref<4096xi32, #tpu.memory_space<vmem>>, vector<16xi32>,
        %add3A_405 = arith.addi %add3A_398, %get3A_404 : vector<16xi32>
        %mul3A_406 = arith.constant 256 : i32
        %mul3A_407 = arith.muli %scan3A_342, %mul3A_406 : i32
        %add3A_408 = arith.constant 144 : i32
        %add3A_409 = arith.addi %mul3A_407, %add3A_408 : i32
        %get3A_410 = arith.index_cast %add3A_409 : i32 to index
        %get3A_411 = tpu.vector_load %arg7[%get3A_410] {strides = array<i32>} : memref<4096xi32, #tpu.memory_space<vmem>>, vector<16xi32>,
        %add3A_412 = arith.addi %add3A_405, %get3A_411 : vector<16xi32>
        %mul3A_413 = arith.constant 256 : i32
        %mul3A_414 = arith.muli %scan3A_342, %mul3A_413 : i32
        %add3A_415 = arith.constant 160 : i32
        %add3A_416 = arith.addi %mul3A_414, %add3A_415 : i32
        %get3A_417 = arith.index_cast %add3A_416 : i32 to index
        %get3A_418 = tpu.vector_load %arg7[%get3A_417] {strides = array<i32>} : memref<4096xi32, #tpu.memory_space<vmem>>, vector<16xi32>,
        %add3A_419 = arith.addi %add3A_412, %get3A_418 : vector<16xi32>
        %mul3A_420 = arith.constant 256 : i32
        %mul3A_421 = arith.muli %scan3A_342, %mul3A_420 : i32
        %add3A_422 = arith.constant 176 : i32
        %add3A_423 = arith.addi %mul3A_421, %add3A_422 : i32
        %get3A_424 = arith.index_cast %add3A_423 : i32 to index
        %get3A_425 = tpu.vector_load %arg7[%get3A_424] {strides = array<i32>} : memref<4096xi32, #tpu.memory_space<vmem>>, vector<16xi32>,
        %add3A_426 = arith.addi %add3A_419, %get3A_425 : vector<16xi32>
        %mul3A_427 = arith.constant 256 : i32
        %mul3A_428 = arith.muli %scan3A_342, %mul3A_427 : i32
        %add3A_429 = arith.constant 192 : i32
        %add3A_430 = arith.addi %mul3A_428, %add3A_429 : i32
        %get3A_431 = arith.index_cast %add3A_430 : i32 to index
        %get3A_432 = tpu.vector_load %arg7[%get3A_431] {strides = array<i32>} : memref<4096xi32, #tpu.memory_space<vmem>>, vector<16xi32>,
        %add3A_433 = arith.addi %add3A_426, %get3A_432 : vector<16xi32>
        %mul3A_434 = arith.constant 256 : i32
        %mul3A_435 = arith.muli %scan3A_342, %mul3A_434 : i32
        %add3A_436 = arith.constant 208 : i32
        %add3A_437 = arith.addi %mul3A_435, %add3A_436 : i32
        %get3A_438 = arith.index_cast %add3A_437 : i32 to index
        %get3A_439 = tpu.vector_load %arg7[%get3A_438] {strides = array<i32>} : memref<4096xi32, #tpu.memory_space<vmem>>, vector<16xi32>,
        %add3A_440 = arith.addi %add3A_433, %get3A_439 : vector<16xi32>
        %mul3A_441 = arith.constant 256 : i32
        %mul3A_442 = arith.muli %scan3A_342, %mul3A_441 : i32
        %add3A_443 = arith.constant 224 : i32
        %add3A_444 = arith.addi %mul3A_442, %add3A_443 : i32
        %get3A_445 = arith.index_cast %add3A_444 : i32 to index
        %get3A_446 = tpu.vector_load %arg7[%get3A_445] {strides = array<i32>} : memref<4096xi32, #tpu.memory_space<vmem>>, vector<16xi32>,
        %add3A_447 = arith.addi %add3A_440, %get3A_446 : vector<16xi32>
        %mul3A_448 = arith.constant 256 : i32
        %mul3A_449 = arith.muli %scan3A_342, %mul3A_448 : i32
        %add3A_450 = arith.constant 240 : i32
        %add3A_451 = arith.addi %mul3A_449, %add3A_450 : i32
        %get3A_452 = arith.index_cast %add3A_451 : i32 to index
        %get3A_453 = tpu.vector_load %arg7[%get3A_452] {strides = array<i32>} : memref<4096xi32, #tpu.memory_space<vmem>>, vector<16xi32>,
        %add3A_454 = arith.addi %add3A_447, %get3A_453 : vector<16xi32>
        %eq3A_455 = vector.broadcast %scan3A_342 : i32 to vector<16xi32>
        %eq3A_456 = arith.cmpi eq, %iota3A, %eq3A_455 : vector<16xi32>
        %reduce_sum3A_457 = arith.constant true
        %reduce_sum3A_458 = vector.broadcast %reduce_sum3A_457 : i1 to vector<16xi1>
        %reduce_sum3A_459 = tpu.scan <sum>, %add3A_454 masked %reduce_sum3A_458 : vector<16xi32>, vector<16xi1> -> vector<16xi32>
        %reduce_sum3A_460 = vector.extract %reduce_sum3A_459[15] : i32 from vector<16xi32>
        %broadcast_in_dim3A_461 = vector.broadcast %reduce_sum3A_460 : i32 to vector<16xi32>
        %select_n3A_462 = arith.select %eq3A_456, %broadcast_in_dim3A_461, %scan3A_343 : vector<16xi1>, vector<16xi32>
        scf.yield %select_n3A_462 : vector<16xi32>
      }
      %scan3A_53 = arith.constant 16 : i32
      %broadcast_in_dim3A_54 = arith.constant true
      %broadcast_in_dim3A_55 = vector.broadcast %broadcast_in_dim3A_54 : i1 to vector<16xi1>
      %masked_cumsum3A = tpu.scan <sum>, %scan3A_52 masked %broadcast_in_dim3A_55 : vector<16xi32>, vector<16xi1> -> vector<16xi32>
      %ge3A = arith.constant 3277 : i32
      %ge3A_56 = vector.broadcast %ge3A : i32 to vector<16xi32>
      %ge3A_57 = arith.cmpi sge, %masked_cumsum3A, %ge3A_56 : vector<16xi32>
      %all_reduce_ffs3A = tpu.all_reduce %ge3A_57 {dim = 0 : i64, kind = #tpu.reduction_kind<find_first_set>} : vector<16xi1> -> vector<16xi32>
      %reduce_max3A = arith.constant true
      %reduce_max3A_58 = vector.broadcast %reduce_max3A : i1 to vector<16xi1>
      %reduce_max3A_59 = arith.constant -2147483648 : i32
      %reduce_max3A_60 = vector.broadcast %reduce_max3A_59 : i32 to vector<16xi32>
      %reduce_max3A_61 = arith.xori %all_reduce_ffs3A, %reduce_max3A_60 : vector<16xi32>
      %reduce_max3A_62 = tpu.scan <max>, %reduce_max3A_61 masked %reduce_max3A_58 : vector<16xi32>, vector<16xi1> -> vector<16xi32>
      %reduce_max3A_63 = arith.xori %reduce_max3A_62, %reduce_max3A_60 : vector<16xi32>
      %reduce_max3A_64 = vector.extract %reduce_max3A_63[15] : i32 from vector<16xi32>
      %eq3A_65 = vector.broadcast %reduce_max3A_64 : i32 to vector<16xi32>
      %eq3A_66 = arith.cmpi eq, %iota3A, %eq3A_65 : vector<16xi32>
      %sub3A_67 = arith.subi %masked_cumsum3A, %scan3A_52 : vector<16xi32>
      %select_n3A_68 = arith.select %eq3A_66, %sub3A_67, %broadcast_in_dim3A_36 : vector<16xi1>, vector<16xi32>
      %reduce_sum3A = arith.constant true
      %reduce_sum3A_69 = vector.broadcast %reduce_sum3A : i1 to vector<16xi1>
      %reduce_sum3A_70 = tpu.scan <sum>, %select_n3A_68 masked %reduce_sum3A_69 : vector<16xi32>, vector<16xi1> -> vector<16xi32>
      %reduce_sum3A_71 = vector.extract %reduce_sum3A_70[15] : i32 from vector<16xi32>
      %sub3A_72 = arith.constant 3277 : i32
      %sub3A_73 = arith.subi %sub3A_72, %reduce_sum3A_71 : i32
      %scan3A_74 = arith.constant 0 : i32
      %scan3A_75 = arith.constant 16 : i32
      %scan3A_76 = arith.addi %scan3A_74, %scan3A_75 : i32
      %scan3A_77 = arith.constant 1 : i32
      %scan3A_78 = scf.for %scan3A_342 = %scan3A_74 to %scan3A_76 step %scan3A_77 iter_args(%scan3A_343 = %broadcast_in_dim3A_36) -> (vector<16xi32>)  : i32 {
        %mul3A_344 = arith.constant 16 : i32
        %mul3A_345 = arith.muli %reduce_max3A_64, %mul3A_344 : i32
        %add3A_346 = arith.addi %mul3A_345, %scan3A_342 : i32
        %mul3A_347 = arith.constant 16 : i32
        %mul3A_348 = arith.muli %add3A_346, %mul3A_347 : i32
        %get3A = arith.index_cast %mul3A_348 : i32 to index
        %get3A_349 = tpu.vector_load %arg7[%get3A] {strides = array<i32>} : memref<4096xi32, #tpu.memory_space<vmem>>, vector<16xi32>,
        %eq3A_350 = vector.broadcast %scan3A_342 : i32 to vector<16xi32>
        %eq3A_351 = arith.cmpi eq, %iota3A, %eq3A_350 : vector<16xi32>
        %reduce_sum3A_352 = arith.constant true
        %reduce_sum3A_353 = vector.broadcast %reduce_sum3A_352 : i1 to vector<16xi1>
        %reduce_sum3A_354 = tpu.scan <sum>, %get3A_349 masked %reduce_sum3A_353 : vector<16xi32>, vector<16xi1> -> vector<16xi32>
        %reduce_sum3A_355 = vector.extract %reduce_sum3A_354[15] : i32 from vector<16xi32>
        %broadcast_in_dim3A_356 = vector.broadcast %reduce_sum3A_355 : i32 to vector<16xi32>
        %select_n3A_357 = arith.select %eq3A_351, %broadcast_in_dim3A_356, %scan3A_343 : vector<16xi1>, vector<16xi32>
        scf.yield %select_n3A_357 : vector<16xi32>
      }
      %scan3A_79 = arith.constant 16 : i32
      %broadcast_in_dim3A_80 = arith.constant true
      %broadcast_in_dim3A_81 = vector.broadcast %broadcast_in_dim3A_80 : i1 to vector<16xi1>
      %masked_cumsum3A_82 = tpu.scan <sum>, %scan3A_78 masked %broadcast_in_dim3A_81 : vector<16xi32>, vector<16xi1> -> vector<16xi32>
      %ge3A_83 = vector.broadcast %sub3A_73 : i32 to vector<16xi32>
      %ge3A_84 = arith.cmpi sge, %masked_cumsum3A_82, %ge3A_83 : vector<16xi32>
      %all_reduce_ffs3A_85 = tpu.all_reduce %ge3A_84 {dim = 0 : i64, kind = #tpu.reduction_kind<find_first_set>} : vector<16xi1> -> vector<16xi32>
      %reduce_max3A_86 = arith.constant true
      %reduce_max3A_87 = vector.broadcast %reduce_max3A_86 : i1 to vector<16xi1>
      %reduce_max3A_88 = arith.constant -2147483648 : i32
      %reduce_max3A_89 = vector.broadcast %reduce_max3A_88 : i32 to vector<16xi32>
      %reduce_max3A_90 = arith.xori %all_reduce_ffs3A_85, %reduce_max3A_89 : vector<16xi32>
      %reduce_max3A_91 = tpu.scan <max>, %reduce_max3A_90 masked %reduce_max3A_87 : vector<16xi32>, vector<16xi1> -> vector<16xi32>
      %reduce_max3A_92 = arith.xori %reduce_max3A_91, %reduce_max3A_89 : vector<16xi32>
      %reduce_max3A_93 = vector.extract %reduce_max3A_92[15] : i32 from vector<16xi32>
      %eq3A_94 = vector.broadcast %reduce_max3A_93 : i32 to vector<16xi32>
      %eq3A_95 = arith.cmpi eq, %iota3A, %eq3A_94 : vector<16xi32>
      %sub3A_96 = arith.subi %masked_cumsum3A_82, %scan3A_78 : vector<16xi32>
      %select_n3A_97 = arith.select %eq3A_95, %sub3A_96, %broadcast_in_dim3A_36 : vector<16xi1>, vector<16xi32>
      %reduce_sum3A_98 = arith.constant true
      %reduce_sum3A_99 = vector.broadcast %reduce_sum3A_98 : i1 to vector<16xi1>
      %reduce_sum3A_100 = tpu.scan <sum>, %select_n3A_97 masked %reduce_sum3A_99 : vector<16xi32>, vector<16xi1> -> vector<16xi32>
      %reduce_sum3A_101 = vector.extract %reduce_sum3A_100[15] : i32 from vector<16xi32>
      %sub3A_102 = arith.subi %sub3A_73, %reduce_sum3A_101 : i32
      %shift_left3A = arith.constant 0 : i32
      %shift_left3A_103 = arith.constant 8 : i32
      %shift_left3A_104 = arith.shli %shift_left3A, %shift_left3A_103 : i32
      %mul3A_105 = arith.constant 16 : i32
      %mul3A_106 = arith.muli %reduce_max3A_64, %mul3A_105 : i32
      %add3A_107 = arith.addi %mul3A_106, %reduce_max3A_93 : i32
      %or3A = arith.ori %shift_left3A_104, %add3A_107 : i32
      %scan3A_108 = arith.constant 0 : i32
      %scan3A_109 = arith.constant 0 : i32
      %scan3A_110 = arith.constant 32 : i32
      %scan3A_111 = arith.addi %scan3A_109, %scan3A_110 : i32
      %scan3A_112 = arith.constant 1 : i32
      scf.for %scan3A_342 = %scan3A_109 to %scan3A_111 step %scan3A_112  : i32 {
        %mul3A_343 = arith.constant 8 : i32
        %mul3A_344 = arith.muli %scan3A_342, %mul3A_343 : i32
        %add3A_345 = arith.constant 0 : i32
        %add3A_346 = arith.addi %mul3A_344, %add3A_345 : i32
        %mul3A_347 = arith.constant 16 : i32
        %mul3A_348 = arith.muli %add3A_346, %mul3A_347 : i32
        %swap3A = arith.index_cast %mul3A_348 : i32 to index
        %swap3A_349 = tpu.vector_load %arg7[%swap3A] {strides = array<i32>} : memref<4096xi32, #tpu.memory_space<vmem>>, vector<16xi32>,
        tpu.vector_store %arg7[%swap3A], %broadcast_in_dim3A_36 {strides = array<i32>} : memref<4096xi32, #tpu.memory_space<vmem>>, vector<16xi32>,
        %mul3A_350 = arith.constant 8 : i32
        %mul3A_351 = arith.muli %scan3A_342, %mul3A_350 : i32
        %add3A_352 = arith.constant 1 : i32
        %add3A_353 = arith.addi %mul3A_351, %add3A_352 : i32
        %mul3A_354 = arith.constant 16 : i32
        %mul3A_355 = arith.muli %add3A_353, %mul3A_354 : i32
        %swap3A_356 = arith.index_cast %mul3A_355 : i32 to index
        %swap3A_357 = tpu.vector_load %arg7[%swap3A_356] {strides = array<i32>} : memref<4096xi32, #tpu.memory_space<vmem>>, vector<16xi32>,
        tpu.vector_store %arg7[%swap3A_356], %broadcast_in_dim3A_36 {strides = array<i32>} : memref<4096xi32, #tpu.memory_space<vmem>>, vector<16xi32>,
        %mul3A_358 = arith.constant 8 : i32
        %mul3A_359 = arith.muli %scan3A_342, %mul3A_358 : i32
        %add3A_360 = arith.constant 2 : i32
        %add3A_361 = arith.addi %mul3A_359, %add3A_360 : i32
        %mul3A_362 = arith.constant 16 : i32
        %mul3A_363 = arith.muli %add3A_361, %mul3A_362 : i32
        %swap3A_364 = arith.index_cast %mul3A_363 : i32 to index
        %swap3A_365 = tpu.vector_load %arg7[%swap3A_364] {strides = array<i32>} : memref<4096xi32, #tpu.memory_space<vmem>>, vector<16xi32>,
        tpu.vector_store %arg7[%swap3A_364], %broadcast_in_dim3A_36 {strides = array<i32>} : memref<4096xi32, #tpu.memory_space<vmem>>, vector<16xi32>,
        %mul3A_366 = arith.constant 8 : i32
        %mul3A_367 = arith.muli %scan3A_342, %mul3A_366 : i32
        %add3A_368 = arith.constant 3 : i32
        %add3A_369 = arith.addi %mul3A_367, %add3A_368 : i32
        %mul3A_370 = arith.constant 16 : i32
        %mul3A_371 = arith.muli %add3A_369, %mul3A_370 : i32
        %swap3A_372 = arith.index_cast %mul3A_371 : i32 to index
        %swap3A_373 = tpu.vector_load %arg7[%swap3A_372] {strides = array<i32>} : memref<4096xi32, #tpu.memory_space<vmem>>, vector<16xi32>,
        tpu.vector_store %arg7[%swap3A_372], %broadcast_in_dim3A_36 {strides = array<i32>} : memref<4096xi32, #tpu.memory_space<vmem>>, vector<16xi32>,
        %mul3A_374 = arith.constant 8 : i32
        %mul3A_375 = arith.muli %scan3A_342, %mul3A_374 : i32
        %add3A_376 = arith.constant 4 : i32
        %add3A_377 = arith.addi %mul3A_375, %add3A_376 : i32
        %mul3A_378 = arith.constant 16 : i32
        %mul3A_379 = arith.muli %add3A_377, %mul3A_378 : i32
        %swap3A_380 = arith.index_cast %mul3A_379 : i32 to index
        %swap3A_381 = tpu.vector_load %arg7[%swap3A_380] {strides = array<i32>} : memref<4096xi32, #tpu.memory_space<vmem>>, vector<16xi32>,
        tpu.vector_store %arg7[%swap3A_380], %broadcast_in_dim3A_36 {strides = array<i32>} : memref<4096xi32, #tpu.memory_space<vmem>>, vector<16xi32>,
        %mul3A_382 = arith.constant 8 : i32
        %mul3A_383 = arith.muli %scan3A_342, %mul3A_382 : i32
        %add3A_384 = arith.constant 5 : i32
        %add3A_385 = arith.addi %mul3A_383, %add3A_384 : i32
        %mul3A_386 = arith.constant 16 : i32
        %mul3A_387 = arith.muli %add3A_385, %mul3A_386 : i32
        %swap3A_388 = arith.index_cast %mul3A_387 : i32 to index
        %swap3A_389 = tpu.vector_load %arg7[%swap3A_388] {strides = array<i32>} : memref<4096xi32, #tpu.memory_space<vmem>>, vector<16xi32>,
        tpu.vector_store %arg7[%swap3A_388], %broadcast_in_dim3A_36 {strides = array<i32>} : memref<4096xi32, #tpu.memory_space<vmem>>, vector<16xi32>,
        %mul3A_390 = arith.constant 8 : i32
        %mul3A_391 = arith.muli %scan3A_342, %mul3A_390 : i32
        %add3A_392 = arith.constant 6 : i32
        %add3A_393 = arith.addi %mul3A_391, %add3A_392 : i32
        %mul3A_394 = arith.constant 16 : i32
        %mul3A_395 = arith.muli %add3A_393, %mul3A_394 : i32
        %swap3A_396 = arith.index_cast %mul3A_395 : i32 to index
        %swap3A_397 = tpu.vector_load %arg7[%swap3A_396] {strides = array<i32>} : memref<4096xi32, #tpu.memory_space<vmem>>, vector<16xi32>,
        tpu.vector_store %arg7[%swap3A_396], %broadcast_in_dim3A_36 {strides = array<i32>} : memref<4096xi32, #tpu.memory_space<vmem>>, vector<16xi32>,
        %mul3A_398 = arith.constant 8 : i32
        %mul3A_399 = arith.muli %scan3A_342, %mul3A_398 : i32
        %add3A_400 = arith.constant 7 : i32
        %add3A_401 = arith.addi %mul3A_399, %add3A_400 : i32
        %mul3A_402 = arith.constant 16 : i32
        %mul3A_403 = arith.muli %add3A_401, %mul3A_402 : i32
        %swap3A_404 = arith.index_cast %mul3A_403 : i32 to index
        %swap3A_405 = tpu.vector_load %arg7[%swap3A_404] {strides = array<i32>} : memref<4096xi32, #tpu.memory_space<vmem>>, vector<16xi32>,
        tpu.vector_store %arg7[%swap3A_404], %broadcast_in_dim3A_36 {strides = array<i32>} : memref<4096xi32, #tpu.memory_space<vmem>>, vector<16xi32>,
      }
      %scan3A_113 = arith.constant 32 : i32
      %scan3A_114 = arith.constant 0 : i32
      %scan3A_115 = arith.constant 0 : i32
      %scan3A_116 = arith.constant 32 : i32
      %scan3A_117 = arith.addi %scan3A_115, %scan3A_116 : i32
      %scan3A_118 = arith.constant 1 : i32
      scf.for %scan3A_342 = %scan3A_115 to %scan3A_117 step %scan3A_118  : i32 {
        %mul3A_343 = arith.constant 8 : i32
        %mul3A_344 = arith.muli %scan3A_342, %mul3A_343 : i32
        %add3A_345 = arith.constant 0 : i32
        %add3A_346 = arith.addi %mul3A_344, %add3A_345 : i32
        %mul3A_347 = arith.constant 16 : i32
        %mul3A_348 = arith.muli %add3A_346, %mul3A_347 : i32
        %get3A = arith.index_cast %mul3A_348 : i32 to index
        %get3A_349 = tpu.vector_load %arg5[%get3A] {strides = array<i32>} : memref<4096xi32, #tpu.memory_space<vmem>>, vector<16xi32>,
        %shift_right_arithmetic3A = arith.constant 22 : i32
        %shift_right_arithmetic3A_350 = vector.broadcast %shift_right_arithmetic3A : i32 to vector<16xi32>
        %shift_right_arithmetic3A_351 = arith.shrsi %get3A_349, %shift_right_arithmetic3A_350 : vector<16xi32>
        %eq3A_352 = vector.broadcast %or3A : i32 to vector<16xi32>
        %eq3A_353 = arith.cmpi eq, %shift_right_arithmetic3A_351, %eq3A_352 : vector<16xi32>
        %shift_right_arithmetic3A_354 = arith.constant 14 : i32
        %shift_right_arithmetic3A_355 = vector.broadcast %shift_right_arithmetic3A_354 : i32 to vector<16xi32>
        %shift_right_arithmetic3A_356 = arith.shrsi %get3A_349, %shift_right_arithmetic3A_355 : vector<16xi32>
        %and3A_357 = arith.constant 255 : i32
        %and3A_358 = vector.broadcast %and3A_357 : i32 to vector<16xi32>
        %and3A_359 = arith.andi %shift_right_arithmetic3A_356, %and3A_358 : vector<16xi32>
        %mul3A_360 = arith.constant 16 : i32
        %mul3A_361 = vector.broadcast %mul3A_360 : i32 to vector<16xi32>
        %mul3A_362 = arith.muli %and3A_359, %mul3A_361 : vector<16xi32>
        %add3A_363 = arith.addi %mul3A_362, %iota3A : vector<16xi32>
        tpu.vector_store_idx %arg7[%add3A_363], %broadcast_in_dim3A_34 masked %eq3A_353 {add = true} : memref<4096xi32, #tpu.memory_space<vmem>>[vector<16xi32>], vector<16xi32>, vector<16xi1>
        %mul3A_364 = arith.constant 8 : i32
        %mul3A_365 = arith.muli %scan3A_342, %mul3A_364 : i32
        %add3A_366 = arith.constant 1 : i32
        %add3A_367 = arith.addi %mul3A_365, %add3A_366 : i32
        %mul3A_368 = arith.constant 16 : i32
        %mul3A_369 = arith.muli %add3A_367, %mul3A_368 : i32
        %get3A_370 = arith.index_cast %mul3A_369 : i32 to index
        %get3A_371 = tpu.vector_load %arg5[%get3A_370] {strides = array<i32>} : memref<4096xi32, #tpu.memory_space<vmem>>, vector<16xi32>,
        %shift_right_arithmetic3A_372 = arith.constant 22 : i32
        %shift_right_arithmetic3A_373 = vector.broadcast %shift_right_arithmetic3A_372 : i32 to vector<16xi32>
        %shift_right_arithmetic3A_374 = arith.shrsi %get3A_371, %shift_right_arithmetic3A_373 : vector<16xi32>
        %eq3A_375 = vector.broadcast %or3A : i32 to vector<16xi32>
        %eq3A_376 = arith.cmpi eq, %shift_right_arithmetic3A_374, %eq3A_375 : vector<16xi32>
        %shift_right_arithmetic3A_377 = arith.constant 14 : i32
        %shift_right_arithmetic3A_378 = vector.broadcast %shift_right_arithmetic3A_377 : i32 to vector<16xi32>
        %shift_right_arithmetic3A_379 = arith.shrsi %get3A_371, %shift_right_arithmetic3A_378 : vector<16xi32>
        %and3A_380 = arith.constant 255 : i32
        %and3A_381 = vector.broadcast %and3A_380 : i32 to vector<16xi32>
        %and3A_382 = arith.andi %shift_right_arithmetic3A_379, %and3A_381 : vector<16xi32>
        %mul3A_383 = arith.constant 16 : i32
        %mul3A_384 = vector.broadcast %mul3A_383 : i32 to vector<16xi32>
        %mul3A_385 = arith.muli %and3A_382, %mul3A_384 : vector<16xi32>
        %add3A_386 = arith.addi %mul3A_385, %iota3A : vector<16xi32>
        tpu.vector_store_idx %arg7[%add3A_386], %broadcast_in_dim3A_34 masked %eq3A_376 {add = true} : memref<4096xi32, #tpu.memory_space<vmem>>[vector<16xi32>], vector<16xi32>, vector<16xi1>
        %mul3A_387 = arith.constant 8 : i32
        %mul3A_388 = arith.muli %scan3A_342, %mul3A_387 : i32
        %add3A_389 = arith.constant 2 : i32
        %add3A_390 = arith.addi %mul3A_388, %add3A_389 : i32
        %mul3A_391 = arith.constant 16 : i32
        %mul3A_392 = arith.muli %add3A_390, %mul3A_391 : i32
        %get3A_393 = arith.index_cast %mul3A_392 : i32 to index
        %get3A_394 = tpu.vector_load %arg5[%get3A_393] {strides = array<i32>} : memref<4096xi32, #tpu.memory_space<vmem>>, vector<16xi32>,
        %shift_right_arithmetic3A_395 = arith.constant 22 : i32
        %shift_right_arithmetic3A_396 = vector.broadcast %shift_right_arithmetic3A_395 : i32 to vector<16xi32>
        %shift_right_arithmetic3A_397 = arith.shrsi %get3A_394, %shift_right_arithmetic3A_396 : vector<16xi32>
        %eq3A_398 = vector.broadcast %or3A : i32 to vector<16xi32>
        %eq3A_399 = arith.cmpi eq, %shift_right_arithmetic3A_397, %eq3A_398 : vector<16xi32>
        %shift_right_arithmetic3A_400 = arith.constant 14 : i32
        %shift_right_arithmetic3A_401 = vector.broadcast %shift_right_arithmetic3A_400 : i32 to vector<16xi32>
        %shift_right_arithmetic3A_402 = arith.shrsi %get3A_394, %shift_right_arithmetic3A_401 : vector<16xi32>
        %and3A_403 = arith.constant 255 : i32
        %and3A_404 = vector.broadcast %and3A_403 : i32 to vector<16xi32>
        %and3A_405 = arith.andi %shift_right_arithmetic3A_402, %and3A_404 : vector<16xi32>
        %mul3A_406 = arith.constant 16 : i32
        %mul3A_407 = vector.broadcast %mul3A_406 : i32 to vector<16xi32>
        %mul3A_408 = arith.muli %and3A_405, %mul3A_407 : vector<16xi32>
        %add3A_409 = arith.addi %mul3A_408, %iota3A : vector<16xi32>
        tpu.vector_store_idx %arg7[%add3A_409], %broadcast_in_dim3A_34 masked %eq3A_399 {add = true} : memref<4096xi32, #tpu.memory_space<vmem>>[vector<16xi32>], vector<16xi32>, vector<16xi1>
        %mul3A_410 = arith.constant 8 : i32
        %mul3A_411 = arith.muli %scan3A_342, %mul3A_410 : i32
        %add3A_412 = arith.constant 3 : i32
        %add3A_413 = arith.addi %mul3A_411, %add3A_412 : i32
        %mul3A_414 = arith.constant 16 : i32
        %mul3A_415 = arith.muli %add3A_413, %mul3A_414 : i32
        %get3A_416 = arith.index_cast %mul3A_415 : i32 to index
        %get3A_417 = tpu.vector_load %arg5[%get3A_416] {strides = array<i32>} : memref<4096xi32, #tpu.memory_space<vmem>>, vector<16xi32>,
        %shift_right_arithmetic3A_418 = arith.constant 22 : i32
        %shift_right_arithmetic3A_419 = vector.broadcast %shift_right_arithmetic3A_418 : i32 to vector<16xi32>
        %shift_right_arithmetic3A_420 = arith.shrsi %get3A_417, %shift_right_arithmetic3A_419 : vector<16xi32>
        %eq3A_421 = vector.broadcast %or3A : i32 to vector<16xi32>
        %eq3A_422 = arith.cmpi eq, %shift_right_arithmetic3A_420, %eq3A_421 : vector<16xi32>
        %shift_right_arithmetic3A_423 = arith.constant 14 : i32
        %shift_right_arithmetic3A_424 = vector.broadcast %shift_right_arithmetic3A_423 : i32 to vector<16xi32>
        %shift_right_arithmetic3A_425 = arith.shrsi %get3A_417, %shift_right_arithmetic3A_424 : vector<16xi32>
        %and3A_426 = arith.constant 255 : i32
        %and3A_427 = vector.broadcast %and3A_426 : i32 to vector<16xi32>
        %and3A_428 = arith.andi %shift_right_arithmetic3A_425, %and3A_427 : vector<16xi32>
        %mul3A_429 = arith.constant 16 : i32
        %mul3A_430 = vector.broadcast %mul3A_429 : i32 to vector<16xi32>
        %mul3A_431 = arith.muli %and3A_428, %mul3A_430 : vector<16xi32>
        %add3A_432 = arith.addi %mul3A_431, %iota3A : vector<16xi32>
        tpu.vector_store_idx %arg7[%add3A_432], %broadcast_in_dim3A_34 masked %eq3A_422 {add = true} : memref<4096xi32, #tpu.memory_space<vmem>>[vector<16xi32>], vector<16xi32>, vector<16xi1>
        %mul3A_433 = arith.constant 8 : i32
        %mul3A_434 = arith.muli %scan3A_342, %mul3A_433 : i32
        %add3A_435 = arith.constant 4 : i32
        %add3A_436 = arith.addi %mul3A_434, %add3A_435 : i32
        %mul3A_437 = arith.constant 16 : i32
        %mul3A_438 = arith.muli %add3A_436, %mul3A_437 : i32
        %get3A_439 = arith.index_cast %mul3A_438 : i32 to index
        %get3A_440 = tpu.vector_load %arg5[%get3A_439] {strides = array<i32>} : memref<4096xi32, #tpu.memory_space<vmem>>, vector<16xi32>,
        %shift_right_arithmetic3A_441 = arith.constant 22 : i32
        %shift_right_arithmetic3A_442 = vector.broadcast %shift_right_arithmetic3A_441 : i32 to vector<16xi32>
        %shift_right_arithmetic3A_443 = arith.shrsi %get3A_440, %shift_right_arithmetic3A_442 : vector<16xi32>
        %eq3A_444 = vector.broadcast %or3A : i32 to vector<16xi32>
        %eq3A_445 = arith.cmpi eq, %shift_right_arithmetic3A_443, %eq3A_444 : vector<16xi32>
        %shift_right_arithmetic3A_446 = arith.constant 14 : i32
        %shift_right_arithmetic3A_447 = vector.broadcast %shift_right_arithmetic3A_446 : i32 to vector<16xi32>
        %shift_right_arithmetic3A_448 = arith.shrsi %get3A_440, %shift_right_arithmetic3A_447 : vector<16xi32>
        %and3A_449 = arith.constant 255 : i32
        %and3A_450 = vector.broadcast %and3A_449 : i32 to vector<16xi32>
        %and3A_451 = arith.andi %shift_right_arithmetic3A_448, %and3A_450 : vector<16xi32>
        %mul3A_452 = arith.constant 16 : i32
        %mul3A_453 = vector.broadcast %mul3A_452 : i32 to vector<16xi32>
        %mul3A_454 = arith.muli %and3A_451, %mul3A_453 : vector<16xi32>
        %add3A_455 = arith.addi %mul3A_454, %iota3A : vector<16xi32>
        tpu.vector_store_idx %arg7[%add3A_455], %broadcast_in_dim3A_34 masked %eq3A_445 {add = true} : memref<4096xi32, #tpu.memory_space<vmem>>[vector<16xi32>], vector<16xi32>, vector<16xi1>
        %mul3A_456 = arith.constant 8 : i32
        %mul3A_457 = arith.muli %scan3A_342, %mul3A_456 : i32
        %add3A_458 = arith.constant 5 : i32
        %add3A_459 = arith.addi %mul3A_457, %add3A_458 : i32
        %mul3A_460 = arith.constant 16 : i32
        %mul3A_461 = arith.muli %add3A_459, %mul3A_460 : i32
        %get3A_462 = arith.index_cast %mul3A_461 : i32 to index
        %get3A_463 = tpu.vector_load %arg5[%get3A_462] {strides = array<i32>} : memref<4096xi32, #tpu.memory_space<vmem>>, vector<16xi32>,
        %shift_right_arithmetic3A_464 = arith.constant 22 : i32
        %shift_right_arithmetic3A_465 = vector.broadcast %shift_right_arithmetic3A_464 : i32 to vector<16xi32>
        %shift_right_arithmetic3A_466 = arith.shrsi %get3A_463, %shift_right_arithmetic3A_465 : vector<16xi32>
        %eq3A_467 = vector.broadcast %or3A : i32 to vector<16xi32>
        %eq3A_468 = arith.cmpi eq, %shift_right_arithmetic3A_466, %eq3A_467 : vector<16xi32>
        %shift_right_arithmetic3A_469 = arith.constant 14 : i32
        %shift_right_arithmetic3A_470 = vector.broadcast %shift_right_arithmetic3A_469 : i32 to vector<16xi32>
        %shift_right_arithmetic3A_471 = arith.shrsi %get3A_463, %shift_right_arithmetic3A_470 : vector<16xi32>
        %and3A_472 = arith.constant 255 : i32
        %and3A_473 = vector.broadcast %and3A_472 : i32 to vector<16xi32>
        %and3A_474 = arith.andi %shift_right_arithmetic3A_471, %and3A_473 : vector<16xi32>
        %mul3A_475 = arith.constant 16 : i32
        %mul3A_476 = vector.broadcast %mul3A_475 : i32 to vector<16xi32>
        %mul3A_477 = arith.muli %and3A_474, %mul3A_476 : vector<16xi32>
        %add3A_478 = arith.addi %mul3A_477, %iota3A : vector<16xi32>
        tpu.vector_store_idx %arg7[%add3A_478], %broadcast_in_dim3A_34 masked %eq3A_468 {add = true} : memref<4096xi32, #tpu.memory_space<vmem>>[vector<16xi32>], vector<16xi32>, vector<16xi1>
        %mul3A_479 = arith.constant 8 : i32
        %mul3A_480 = arith.muli %scan3A_342, %mul3A_479 : i32
        %add3A_481 = arith.constant 6 : i32
        %add3A_482 = arith.addi %mul3A_480, %add3A_481 : i32
        %mul3A_483 = arith.constant 16 : i32
        %mul3A_484 = arith.muli %add3A_482, %mul3A_483 : i32
        %get3A_485 = arith.index_cast %mul3A_484 : i32 to index
        %get3A_486 = tpu.vector_load %arg5[%get3A_485] {strides = array<i32>} : memref<4096xi32, #tpu.memory_space<vmem>>, vector<16xi32>,
        %shift_right_arithmetic3A_487 = arith.constant 22 : i32
        %shift_right_arithmetic3A_488 = vector.broadcast %shift_right_arithmetic3A_487 : i32 to vector<16xi32>
        %shift_right_arithmetic3A_489 = arith.shrsi %get3A_486, %shift_right_arithmetic3A_488 : vector<16xi32>
        %eq3A_490 = vector.broadcast %or3A : i32 to vector<16xi32>
        %eq3A_491 = arith.cmpi eq, %shift_right_arithmetic3A_489, %eq3A_490 : vector<16xi32>
        %shift_right_arithmetic3A_492 = arith.constant 14 : i32
        %shift_right_arithmetic3A_493 = vector.broadcast %shift_right_arithmetic3A_492 : i32 to vector<16xi32>
        %shift_right_arithmetic3A_494 = arith.shrsi %get3A_486, %shift_right_arithmetic3A_493 : vector<16xi32>
        %and3A_495 = arith.constant 255 : i32
        %and3A_496 = vector.broadcast %and3A_495 : i32 to vector<16xi32>
        %and3A_497 = arith.andi %shift_right_arithmetic3A_494, %and3A_496 : vector<16xi32>
        %mul3A_498 = arith.constant 16 : i32
        %mul3A_499 = vector.broadcast %mul3A_498 : i32 to vector<16xi32>
        %mul3A_500 = arith.muli %and3A_497, %mul3A_499 : vector<16xi32>
        %add3A_501 = arith.addi %mul3A_500, %iota3A : vector<16xi32>
        tpu.vector_store_idx %arg7[%add3A_501], %broadcast_in_dim3A_34 masked %eq3A_491 {add = true} : memref<4096xi32, #tpu.memory_space<vmem>>[vector<16xi32>], vector<16xi32>, vector<16xi1>
        %mul3A_502 = arith.constant 8 : i32
        %mul3A_503 = arith.muli %scan3A_342, %mul3A_502 : i32
        %add3A_504 = arith.constant 7 : i32
        %add3A_505 = arith.addi %mul3A_503, %add3A_504 : i32
        %mul3A_506 = arith.constant 16 : i32
        %mul3A_507 = arith.muli %add3A_505, %mul3A_506 : i32
        %get3A_508 = arith.index_cast %mul3A_507 : i32 to index
        %get3A_509 = tpu.vector_load %arg5[%get3A_508] {strides = array<i32>} : memref<4096xi32, #tpu.memory_space<vmem>>, vector<16xi32>,
        %shift_right_arithmetic3A_510 = arith.constant 22 : i32
        %shift_right_arithmetic3A_511 = vector.broadcast %shift_right_arithmetic3A_510 : i32 to vector<16xi32>
        %shift_right_arithmetic3A_512 = arith.shrsi %get3A_509, %shift_right_arithmetic3A_511 : vector<16xi32>
        %eq3A_513 = vector.broadcast %or3A : i32 to vector<16xi32>
        %eq3A_514 = arith.cmpi eq, %shift_right_arithmetic3A_512, %eq3A_513 : vector<16xi32>
        %shift_right_arithmetic3A_515 = arith.constant 14 : i32
        %shift_right_arithmetic3A_516 = vector.broadcast %shift_right_arithmetic3A_515 : i32 to vector<16xi32>
        %shift_right_arithmetic3A_517 = arith.shrsi %get3A_509, %shift_right_arithmetic3A_516 : vector<16xi32>
        %and3A_518 = arith.constant 255 : i32
        %and3A_519 = vector.broadcast %and3A_518 : i32 to vector<16xi32>
        %and3A_520 = arith.andi %shift_right_arithmetic3A_517, %and3A_519 : vector<16xi32>
        %mul3A_521 = arith.constant 16 : i32
        %mul3A_522 = vector.broadcast %mul3A_521 : i32 to vector<16xi32>
        %mul3A_523 = arith.muli %and3A_520, %mul3A_522 : vector<16xi32>
        %add3A_524 = arith.addi %mul3A_523, %iota3A : vector<16xi32>
        tpu.vector_store_idx %arg7[%add3A_524], %broadcast_in_dim3A_34 masked %eq3A_514 {add = true} : memref<4096xi32, #tpu.memory_space<vmem>>[vector<16xi32>], vector<16xi32>, vector<16xi1>
      }
      %scan3A_119 = arith.constant 32 : i32
      %scan3A_120 = arith.constant 0 : i32
      %scan3A_121 = arith.constant 16 : i32
      %scan3A_122 = arith.addi %scan3A_120, %scan3A_121 : i32
      %scan3A_123 = arith.constant 1 : i32
      %scan3A_124 = scf.for %scan3A_342 = %scan3A_120 to %scan3A_122 step %scan3A_123 iter_args(%scan3A_343 = %broadcast_in_dim3A_36) -> (vector<16xi32>)  : i32 {
        %mul3A_344 = arith.constant 256 : i32
        %mul3A_345 = arith.muli %scan3A_342, %mul3A_344 : i32
        %add3A_346 = arith.constant 0 : i32
        %add3A_347 = arith.addi %mul3A_345, %add3A_346 : i32
        %get3A = arith.index_cast %add3A_347 : i32 to index
        %get3A_348 = tpu.vector_load %arg7[%get3A] {strides = array<i32>} : memref<4096xi32, #tpu.memory_space<vmem>>, vector<16xi32>,
        %add3A_349 = arith.addi %broadcast_in_dim3A_36, %get3A_348 : vector<16xi32>
        %mul3A_350 = arith.constant 256 : i32
        %mul3A_351 = arith.muli %scan3A_342, %mul3A_350 : i32
        %add3A_352 = arith.constant 16 : i32
        %add3A_353 = arith.addi %mul3A_351, %add3A_352 : i32
        %get3A_354 = arith.index_cast %add3A_353 : i32 to index
        %get3A_355 = tpu.vector_load %arg7[%get3A_354] {strides = array<i32>} : memref<4096xi32, #tpu.memory_space<vmem>>, vector<16xi32>,
        %add3A_356 = arith.addi %add3A_349, %get3A_355 : vector<16xi32>
        %mul3A_357 = arith.constant 256 : i32
        %mul3A_358 = arith.muli %scan3A_342, %mul3A_357 : i32
        %add3A_359 = arith.constant 32 : i32
        %add3A_360 = arith.addi %mul3A_358, %add3A_359 : i32
        %get3A_361 = arith.index_cast %add3A_360 : i32 to index
        %get3A_362 = tpu.vector_load %arg7[%get3A_361] {strides = array<i32>} : memref<4096xi32, #tpu.memory_space<vmem>>, vector<16xi32>,
        %add3A_363 = arith.addi %add3A_356, %get3A_362 : vector<16xi32>
        %mul3A_364 = arith.constant 256 : i32
        %mul3A_365 = arith.muli %scan3A_342, %mul3A_364 : i32
        %add3A_366 = arith.constant 48 : i32
        %add3A_367 = arith.addi %mul3A_365, %add3A_366 : i32
        %get3A_368 = arith.index_cast %add3A_367 : i32 to index
        %get3A_369 = tpu.vector_load %arg7[%get3A_368] {strides = array<i32>} : memref<4096xi32, #tpu.memory_space<vmem>>, vector<16xi32>,
        %add3A_370 = arith.addi %add3A_363, %get3A_369 : vector<16xi32>
        %mul3A_371 = arith.constant 256 : i32
        %mul3A_372 = arith.muli %scan3A_342, %mul3A_371 : i32
        %add3A_373 = arith.constant 64 : i32
        %add3A_374 = arith.addi %mul3A_372, %add3A_373 : i32
        %get3A_375 = arith.index_cast %add3A_374 : i32 to index
        %get3A_376 = tpu.vector_load %arg7[%get3A_375] {strides = array<i32>} : memref<4096xi32, #tpu.memory_space<vmem>>, vector<16xi32>,
        %add3A_377 = arith.addi %add3A_370, %get3A_376 : vector<16xi32>
        %mul3A_378 = arith.constant 256 : i32
        %mul3A_379 = arith.muli %scan3A_342, %mul3A_378 : i32
        %add3A_380 = arith.constant 80 : i32
        %add3A_381 = arith.addi %mul3A_379, %add3A_380 : i32
        %get3A_382 = arith.index_cast %add3A_381 : i32 to index
        %get3A_383 = tpu.vector_load %arg7[%get3A_382] {strides = array<i32>} : memref<4096xi32, #tpu.memory_space<vmem>>, vector<16xi32>,
        %add3A_384 = arith.addi %add3A_377, %get3A_383 : vector<16xi32>
        %mul3A_385 = arith.constant 256 : i32
        %mul3A_386 = arith.muli %scan3A_342, %mul3A_385 : i32
        %add3A_387 = arith.constant 96 : i32
        %add3A_388 = arith.addi %mul3A_386, %add3A_387 : i32
        %get3A_389 = arith.index_cast %add3A_388 : i32 to index
        %get3A_390 = tpu.vector_load %arg7[%get3A_389] {strides = array<i32>} : memref<4096xi32, #tpu.memory_space<vmem>>, vector<16xi32>,
        %add3A_391 = arith.addi %add3A_384, %get3A_390 : vector<16xi32>
        %mul3A_392 = arith.constant 256 : i32
        %mul3A_393 = arith.muli %scan3A_342, %mul3A_392 : i32
        %add3A_394 = arith.constant 112 : i32
        %add3A_395 = arith.addi %mul3A_393, %add3A_394 : i32
        %get3A_396 = arith.index_cast %add3A_395 : i32 to index
        %get3A_397 = tpu.vector_load %arg7[%get3A_396] {strides = array<i32>} : memref<4096xi32, #tpu.memory_space<vmem>>, vector<16xi32>,
        %add3A_398 = arith.addi %add3A_391, %get3A_397 : vector<16xi32>
        %mul3A_399 = arith.constant 256 : i32
        %mul3A_400 = arith.muli %scan3A_342, %mul3A_399 : i32
        %add3A_401 = arith.constant 128 : i32
        %add3A_402 = arith.addi %mul3A_400, %add3A_401 : i32
        %get3A_403 = arith.index_cast %add3A_402 : i32 to index
        %get3A_404 = tpu.vector_load %arg7[%get3A_403] {strides = array<i32>} : memref<4096xi32, #tpu.memory_space<vmem>>, vector<16xi32>,
        %add3A_405 = arith.addi %add3A_398, %get3A_404 : vector<16xi32>
        %mul3A_406 = arith.constant 256 : i32
        %mul3A_407 = arith.muli %scan3A_342, %mul3A_406 : i32
        %add3A_408 = arith.constant 144 : i32
        %add3A_409 = arith.addi %mul3A_407, %add3A_408 : i32
        %get3A_410 = arith.index_cast %add3A_409 : i32 to index
        %get3A_411 = tpu.vector_load %arg7[%get3A_410] {strides = array<i32>} : memref<4096xi32, #tpu.memory_space<vmem>>, vector<16xi32>,
        %add3A_412 = arith.addi %add3A_405, %get3A_411 : vector<16xi32>
        %mul3A_413 = arith.constant 256 : i32
        %mul3A_414 = arith.muli %scan3A_342, %mul3A_413 : i32
        %add3A_415 = arith.constant 160 : i32
        %add3A_416 = arith.addi %mul3A_414, %add3A_415 : i32
        %get3A_417 = arith.index_cast %add3A_416 : i32 to index
        %get3A_418 = tpu.vector_load %arg7[%get3A_417] {strides = array<i32>} : memref<4096xi32, #tpu.memory_space<vmem>>, vector<16xi32>,
        %add3A_419 = arith.addi %add3A_412, %get3A_418 : vector<16xi32>
        %mul3A_420 = arith.constant 256 : i32
        %mul3A_421 = arith.muli %scan3A_342, %mul3A_420 : i32
        %add3A_422 = arith.constant 176 : i32
        %add3A_423 = arith.addi %mul3A_421, %add3A_422 : i32
        %get3A_424 = arith.index_cast %add3A_423 : i32 to index
        %get3A_425 = tpu.vector_load %arg7[%get3A_424] {strides = array<i32>} : memref<4096xi32, #tpu.memory_space<vmem>>, vector<16xi32>,
        %add3A_426 = arith.addi %add3A_419, %get3A_425 : vector<16xi32>
        %mul3A_427 = arith.constant 256 : i32
        %mul3A_428 = arith.muli %scan3A_342, %mul3A_427 : i32
        %add3A_429 = arith.constant 192 : i32
        %add3A_430 = arith.addi %mul3A_428, %add3A_429 : i32
        %get3A_431 = arith.index_cast %add3A_430 : i32 to index
        %get3A_432 = tpu.vector_load %arg7[%get3A_431] {strides = array<i32>} : memref<4096xi32, #tpu.memory_space<vmem>>, vector<16xi32>,
        %add3A_433 = arith.addi %add3A_426, %get3A_432 : vector<16xi32>
        %mul3A_434 = arith.constant 256 : i32
        %mul3A_435 = arith.muli %scan3A_342, %mul3A_434 : i32
        %add3A_436 = arith.constant 208 : i32
        %add3A_437 = arith.addi %mul3A_435, %add3A_436 : i32
        %get3A_438 = arith.index_cast %add3A_437 : i32 to index
        %get3A_439 = tpu.vector_load %arg7[%get3A_438] {strides = array<i32>} : memref<4096xi32, #tpu.memory_space<vmem>>, vector<16xi32>,
        %add3A_440 = arith.addi %add3A_433, %get3A_439 : vector<16xi32>
        %mul3A_441 = arith.constant 256 : i32
        %mul3A_442 = arith.muli %scan3A_342, %mul3A_441 : i32
        %add3A_443 = arith.constant 224 : i32
        %add3A_444 = arith.addi %mul3A_442, %add3A_443 : i32
        %get3A_445 = arith.index_cast %add3A_444 : i32 to index
        %get3A_446 = tpu.vector_load %arg7[%get3A_445] {strides = array<i32>} : memref<4096xi32, #tpu.memory_space<vmem>>, vector<16xi32>,
        %add3A_447 = arith.addi %add3A_440, %get3A_446 : vector<16xi32>
        %mul3A_448 = arith.constant 256 : i32
        %mul3A_449 = arith.muli %scan3A_342, %mul3A_448 : i32
        %add3A_450 = arith.constant 240 : i32
        %add3A_451 = arith.addi %mul3A_449, %add3A_450 : i32
        %get3A_452 = arith.index_cast %add3A_451 : i32 to index
        %get3A_453 = tpu.vector_load %arg7[%get3A_452] {strides = array<i32>} : memref<4096xi32, #tpu.memory_space<vmem>>, vector<16xi32>,
        %add3A_454 = arith.addi %add3A_447, %get3A_453 : vector<16xi32>
        %eq3A_455 = vector.broadcast %scan3A_342 : i32 to vector<16xi32>
        %eq3A_456 = arith.cmpi eq, %iota3A, %eq3A_455 : vector<16xi32>
        %reduce_sum3A_457 = arith.constant true
        %reduce_sum3A_458 = vector.broadcast %reduce_sum3A_457 : i1 to vector<16xi1>
        %reduce_sum3A_459 = tpu.scan <sum>, %add3A_454 masked %reduce_sum3A_458 : vector<16xi32>, vector<16xi1> -> vector<16xi32>
        %reduce_sum3A_460 = vector.extract %reduce_sum3A_459[15] : i32 from vector<16xi32>
        %broadcast_in_dim3A_461 = vector.broadcast %reduce_sum3A_460 : i32 to vector<16xi32>
        %select_n3A_462 = arith.select %eq3A_456, %broadcast_in_dim3A_461, %scan3A_343 : vector<16xi1>, vector<16xi32>
        scf.yield %select_n3A_462 : vector<16xi32>
      }
      %scan3A_125 = arith.constant 16 : i32
      %broadcast_in_dim3A_126 = arith.constant true
      %broadcast_in_dim3A_127 = vector.broadcast %broadcast_in_dim3A_126 : i1 to vector<16xi1>
      %masked_cumsum3A_128 = tpu.scan <sum>, %scan3A_124 masked %broadcast_in_dim3A_127 : vector<16xi32>, vector<16xi1> -> vector<16xi32>
      %ge3A_129 = vector.broadcast %sub3A_102 : i32 to vector<16xi32>
      %ge3A_130 = arith.cmpi sge, %masked_cumsum3A_128, %ge3A_129 : vector<16xi32>
      %all_reduce_ffs3A_131 = tpu.all_reduce %ge3A_130 {dim = 0 : i64, kind = #tpu.reduction_kind<find_first_set>} : vector<16xi1> -> vector<16xi32>
      %reduce_max3A_132 = arith.constant true
      %reduce_max3A_133 = vector.broadcast %reduce_max3A_132 : i1 to vector<16xi1>
      %reduce_max3A_134 = arith.constant -2147483648 : i32
      %reduce_max3A_135 = vector.broadcast %reduce_max3A_134 : i32 to vector<16xi32>
      %reduce_max3A_136 = arith.xori %all_reduce_ffs3A_131, %reduce_max3A_135 : vector<16xi32>
      %reduce_max3A_137 = tpu.scan <max>, %reduce_max3A_136 masked %reduce_max3A_133 : vector<16xi32>, vector<16xi1> -> vector<16xi32>
      %reduce_max3A_138 = arith.xori %reduce_max3A_137, %reduce_max3A_135 : vector<16xi32>
      %reduce_max3A_139 = vector.extract %reduce_max3A_138[15] : i32 from vector<16xi32>
      %eq3A_140 = vector.broadcast %reduce_max3A_139 : i32 to vector<16xi32>
      %eq3A_141 = arith.cmpi eq, %iota3A, %eq3A_140 : vector<16xi32>
      %sub3A_142 = arith.subi %masked_cumsum3A_128, %scan3A_124 : vector<16xi32>
      %select_n3A_143 = arith.select %eq3A_141, %sub3A_142, %broadcast_in_dim3A_36 : vector<16xi1>, vector<16xi32>
      %reduce_sum3A_144 = arith.constant true
      %reduce_sum3A_145 = vector.broadcast %reduce_sum3A_144 : i1 to vector<16xi1>
      %reduce_sum3A_146 = tpu.scan <sum>, %select_n3A_143 masked %reduce_sum3A_145 : vector<16xi32>, vector<16xi1> -> vector<16xi32>
      %reduce_sum3A_147 = vector.extract %reduce_sum3A_146[15] : i32 from vector<16xi32>
      %sub3A_148 = arith.subi %sub3A_102, %reduce_sum3A_147 : i32
      %scan3A_149 = arith.constant 0 : i32
      %scan3A_150 = arith.constant 16 : i32
      %scan3A_151 = arith.addi %scan3A_149, %scan3A_150 : i32
      %scan3A_152 = arith.constant 1 : i32
      %scan3A_153 = scf.for %scan3A_342 = %scan3A_149 to %scan3A_151 step %scan3A_152 iter_args(%scan3A_343 = %broadcast_in_dim3A_36) -> (vector<16xi32>)  : i32 {
        %mul3A_344 = arith.constant 16 : i32
        %mul3A_345 = arith.muli %reduce_max3A_139, %mul3A_344 : i32
        %add3A_346 = arith.addi %mul3A_345, %scan3A_342 : i32
        %mul3A_347 = arith.constant 16 : i32
        %mul3A_348 = arith.muli %add3A_346, %mul3A_347 : i32
        %get3A = arith.index_cast %mul3A_348 : i32 to index
        %get3A_349 = tpu.vector_load %arg7[%get3A] {strides = array<i32>} : memref<4096xi32, #tpu.memory_space<vmem>>, vector<16xi32>,
        %eq3A_350 = vector.broadcast %scan3A_342 : i32 to vector<16xi32>
        %eq3A_351 = arith.cmpi eq, %iota3A, %eq3A_350 : vector<16xi32>
        %reduce_sum3A_352 = arith.constant true
        %reduce_sum3A_353 = vector.broadcast %reduce_sum3A_352 : i1 to vector<16xi1>
        %reduce_sum3A_354 = tpu.scan <sum>, %get3A_349 masked %reduce_sum3A_353 : vector<16xi32>, vector<16xi1> -> vector<16xi32>
        %reduce_sum3A_355 = vector.extract %reduce_sum3A_354[15] : i32 from vector<16xi32>
        %broadcast_in_dim3A_356 = vector.broadcast %reduce_sum3A_355 : i32 to vector<16xi32>
        %select_n3A_357 = arith.select %eq3A_351, %broadcast_in_dim3A_356, %scan3A_343 : vector<16xi1>, vector<16xi32>
        scf.yield %select_n3A_357 : vector<16xi32>
      }
      %scan3A_154 = arith.constant 16 : i32
      %broadcast_in_dim3A_155 = arith.constant true
      %broadcast_in_dim3A_156 = vector.broadcast %broadcast_in_dim3A_155 : i1 to vector<16xi1>
      %masked_cumsum3A_157 = tpu.scan <sum>, %scan3A_153 masked %broadcast_in_dim3A_156 : vector<16xi32>, vector<16xi1> -> vector<16xi32>
      %ge3A_158 = vector.broadcast %sub3A_148 : i32 to vector<16xi32>
      %ge3A_159 = arith.cmpi sge, %masked_cumsum3A_157, %ge3A_158 : vector<16xi32>
      %all_reduce_ffs3A_160 = tpu.all_reduce %ge3A_159 {dim = 0 : i64, kind = #tpu.reduction_kind<find_first_set>} : vector<16xi1> -> vector<16xi32>
      %reduce_max3A_161 = arith.constant true
      %reduce_max3A_162 = vector.broadcast %reduce_max3A_161 : i1 to vector<16xi1>
      %reduce_max3A_163 = arith.constant -2147483648 : i32
      %reduce_max3A_164 = vector.broadcast %reduce_max3A_163 : i32 to vector<16xi32>
      %reduce_max3A_165 = arith.xori %all_reduce_ffs3A_160, %reduce_max3A_164 : vector<16xi32>
      %reduce_max3A_166 = tpu.scan <max>, %reduce_max3A_165 masked %reduce_max3A_162 : vector<16xi32>, vector<16xi1> -> vector<16xi32>
      %reduce_max3A_167 = arith.xori %reduce_max3A_166, %reduce_max3A_164 : vector<16xi32>
      %reduce_max3A_168 = vector.extract %reduce_max3A_167[15] : i32 from vector<16xi32>
      %eq3A_169 = vector.broadcast %reduce_max3A_168 : i32 to vector<16xi32>
      %eq3A_170 = arith.cmpi eq, %iota3A, %eq3A_169 : vector<16xi32>
      %sub3A_171 = arith.subi %masked_cumsum3A_157, %scan3A_153 : vector<16xi32>
      %select_n3A_172 = arith.select %eq3A_170, %sub3A_171, %broadcast_in_dim3A_36 : vector<16xi1>, vector<16xi32>
      %reduce_sum3A_173 = arith.constant true
      %reduce_sum3A_174 = vector.broadcast %reduce_sum3A_173 : i1 to vector<16xi1>
      %reduce_sum3A_175 = tpu.scan <sum>, %select_n3A_172 masked %reduce_sum3A_174 : vector<16xi32>, vector<16xi1> -> vector<16xi32>
      %reduce_sum3A_176 = vector.extract %reduce_sum3A_175[15] : i32 from vector<16xi32>
      %sub3A_177 = arith.subi %sub3A_148, %reduce_sum3A_176 : i32
      %shift_left3A_178 = arith.constant 8 : i32
      %shift_left3A_179 = arith.shli %or3A, %shift_left3A_178 : i32
      %mul3A_180 = arith.constant 16 : i32
      %mul3A_181 = arith.muli %reduce_max3A_139, %mul3A_180 : i32
      %add3A_182 = arith.addi %mul3A_181, %reduce_max3A_168 : i32
      %or3A_183 = arith.ori %shift_left3A_179, %add3A_182 : i32
      %scan3A_184 = arith.constant 0 : i32
      %scan3A_185 = arith.constant 0 : i32
      %scan3A_186 = arith.constant 32 : i32
      %scan3A_187 = arith.addi %scan3A_185, %scan3A_186 : i32
      %scan3A_188 = arith.constant 1 : i32
      scf.for %scan3A_342 = %scan3A_185 to %scan3A_187 step %scan3A_188  : i32 {
        %mul3A_343 = arith.constant 8 : i32
        %mul3A_344 = arith.muli %scan3A_342, %mul3A_343 : i32
        %add3A_345 = arith.constant 0 : i32
        %add3A_346 = arith.addi %mul3A_344, %add3A_345 : i32
        %mul3A_347 = arith.constant 16 : i32
        %mul3A_348 = arith.muli %add3A_346, %mul3A_347 : i32
        %swap3A = arith.index_cast %mul3A_348 : i32 to index
        %swap3A_349 = tpu.vector_load %arg7[%swap3A] {strides = array<i32>} : memref<4096xi32, #tpu.memory_space<vmem>>, vector<16xi32>,
        tpu.vector_store %arg7[%swap3A], %broadcast_in_dim3A_36 {strides = array<i32>} : memref<4096xi32, #tpu.memory_space<vmem>>, vector<16xi32>,
        %mul3A_350 = arith.constant 8 : i32
        %mul3A_351 = arith.muli %scan3A_342, %mul3A_350 : i32
        %add3A_352 = arith.constant 1 : i32
        %add3A_353 = arith.addi %mul3A_351, %add3A_352 : i32
        %mul3A_354 = arith.constant 16 : i32
        %mul3A_355 = arith.muli %add3A_353, %mul3A_354 : i32
        %swap3A_356 = arith.index_cast %mul3A_355 : i32 to index
        %swap3A_357 = tpu.vector_load %arg7[%swap3A_356] {strides = array<i32>} : memref<4096xi32, #tpu.memory_space<vmem>>, vector<16xi32>,
        tpu.vector_store %arg7[%swap3A_356], %broadcast_in_dim3A_36 {strides = array<i32>} : memref<4096xi32, #tpu.memory_space<vmem>>, vector<16xi32>,
        %mul3A_358 = arith.constant 8 : i32
        %mul3A_359 = arith.muli %scan3A_342, %mul3A_358 : i32
        %add3A_360 = arith.constant 2 : i32
        %add3A_361 = arith.addi %mul3A_359, %add3A_360 : i32
        %mul3A_362 = arith.constant 16 : i32
        %mul3A_363 = arith.muli %add3A_361, %mul3A_362 : i32
        %swap3A_364 = arith.index_cast %mul3A_363 : i32 to index
        %swap3A_365 = tpu.vector_load %arg7[%swap3A_364] {strides = array<i32>} : memref<4096xi32, #tpu.memory_space<vmem>>, vector<16xi32>,
        tpu.vector_store %arg7[%swap3A_364], %broadcast_in_dim3A_36 {strides = array<i32>} : memref<4096xi32, #tpu.memory_space<vmem>>, vector<16xi32>,
        %mul3A_366 = arith.constant 8 : i32
        %mul3A_367 = arith.muli %scan3A_342, %mul3A_366 : i32
        %add3A_368 = arith.constant 3 : i32
        %add3A_369 = arith.addi %mul3A_367, %add3A_368 : i32
        %mul3A_370 = arith.constant 16 : i32
        %mul3A_371 = arith.muli %add3A_369, %mul3A_370 : i32
        %swap3A_372 = arith.index_cast %mul3A_371 : i32 to index
        %swap3A_373 = tpu.vector_load %arg7[%swap3A_372] {strides = array<i32>} : memref<4096xi32, #tpu.memory_space<vmem>>, vector<16xi32>,
        tpu.vector_store %arg7[%swap3A_372], %broadcast_in_dim3A_36 {strides = array<i32>} : memref<4096xi32, #tpu.memory_space<vmem>>, vector<16xi32>,
        %mul3A_374 = arith.constant 8 : i32
        %mul3A_375 = arith.muli %scan3A_342, %mul3A_374 : i32
        %add3A_376 = arith.constant 4 : i32
        %add3A_377 = arith.addi %mul3A_375, %add3A_376 : i32
        %mul3A_378 = arith.constant 16 : i32
        %mul3A_379 = arith.muli %add3A_377, %mul3A_378 : i32
        %swap3A_380 = arith.index_cast %mul3A_379 : i32 to index
        %swap3A_381 = tpu.vector_load %arg7[%swap3A_380] {strides = array<i32>} : memref<4096xi32, #tpu.memory_space<vmem>>, vector<16xi32>,
        tpu.vector_store %arg7[%swap3A_380], %broadcast_in_dim3A_36 {strides = array<i32>} : memref<4096xi32, #tpu.memory_space<vmem>>, vector<16xi32>,
        %mul3A_382 = arith.constant 8 : i32
        %mul3A_383 = arith.muli %scan3A_342, %mul3A_382 : i32
        %add3A_384 = arith.constant 5 : i32
        %add3A_385 = arith.addi %mul3A_383, %add3A_384 : i32
        %mul3A_386 = arith.constant 16 : i32
        %mul3A_387 = arith.muli %add3A_385, %mul3A_386 : i32
        %swap3A_388 = arith.index_cast %mul3A_387 : i32 to index
        %swap3A_389 = tpu.vector_load %arg7[%swap3A_388] {strides = array<i32>} : memref<4096xi32, #tpu.memory_space<vmem>>, vector<16xi32>,
        tpu.vector_store %arg7[%swap3A_388], %broadcast_in_dim3A_36 {strides = array<i32>} : memref<4096xi32, #tpu.memory_space<vmem>>, vector<16xi32>,
        %mul3A_390 = arith.constant 8 : i32
        %mul3A_391 = arith.muli %scan3A_342, %mul3A_390 : i32
        %add3A_392 = arith.constant 6 : i32
        %add3A_393 = arith.addi %mul3A_391, %add3A_392 : i32
        %mul3A_394 = arith.constant 16 : i32
        %mul3A_395 = arith.muli %add3A_393, %mul3A_394 : i32
        %swap3A_396 = arith.index_cast %mul3A_395 : i32 to index
        %swap3A_397 = tpu.vector_load %arg7[%swap3A_396] {strides = array<i32>} : memref<4096xi32, #tpu.memory_space<vmem>>, vector<16xi32>,
        tpu.vector_store %arg7[%swap3A_396], %broadcast_in_dim3A_36 {strides = array<i32>} : memref<4096xi32, #tpu.memory_space<vmem>>, vector<16xi32>,
        %mul3A_398 = arith.constant 8 : i32
        %mul3A_399 = arith.muli %scan3A_342, %mul3A_398 : i32
        %add3A_400 = arith.constant 7 : i32
        %add3A_401 = arith.addi %mul3A_399, %add3A_400 : i32
        %mul3A_402 = arith.constant 16 : i32
        %mul3A_403 = arith.muli %add3A_401, %mul3A_402 : i32
        %swap3A_404 = arith.index_cast %mul3A_403 : i32 to index
        %swap3A_405 = tpu.vector_load %arg7[%swap3A_404] {strides = array<i32>} : memref<4096xi32, #tpu.memory_space<vmem>>, vector<16xi32>,
        tpu.vector_store %arg7[%swap3A_404], %broadcast_in_dim3A_36 {strides = array<i32>} : memref<4096xi32, #tpu.memory_space<vmem>>, vector<16xi32>,
      }
      %scan3A_189 = arith.constant 32 : i32
      %scan3A_190 = arith.constant 0 : i32
      %scan3A_191 = arith.constant 0 : i32
      %scan3A_192 = arith.constant 32 : i32
      %scan3A_193 = arith.addi %scan3A_191, %scan3A_192 : i32
      %scan3A_194 = arith.constant 1 : i32
      scf.for %scan3A_342 = %scan3A_191 to %scan3A_193 step %scan3A_194  : i32 {
        %mul3A_343 = arith.constant 8 : i32
        %mul3A_344 = arith.muli %scan3A_342, %mul3A_343 : i32
        %add3A_345 = arith.constant 0 : i32
        %add3A_346 = arith.addi %mul3A_344, %add3A_345 : i32
        %mul3A_347 = arith.constant 16 : i32
        %mul3A_348 = arith.muli %add3A_346, %mul3A_347 : i32
        %get3A = arith.index_cast %mul3A_348 : i32 to index
        %get3A_349 = tpu.vector_load %arg5[%get3A] {strides = array<i32>} : memref<4096xi32, #tpu.memory_space<vmem>>, vector<16xi32>,
        %shift_right_arithmetic3A = arith.constant 14 : i32
        %shift_right_arithmetic3A_350 = vector.broadcast %shift_right_arithmetic3A : i32 to vector<16xi32>
        %shift_right_arithmetic3A_351 = arith.shrsi %get3A_349, %shift_right_arithmetic3A_350 : vector<16xi32>
        %eq3A_352 = vector.broadcast %or3A_183 : i32 to vector<16xi32>
        %eq3A_353 = arith.cmpi eq, %shift_right_arithmetic3A_351, %eq3A_352 : vector<16xi32>
        %shift_right_arithmetic3A_354 = arith.constant 6 : i32
        %shift_right_arithmetic3A_355 = vector.broadcast %shift_right_arithmetic3A_354 : i32 to vector<16xi32>
        %shift_right_arithmetic3A_356 = arith.shrsi %get3A_349, %shift_right_arithmetic3A_355 : vector<16xi32>
        %and3A_357 = arith.constant 255 : i32
        %and3A_358 = vector.broadcast %and3A_357 : i32 to vector<16xi32>
        %and3A_359 = arith.andi %shift_right_arithmetic3A_356, %and3A_358 : vector<16xi32>
        %mul3A_360 = arith.constant 16 : i32
        %mul3A_361 = vector.broadcast %mul3A_360 : i32 to vector<16xi32>
        %mul3A_362 = arith.muli %and3A_359, %mul3A_361 : vector<16xi32>
        %add3A_363 = arith.addi %mul3A_362, %iota3A : vector<16xi32>
        tpu.vector_store_idx %arg7[%add3A_363], %broadcast_in_dim3A_34 masked %eq3A_353 {add = true} : memref<4096xi32, #tpu.memory_space<vmem>>[vector<16xi32>], vector<16xi32>, vector<16xi1>
        %mul3A_364 = arith.constant 8 : i32
        %mul3A_365 = arith.muli %scan3A_342, %mul3A_364 : i32
        %add3A_366 = arith.constant 1 : i32
        %add3A_367 = arith.addi %mul3A_365, %add3A_366 : i32
        %mul3A_368 = arith.constant 16 : i32
        %mul3A_369 = arith.muli %add3A_367, %mul3A_368 : i32
        %get3A_370 = arith.index_cast %mul3A_369 : i32 to index
        %get3A_371 = tpu.vector_load %arg5[%get3A_370] {strides = array<i32>} : memref<4096xi32, #tpu.memory_space<vmem>>, vector<16xi32>,
        %shift_right_arithmetic3A_372 = arith.constant 14 : i32
        %shift_right_arithmetic3A_373 = vector.broadcast %shift_right_arithmetic3A_372 : i32 to vector<16xi32>
        %shift_right_arithmetic3A_374 = arith.shrsi %get3A_371, %shift_right_arithmetic3A_373 : vector<16xi32>
        %eq3A_375 = vector.broadcast %or3A_183 : i32 to vector<16xi32>
        %eq3A_376 = arith.cmpi eq, %shift_right_arithmetic3A_374, %eq3A_375 : vector<16xi32>
        %shift_right_arithmetic3A_377 = arith.constant 6 : i32
        %shift_right_arithmetic3A_378 = vector.broadcast %shift_right_arithmetic3A_377 : i32 to vector<16xi32>
        %shift_right_arithmetic3A_379 = arith.shrsi %get3A_371, %shift_right_arithmetic3A_378 : vector<16xi32>
        %and3A_380 = arith.constant 255 : i32
        %and3A_381 = vector.broadcast %and3A_380 : i32 to vector<16xi32>
        %and3A_382 = arith.andi %shift_right_arithmetic3A_379, %and3A_381 : vector<16xi32>
        %mul3A_383 = arith.constant 16 : i32
        %mul3A_384 = vector.broadcast %mul3A_383 : i32 to vector<16xi32>
        %mul3A_385 = arith.muli %and3A_382, %mul3A_384 : vector<16xi32>
        %add3A_386 = arith.addi %mul3A_385, %iota3A : vector<16xi32>
        tpu.vector_store_idx %arg7[%add3A_386], %broadcast_in_dim3A_34 masked %eq3A_376 {add = true} : memref<4096xi32, #tpu.memory_space<vmem>>[vector<16xi32>], vector<16xi32>, vector<16xi1>
        %mul3A_387 = arith.constant 8 : i32
        %mul3A_388 = arith.muli %scan3A_342, %mul3A_387 : i32
        %add3A_389 = arith.constant 2 : i32
        %add3A_390 = arith.addi %mul3A_388, %add3A_389 : i32
        %mul3A_391 = arith.constant 16 : i32
        %mul3A_392 = arith.muli %add3A_390, %mul3A_391 : i32
        %get3A_393 = arith.index_cast %mul3A_392 : i32 to index
        %get3A_394 = tpu.vector_load %arg5[%get3A_393] {strides = array<i32>} : memref<4096xi32, #tpu.memory_space<vmem>>, vector<16xi32>,
        %shift_right_arithmetic3A_395 = arith.constant 14 : i32
        %shift_right_arithmetic3A_396 = vector.broadcast %shift_right_arithmetic3A_395 : i32 to vector<16xi32>
        %shift_right_arithmetic3A_397 = arith.shrsi %get3A_394, %shift_right_arithmetic3A_396 : vector<16xi32>
        %eq3A_398 = vector.broadcast %or3A_183 : i32 to vector<16xi32>
        %eq3A_399 = arith.cmpi eq, %shift_right_arithmetic3A_397, %eq3A_398 : vector<16xi32>
        %shift_right_arithmetic3A_400 = arith.constant 6 : i32
        %shift_right_arithmetic3A_401 = vector.broadcast %shift_right_arithmetic3A_400 : i32 to vector<16xi32>
        %shift_right_arithmetic3A_402 = arith.shrsi %get3A_394, %shift_right_arithmetic3A_401 : vector<16xi32>
        %and3A_403 = arith.constant 255 : i32
        %and3A_404 = vector.broadcast %and3A_403 : i32 to vector<16xi32>
        %and3A_405 = arith.andi %shift_right_arithmetic3A_402, %and3A_404 : vector<16xi32>
        %mul3A_406 = arith.constant 16 : i32
        %mul3A_407 = vector.broadcast %mul3A_406 : i32 to vector<16xi32>
        %mul3A_408 = arith.muli %and3A_405, %mul3A_407 : vector<16xi32>
        %add3A_409 = arith.addi %mul3A_408, %iota3A : vector<16xi32>
        tpu.vector_store_idx %arg7[%add3A_409], %broadcast_in_dim3A_34 masked %eq3A_399 {add = true} : memref<4096xi32, #tpu.memory_space<vmem>>[vector<16xi32>], vector<16xi32>, vector<16xi1>
        %mul3A_410 = arith.constant 8 : i32
        %mul3A_411 = arith.muli %scan3A_342, %mul3A_410 : i32
        %add3A_412 = arith.constant 3 : i32
        %add3A_413 = arith.addi %mul3A_411, %add3A_412 : i32
        %mul3A_414 = arith.constant 16 : i32
        %mul3A_415 = arith.muli %add3A_413, %mul3A_414 : i32
        %get3A_416 = arith.index_cast %mul3A_415 : i32 to index
        %get3A_417 = tpu.vector_load %arg5[%get3A_416] {strides = array<i32>} : memref<4096xi32, #tpu.memory_space<vmem>>, vector<16xi32>,
        %shift_right_arithmetic3A_418 = arith.constant 14 : i32
        %shift_right_arithmetic3A_419 = vector.broadcast %shift_right_arithmetic3A_418 : i32 to vector<16xi32>
        %shift_right_arithmetic3A_420 = arith.shrsi %get3A_417, %shift_right_arithmetic3A_419 : vector<16xi32>
        %eq3A_421 = vector.broadcast %or3A_183 : i32 to vector<16xi32>
        %eq3A_422 = arith.cmpi eq, %shift_right_arithmetic3A_420, %eq3A_421 : vector<16xi32>
        %shift_right_arithmetic3A_423 = arith.constant 6 : i32
        %shift_right_arithmetic3A_424 = vector.broadcast %shift_right_arithmetic3A_423 : i32 to vector<16xi32>
        %shift_right_arithmetic3A_425 = arith.shrsi %get3A_417, %shift_right_arithmetic3A_424 : vector<16xi32>
        %and3A_426 = arith.constant 255 : i32
        %and3A_427 = vector.broadcast %and3A_426 : i32 to vector<16xi32>
        %and3A_428 = arith.andi %shift_right_arithmetic3A_425, %and3A_427 : vector<16xi32>
        %mul3A_429 = arith.constant 16 : i32
        %mul3A_430 = vector.broadcast %mul3A_429 : i32 to vector<16xi32>
        %mul3A_431 = arith.muli %and3A_428, %mul3A_430 : vector<16xi32>
        %add3A_432 = arith.addi %mul3A_431, %iota3A : vector<16xi32>
        tpu.vector_store_idx %arg7[%add3A_432], %broadcast_in_dim3A_34 masked %eq3A_422 {add = true} : memref<4096xi32, #tpu.memory_space<vmem>>[vector<16xi32>], vector<16xi32>, vector<16xi1>
        %mul3A_433 = arith.constant 8 : i32
        %mul3A_434 = arith.muli %scan3A_342, %mul3A_433 : i32
        %add3A_435 = arith.constant 4 : i32
        %add3A_436 = arith.addi %mul3A_434, %add3A_435 : i32
        %mul3A_437 = arith.constant 16 : i32
        %mul3A_438 = arith.muli %add3A_436, %mul3A_437 : i32
        %get3A_439 = arith.index_cast %mul3A_438 : i32 to index
        %get3A_440 = tpu.vector_load %arg5[%get3A_439] {strides = array<i32>} : memref<4096xi32, #tpu.memory_space<vmem>>, vector<16xi32>,
        %shift_right_arithmetic3A_441 = arith.constant 14 : i32
        %shift_right_arithmetic3A_442 = vector.broadcast %shift_right_arithmetic3A_441 : i32 to vector<16xi32>
        %shift_right_arithmetic3A_443 = arith.shrsi %get3A_440, %shift_right_arithmetic3A_442 : vector<16xi32>
        %eq3A_444 = vector.broadcast %or3A_183 : i32 to vector<16xi32>
        %eq3A_445 = arith.cmpi eq, %shift_right_arithmetic3A_443, %eq3A_444 : vector<16xi32>
        %shift_right_arithmetic3A_446 = arith.constant 6 : i32
        %shift_right_arithmetic3A_447 = vector.broadcast %shift_right_arithmetic3A_446 : i32 to vector<16xi32>
        %shift_right_arithmetic3A_448 = arith.shrsi %get3A_440, %shift_right_arithmetic3A_447 : vector<16xi32>
        %and3A_449 = arith.constant 255 : i32
        %and3A_450 = vector.broadcast %and3A_449 : i32 to vector<16xi32>
        %and3A_451 = arith.andi %shift_right_arithmetic3A_448, %and3A_450 : vector<16xi32>
        %mul3A_452 = arith.constant 16 : i32
        %mul3A_453 = vector.broadcast %mul3A_452 : i32 to vector<16xi32>
        %mul3A_454 = arith.muli %and3A_451, %mul3A_453 : vector<16xi32>
        %add3A_455 = arith.addi %mul3A_454, %iota3A : vector<16xi32>
        tpu.vector_store_idx %arg7[%add3A_455], %broadcast_in_dim3A_34 masked %eq3A_445 {add = true} : memref<4096xi32, #tpu.memory_space<vmem>>[vector<16xi32>], vector<16xi32>, vector<16xi1>
        %mul3A_456 = arith.constant 8 : i32
        %mul3A_457 = arith.muli %scan3A_342, %mul3A_456 : i32
        %add3A_458 = arith.constant 5 : i32
        %add3A_459 = arith.addi %mul3A_457, %add3A_458 : i32
        %mul3A_460 = arith.constant 16 : i32
        %mul3A_461 = arith.muli %add3A_459, %mul3A_460 : i32
        %get3A_462 = arith.index_cast %mul3A_461 : i32 to index
        %get3A_463 = tpu.vector_load %arg5[%get3A_462] {strides = array<i32>} : memref<4096xi32, #tpu.memory_space<vmem>>, vector<16xi32>,
        %shift_right_arithmetic3A_464 = arith.constant 14 : i32
        %shift_right_arithmetic3A_465 = vector.broadcast %shift_right_arithmetic3A_464 : i32 to vector<16xi32>
        %shift_right_arithmetic3A_466 = arith.shrsi %get3A_463, %shift_right_arithmetic3A_465 : vector<16xi32>
        %eq3A_467 = vector.broadcast %or3A_183 : i32 to vector<16xi32>
        %eq3A_468 = arith.cmpi eq, %shift_right_arithmetic3A_466, %eq3A_467 : vector<16xi32>
        %shift_right_arithmetic3A_469 = arith.constant 6 : i32
        %shift_right_arithmetic3A_470 = vector.broadcast %shift_right_arithmetic3A_469 : i32 to vector<16xi32>
        %shift_right_arithmetic3A_471 = arith.shrsi %get3A_463, %shift_right_arithmetic3A_470 : vector<16xi32>
        %and3A_472 = arith.constant 255 : i32
        %and3A_473 = vector.broadcast %and3A_472 : i32 to vector<16xi32>
        %and3A_474 = arith.andi %shift_right_arithmetic3A_471, %and3A_473 : vector<16xi32>
        %mul3A_475 = arith.constant 16 : i32
        %mul3A_476 = vector.broadcast %mul3A_475 : i32 to vector<16xi32>
        %mul3A_477 = arith.muli %and3A_474, %mul3A_476 : vector<16xi32>
        %add3A_478 = arith.addi %mul3A_477, %iota3A : vector<16xi32>
        tpu.vector_store_idx %arg7[%add3A_478], %broadcast_in_dim3A_34 masked %eq3A_468 {add = true} : memref<4096xi32, #tpu.memory_space<vmem>>[vector<16xi32>], vector<16xi32>, vector<16xi1>
        %mul3A_479 = arith.constant 8 : i32
        %mul3A_480 = arith.muli %scan3A_342, %mul3A_479 : i32
        %add3A_481 = arith.constant 6 : i32
        %add3A_482 = arith.addi %mul3A_480, %add3A_481 : i32
        %mul3A_483 = arith.constant 16 : i32
        %mul3A_484 = arith.muli %add3A_482, %mul3A_483 : i32
        %get3A_485 = arith.index_cast %mul3A_484 : i32 to index
        %get3A_486 = tpu.vector_load %arg5[%get3A_485] {strides = array<i32>} : memref<4096xi32, #tpu.memory_space<vmem>>, vector<16xi32>,
        %shift_right_arithmetic3A_487 = arith.constant 14 : i32
        %shift_right_arithmetic3A_488 = vector.broadcast %shift_right_arithmetic3A_487 : i32 to vector<16xi32>
        %shift_right_arithmetic3A_489 = arith.shrsi %get3A_486, %shift_right_arithmetic3A_488 : vector<16xi32>
        %eq3A_490 = vector.broadcast %or3A_183 : i32 to vector<16xi32>
        %eq3A_491 = arith.cmpi eq, %shift_right_arithmetic3A_489, %eq3A_490 : vector<16xi32>
        %shift_right_arithmetic3A_492 = arith.constant 6 : i32
        %shift_right_arithmetic3A_493 = vector.broadcast %shift_right_arithmetic3A_492 : i32 to vector<16xi32>
        %shift_right_arithmetic3A_494 = arith.shrsi %get3A_486, %shift_right_arithmetic3A_493 : vector<16xi32>
        %and3A_495 = arith.constant 255 : i32
        %and3A_496 = vector.broadcast %and3A_495 : i32 to vector<16xi32>
        %and3A_497 = arith.andi %shift_right_arithmetic3A_494, %and3A_496 : vector<16xi32>
        %mul3A_498 = arith.constant 16 : i32
        %mul3A_499 = vector.broadcast %mul3A_498 : i32 to vector<16xi32>
        %mul3A_500 = arith.muli %and3A_497, %mul3A_499 : vector<16xi32>
        %add3A_501 = arith.addi %mul3A_500, %iota3A : vector<16xi32>
        tpu.vector_store_idx %arg7[%add3A_501], %broadcast_in_dim3A_34 masked %eq3A_491 {add = true} : memref<4096xi32, #tpu.memory_space<vmem>>[vector<16xi32>], vector<16xi32>, vector<16xi1>
        %mul3A_502 = arith.constant 8 : i32
        %mul3A_503 = arith.muli %scan3A_342, %mul3A_502 : i32
        %add3A_504 = arith.constant 7 : i32
        %add3A_505 = arith.addi %mul3A_503, %add3A_504 : i32
        %mul3A_506 = arith.constant 16 : i32
        %mul3A_507 = arith.muli %add3A_505, %mul3A_506 : i32
        %get3A_508 = arith.index_cast %mul3A_507 : i32 to index
        %get3A_509 = tpu.vector_load %arg5[%get3A_508] {strides = array<i32>} : memref<4096xi32, #tpu.memory_space<vmem>>, vector<16xi32>,
        %shift_right_arithmetic3A_510 = arith.constant 14 : i32
        %shift_right_arithmetic3A_511 = vector.broadcast %shift_right_arithmetic3A_510 : i32 to vector<16xi32>
        %shift_right_arithmetic3A_512 = arith.shrsi %get3A_509, %shift_right_arithmetic3A_511 : vector<16xi32>
        %eq3A_513 = vector.broadcast %or3A_183 : i32 to vector<16xi32>
        %eq3A_514 = arith.cmpi eq, %shift_right_arithmetic3A_512, %eq3A_513 : vector<16xi32>
        %shift_right_arithmetic3A_515 = arith.constant 6 : i32
        %shift_right_arithmetic3A_516 = vector.broadcast %shift_right_arithmetic3A_515 : i32 to vector<16xi32>
        %shift_right_arithmetic3A_517 = arith.shrsi %get3A_509, %shift_right_arithmetic3A_516 : vector<16xi32>
        %and3A_518 = arith.constant 255 : i32
        %and3A_519 = vector.broadcast %and3A_518 : i32 to vector<16xi32>
        %and3A_520 = arith.andi %shift_right_arithmetic3A_517, %and3A_519 : vector<16xi32>
        %mul3A_521 = arith.constant 16 : i32
        %mul3A_522 = vector.broadcast %mul3A_521 : i32 to vector<16xi32>
        %mul3A_523 = arith.muli %and3A_520, %mul3A_522 : vector<16xi32>
        %add3A_524 = arith.addi %mul3A_523, %iota3A : vector<16xi32>
        tpu.vector_store_idx %arg7[%add3A_524], %broadcast_in_dim3A_34 masked %eq3A_514 {add = true} : memref<4096xi32, #tpu.memory_space<vmem>>[vector<16xi32>], vector<16xi32>, vector<16xi1>
      }
      %scan3A_195 = arith.constant 32 : i32
      %scan3A_196 = arith.constant 0 : i32
      %scan3A_197 = arith.constant 16 : i32
      %scan3A_198 = arith.addi %scan3A_196, %scan3A_197 : i32
      %scan3A_199 = arith.constant 1 : i32
      %scan3A_200 = scf.for %scan3A_342 = %scan3A_196 to %scan3A_198 step %scan3A_199 iter_args(%scan3A_343 = %broadcast_in_dim3A_36) -> (vector<16xi32>)  : i32 {
        %mul3A_344 = arith.constant 256 : i32
        %mul3A_345 = arith.muli %scan3A_342, %mul3A_344 : i32
        %add3A_346 = arith.constant 0 : i32
        %add3A_347 = arith.addi %mul3A_345, %add3A_346 : i32
        %get3A = arith.index_cast %add3A_347 : i32 to index
        %get3A_348 = tpu.vector_load %arg7[%get3A] {strides = array<i32>} : memref<4096xi32, #tpu.memory_space<vmem>>, vector<16xi32>,
        %add3A_349 = arith.addi %broadcast_in_dim3A_36, %get3A_348 : vector<16xi32>
        %mul3A_350 = arith.constant 256 : i32
        %mul3A_351 = arith.muli %scan3A_342, %mul3A_350 : i32
        %add3A_352 = arith.constant 16 : i32
        %add3A_353 = arith.addi %mul3A_351, %add3A_352 : i32
        %get3A_354 = arith.index_cast %add3A_353 : i32 to index
        %get3A_355 = tpu.vector_load %arg7[%get3A_354] {strides = array<i32>} : memref<4096xi32, #tpu.memory_space<vmem>>, vector<16xi32>,
        %add3A_356 = arith.addi %add3A_349, %get3A_355 : vector<16xi32>
        %mul3A_357 = arith.constant 256 : i32
        %mul3A_358 = arith.muli %scan3A_342, %mul3A_357 : i32
        %add3A_359 = arith.constant 32 : i32
        %add3A_360 = arith.addi %mul3A_358, %add3A_359 : i32
        %get3A_361 = arith.index_cast %add3A_360 : i32 to index
        %get3A_362 = tpu.vector_load %arg7[%get3A_361] {strides = array<i32>} : memref<4096xi32, #tpu.memory_space<vmem>>, vector<16xi32>,
        %add3A_363 = arith.addi %add3A_356, %get3A_362 : vector<16xi32>
        %mul3A_364 = arith.constant 256 : i32
        %mul3A_365 = arith.muli %scan3A_342, %mul3A_364 : i32
        %add3A_366 = arith.constant 48 : i32
        %add3A_367 = arith.addi %mul3A_365, %add3A_366 : i32
        %get3A_368 = arith.index_cast %add3A_367 : i32 to index
        %get3A_369 = tpu.vector_load %arg7[%get3A_368] {strides = array<i32>} : memref<4096xi32, #tpu.memory_space<vmem>>, vector<16xi32>,
        %add3A_370 = arith.addi %add3A_363, %get3A_369 : vector<16xi32>
        %mul3A_371 = arith.constant 256 : i32
        %mul3A_372 = arith.muli %scan3A_342, %mul3A_371 : i32
        %add3A_373 = arith.constant 64 : i32
        %add3A_374 = arith.addi %mul3A_372, %add3A_373 : i32
        %get3A_375 = arith.index_cast %add3A_374 : i32 to index
        %get3A_376 = tpu.vector_load %arg7[%get3A_375] {strides = array<i32>} : memref<4096xi32, #tpu.memory_space<vmem>>, vector<16xi32>,
        %add3A_377 = arith.addi %add3A_370, %get3A_376 : vector<16xi32>
        %mul3A_378 = arith.constant 256 : i32
        %mul3A_379 = arith.muli %scan3A_342, %mul3A_378 : i32
        %add3A_380 = arith.constant 80 : i32
        %add3A_381 = arith.addi %mul3A_379, %add3A_380 : i32
        %get3A_382 = arith.index_cast %add3A_381 : i32 to index
        %get3A_383 = tpu.vector_load %arg7[%get3A_382] {strides = array<i32>} : memref<4096xi32, #tpu.memory_space<vmem>>, vector<16xi32>,
        %add3A_384 = arith.addi %add3A_377, %get3A_383 : vector<16xi32>
        %mul3A_385 = arith.constant 256 : i32
        %mul3A_386 = arith.muli %scan3A_342, %mul3A_385 : i32
        %add3A_387 = arith.constant 96 : i32
        %add3A_388 = arith.addi %mul3A_386, %add3A_387 : i32
        %get3A_389 = arith.index_cast %add3A_388 : i32 to index
        %get3A_390 = tpu.vector_load %arg7[%get3A_389] {strides = array<i32>} : memref<4096xi32, #tpu.memory_space<vmem>>, vector<16xi32>,
        %add3A_391 = arith.addi %add3A_384, %get3A_390 : vector<16xi32>
        %mul3A_392 = arith.constant 256 : i32
        %mul3A_393 = arith.muli %scan3A_342, %mul3A_392 : i32
        %add3A_394 = arith.constant 112 : i32
        %add3A_395 = arith.addi %mul3A_393, %add3A_394 : i32
        %get3A_396 = arith.index_cast %add3A_395 : i32 to index
        %get3A_397 = tpu.vector_load %arg7[%get3A_396] {strides = array<i32>} : memref<4096xi32, #tpu.memory_space<vmem>>, vector<16xi32>,
        %add3A_398 = arith.addi %add3A_391, %get3A_397 : vector<16xi32>
        %mul3A_399 = arith.constant 256 : i32
        %mul3A_400 = arith.muli %scan3A_342, %mul3A_399 : i32
        %add3A_401 = arith.constant 128 : i32
        %add3A_402 = arith.addi %mul3A_400, %add3A_401 : i32
        %get3A_403 = arith.index_cast %add3A_402 : i32 to index
        %get3A_404 = tpu.vector_load %arg7[%get3A_403] {strides = array<i32>} : memref<4096xi32, #tpu.memory_space<vmem>>, vector<16xi32>,
        %add3A_405 = arith.addi %add3A_398, %get3A_404 : vector<16xi32>
        %mul3A_406 = arith.constant 256 : i32
        %mul3A_407 = arith.muli %scan3A_342, %mul3A_406 : i32
        %add3A_408 = arith.constant 144 : i32
        %add3A_409 = arith.addi %mul3A_407, %add3A_408 : i32
        %get3A_410 = arith.index_cast %add3A_409 : i32 to index
        %get3A_411 = tpu.vector_load %arg7[%get3A_410] {strides = array<i32>} : memref<4096xi32, #tpu.memory_space<vmem>>, vector<16xi32>,
        %add3A_412 = arith.addi %add3A_405, %get3A_411 : vector<16xi32>
        %mul3A_413 = arith.constant 256 : i32
        %mul3A_414 = arith.muli %scan3A_342, %mul3A_413 : i32
        %add3A_415 = arith.constant 160 : i32
        %add3A_416 = arith.addi %mul3A_414, %add3A_415 : i32
        %get3A_417 = arith.index_cast %add3A_416 : i32 to index
        %get3A_418 = tpu.vector_load %arg7[%get3A_417] {strides = array<i32>} : memref<4096xi32, #tpu.memory_space<vmem>>, vector<16xi32>,
        %add3A_419 = arith.addi %add3A_412, %get3A_418 : vector<16xi32>
        %mul3A_420 = arith.constant 256 : i32
        %mul3A_421 = arith.muli %scan3A_342, %mul3A_420 : i32
        %add3A_422 = arith.constant 176 : i32
        %add3A_423 = arith.addi %mul3A_421, %add3A_422 : i32
        %get3A_424 = arith.index_cast %add3A_423 : i32 to index
        %get3A_425 = tpu.vector_load %arg7[%get3A_424] {strides = array<i32>} : memref<4096xi32, #tpu.memory_space<vmem>>, vector<16xi32>,
        %add3A_426 = arith.addi %add3A_419, %get3A_425 : vector<16xi32>
        %mul3A_427 = arith.constant 256 : i32
        %mul3A_428 = arith.muli %scan3A_342, %mul3A_427 : i32
        %add3A_429 = arith.constant 192 : i32
        %add3A_430 = arith.addi %mul3A_428, %add3A_429 : i32
        %get3A_431 = arith.index_cast %add3A_430 : i32 to index
        %get3A_432 = tpu.vector_load %arg7[%get3A_431] {strides = array<i32>} : memref<4096xi32, #tpu.memory_space<vmem>>, vector<16xi32>,
        %add3A_433 = arith.addi %add3A_426, %get3A_432 : vector<16xi32>
        %mul3A_434 = arith.constant 256 : i32
        %mul3A_435 = arith.muli %scan3A_342, %mul3A_434 : i32
        %add3A_436 = arith.constant 208 : i32
        %add3A_437 = arith.addi %mul3A_435, %add3A_436 : i32
        %get3A_438 = arith.index_cast %add3A_437 : i32 to index
        %get3A_439 = tpu.vector_load %arg7[%get3A_438] {strides = array<i32>} : memref<4096xi32, #tpu.memory_space<vmem>>, vector<16xi32>,
        %add3A_440 = arith.addi %add3A_433, %get3A_439 : vector<16xi32>
        %mul3A_441 = arith.constant 256 : i32
        %mul3A_442 = arith.muli %scan3A_342, %mul3A_441 : i32
        %add3A_443 = arith.constant 224 : i32
        %add3A_444 = arith.addi %mul3A_442, %add3A_443 : i32
        %get3A_445 = arith.index_cast %add3A_444 : i32 to index
        %get3A_446 = tpu.vector_load %arg7[%get3A_445] {strides = array<i32>} : memref<4096xi32, #tpu.memory_space<vmem>>, vector<16xi32>,
        %add3A_447 = arith.addi %add3A_440, %get3A_446 : vector<16xi32>
        %mul3A_448 = arith.constant 256 : i32
        %mul3A_449 = arith.muli %scan3A_342, %mul3A_448 : i32
        %add3A_450 = arith.constant 240 : i32
        %add3A_451 = arith.addi %mul3A_449, %add3A_450 : i32
        %get3A_452 = arith.index_cast %add3A_451 : i32 to index
        %get3A_453 = tpu.vector_load %arg7[%get3A_452] {strides = array<i32>} : memref<4096xi32, #tpu.memory_space<vmem>>, vector<16xi32>,
        %add3A_454 = arith.addi %add3A_447, %get3A_453 : vector<16xi32>
        %eq3A_455 = vector.broadcast %scan3A_342 : i32 to vector<16xi32>
        %eq3A_456 = arith.cmpi eq, %iota3A, %eq3A_455 : vector<16xi32>
        %reduce_sum3A_457 = arith.constant true
        %reduce_sum3A_458 = vector.broadcast %reduce_sum3A_457 : i1 to vector<16xi1>
        %reduce_sum3A_459 = tpu.scan <sum>, %add3A_454 masked %reduce_sum3A_458 : vector<16xi32>, vector<16xi1> -> vector<16xi32>
        %reduce_sum3A_460 = vector.extract %reduce_sum3A_459[15] : i32 from vector<16xi32>
        %broadcast_in_dim3A_461 = vector.broadcast %reduce_sum3A_460 : i32 to vector<16xi32>
        %select_n3A_462 = arith.select %eq3A_456, %broadcast_in_dim3A_461, %scan3A_343 : vector<16xi1>, vector<16xi32>
        scf.yield %select_n3A_462 : vector<16xi32>
      }
      %scan3A_201 = arith.constant 16 : i32
      %broadcast_in_dim3A_202 = arith.constant true
      %broadcast_in_dim3A_203 = vector.broadcast %broadcast_in_dim3A_202 : i1 to vector<16xi1>
      %masked_cumsum3A_204 = tpu.scan <sum>, %scan3A_200 masked %broadcast_in_dim3A_203 : vector<16xi32>, vector<16xi1> -> vector<16xi32>
      %ge3A_205 = vector.broadcast %sub3A_177 : i32 to vector<16xi32>
      %ge3A_206 = arith.cmpi sge, %masked_cumsum3A_204, %ge3A_205 : vector<16xi32>
      %all_reduce_ffs3A_207 = tpu.all_reduce %ge3A_206 {dim = 0 : i64, kind = #tpu.reduction_kind<find_first_set>} : vector<16xi1> -> vector<16xi32>
      %reduce_max3A_208 = arith.constant true
      %reduce_max3A_209 = vector.broadcast %reduce_max3A_208 : i1 to vector<16xi1>
      %reduce_max3A_210 = arith.constant -2147483648 : i32
      %reduce_max3A_211 = vector.broadcast %reduce_max3A_210 : i32 to vector<16xi32>
      %reduce_max3A_212 = arith.xori %all_reduce_ffs3A_207, %reduce_max3A_211 : vector<16xi32>
      %reduce_max3A_213 = tpu.scan <max>, %reduce_max3A_212 masked %reduce_max3A_209 : vector<16xi32>, vector<16xi1> -> vector<16xi32>
      %reduce_max3A_214 = arith.xori %reduce_max3A_213, %reduce_max3A_211 : vector<16xi32>
      %reduce_max3A_215 = vector.extract %reduce_max3A_214[15] : i32 from vector<16xi32>
      %eq3A_216 = vector.broadcast %reduce_max3A_215 : i32 to vector<16xi32>
      %eq3A_217 = arith.cmpi eq, %iota3A, %eq3A_216 : vector<16xi32>
      %sub3A_218 = arith.subi %masked_cumsum3A_204, %scan3A_200 : vector<16xi32>
      %select_n3A_219 = arith.select %eq3A_217, %sub3A_218, %broadcast_in_dim3A_36 : vector<16xi1>, vector<16xi32>
      %reduce_sum3A_220 = arith.constant true
      %reduce_sum3A_221 = vector.broadcast %reduce_sum3A_220 : i1 to vector<16xi1>
      %reduce_sum3A_222 = tpu.scan <sum>, %select_n3A_219 masked %reduce_sum3A_221 : vector<16xi32>, vector<16xi1> -> vector<16xi32>
      %reduce_sum3A_223 = vector.extract %reduce_sum3A_222[15] : i32 from vector<16xi32>
      %sub3A_224 = arith.subi %sub3A_177, %reduce_sum3A_223 : i32
      %scan3A_225 = arith.constant 0 : i32
      %scan3A_226 = arith.constant 16 : i32
      %scan3A_227 = arith.addi %scan3A_225, %scan3A_226 : i32
      %scan3A_228 = arith.constant 1 : i32
      %scan3A_229 = scf.for %scan3A_342 = %scan3A_225 to %scan3A_227 step %scan3A_228 iter_args(%scan3A_343 = %broadcast_in_dim3A_36) -> (vector<16xi32>)  : i32 {
        %mul3A_344 = arith.constant 16 : i32
        %mul3A_345 = arith.muli %reduce_max3A_215, %mul3A_344 : i32
        %add3A_346 = arith.addi %mul3A_345, %scan3A_342 : i32
        %mul3A_347 = arith.constant 16 : i32
        %mul3A_348 = arith.muli %add3A_346, %mul3A_347 : i32
        %get3A = arith.index_cast %mul3A_348 : i32 to index
        %get3A_349 = tpu.vector_load %arg7[%get3A] {strides = array<i32>} : memref<4096xi32, #tpu.memory_space<vmem>>, vector<16xi32>,
        %eq3A_350 = vector.broadcast %scan3A_342 : i32 to vector<16xi32>
        %eq3A_351 = arith.cmpi eq, %iota3A, %eq3A_350 : vector<16xi32>
        %reduce_sum3A_352 = arith.constant true
        %reduce_sum3A_353 = vector.broadcast %reduce_sum3A_352 : i1 to vector<16xi1>
        %reduce_sum3A_354 = tpu.scan <sum>, %get3A_349 masked %reduce_sum3A_353 : vector<16xi32>, vector<16xi1> -> vector<16xi32>
        %reduce_sum3A_355 = vector.extract %reduce_sum3A_354[15] : i32 from vector<16xi32>
        %broadcast_in_dim3A_356 = vector.broadcast %reduce_sum3A_355 : i32 to vector<16xi32>
        %select_n3A_357 = arith.select %eq3A_351, %broadcast_in_dim3A_356, %scan3A_343 : vector<16xi1>, vector<16xi32>
        scf.yield %select_n3A_357 : vector<16xi32>
      }
      %scan3A_230 = arith.constant 16 : i32
      %broadcast_in_dim3A_231 = arith.constant true
      %broadcast_in_dim3A_232 = vector.broadcast %broadcast_in_dim3A_231 : i1 to vector<16xi1>
      %masked_cumsum3A_233 = tpu.scan <sum>, %scan3A_229 masked %broadcast_in_dim3A_232 : vector<16xi32>, vector<16xi1> -> vector<16xi32>
      %ge3A_234 = vector.broadcast %sub3A_224 : i32 to vector<16xi32>
      %ge3A_235 = arith.cmpi sge, %masked_cumsum3A_233, %ge3A_234 : vector<16xi32>
      %all_reduce_ffs3A_236 = tpu.all_reduce %ge3A_235 {dim = 0 : i64, kind = #tpu.reduction_kind<find_first_set>} : vector<16xi1> -> vector<16xi32>
      %reduce_max3A_237 = arith.constant true
      %reduce_max3A_238 = vector.broadcast %reduce_max3A_237 : i1 to vector<16xi1>
      %reduce_max3A_239 = arith.constant -2147483648 : i32
      %reduce_max3A_240 = vector.broadcast %reduce_max3A_239 : i32 to vector<16xi32>
      %reduce_max3A_241 = arith.xori %all_reduce_ffs3A_236, %reduce_max3A_240 : vector<16xi32>
      %reduce_max3A_242 = tpu.scan <max>, %reduce_max3A_241 masked %reduce_max3A_238 : vector<16xi32>, vector<16xi1> -> vector<16xi32>
      %reduce_max3A_243 = arith.xori %reduce_max3A_242, %reduce_max3A_240 : vector<16xi32>
      %reduce_max3A_244 = vector.extract %reduce_max3A_243[15] : i32 from vector<16xi32>
      %eq3A_245 = vector.broadcast %reduce_max3A_244 : i32 to vector<16xi32>
      %eq3A_246 = arith.cmpi eq, %iota3A, %eq3A_245 : vector<16xi32>
      %sub3A_247 = arith.subi %masked_cumsum3A_233, %scan3A_229 : vector<16xi32>
      %select_n3A_248 = arith.select %eq3A_246, %sub3A_247, %broadcast_in_dim3A_36 : vector<16xi1>, vector<16xi32>
      %reduce_sum3A_249 = arith.constant true
      %reduce_sum3A_250 = vector.broadcast %reduce_sum3A_249 : i1 to vector<16xi1>
      %reduce_sum3A_251 = tpu.scan <sum>, %select_n3A_248 masked %reduce_sum3A_250 : vector<16xi32>, vector<16xi1> -> vector<16xi32>
      %reduce_sum3A_252 = vector.extract %reduce_sum3A_251[15] : i32 from vector<16xi32>
      %sub3A_253 = arith.subi %sub3A_224, %reduce_sum3A_252 : i32
      %shift_left3A_254 = arith.constant 8 : i32
      %shift_left3A_255 = arith.shli %or3A_183, %shift_left3A_254 : i32
      %mul3A_256 = arith.constant 16 : i32
      %mul3A_257 = arith.muli %reduce_max3A_215, %mul3A_256 : i32
      %add3A_258 = arith.addi %mul3A_257, %reduce_max3A_244 : i32
      %or3A_259 = arith.ori %shift_left3A_255, %add3A_258 : i32
      %scan3A_260 = arith.constant 0 : i32
      %scan3A_261 = arith.constant 0 : i32
      %scan3A_262 = arith.constant 8 : i32
      %scan3A_263 = arith.addi %scan3A_261, %scan3A_262 : i32
      %scan3A_264 = arith.constant 1 : i32
      scf.for %scan3A_342 = %scan3A_261 to %scan3A_263 step %scan3A_264  : i32 {
        %mul3A_343 = arith.constant 8 : i32
        %mul3A_344 = arith.muli %scan3A_342, %mul3A_343 : i32
        %add3A_345 = arith.constant 0 : i32
        %add3A_346 = arith.addi %mul3A_344, %add3A_345 : i32
        %mul3A_347 = arith.constant 16 : i32
        %mul3A_348 = arith.muli %add3A_346, %mul3A_347 : i32
        %swap3A = arith.index_cast %mul3A_348 : i32 to index
        %swap3A_349 = tpu.vector_load %arg7[%swap3A] {strides = array<i32>} : memref<4096xi32, #tpu.memory_space<vmem>>, vector<16xi32>,
        tpu.vector_store %arg7[%swap3A], %broadcast_in_dim3A_36 {strides = array<i32>} : memref<4096xi32, #tpu.memory_space<vmem>>, vector<16xi32>,
        %mul3A_350 = arith.constant 8 : i32
        %mul3A_351 = arith.muli %scan3A_342, %mul3A_350 : i32
        %add3A_352 = arith.constant 1 : i32
        %add3A_353 = arith.addi %mul3A_351, %add3A_352 : i32
        %mul3A_354 = arith.constant 16 : i32
        %mul3A_355 = arith.muli %add3A_353, %mul3A_354 : i32
        %swap3A_356 = arith.index_cast %mul3A_355 : i32 to index
        %swap3A_357 = tpu.vector_load %arg7[%swap3A_356] {strides = array<i32>} : memref<4096xi32, #tpu.memory_space<vmem>>, vector<16xi32>,
        tpu.vector_store %arg7[%swap3A_356], %broadcast_in_dim3A_36 {strides = array<i32>} : memref<4096xi32, #tpu.memory_space<vmem>>, vector<16xi32>,
        %mul3A_358 = arith.constant 8 : i32
        %mul3A_359 = arith.muli %scan3A_342, %mul3A_358 : i32
        %add3A_360 = arith.constant 2 : i32
        %add3A_361 = arith.addi %mul3A_359, %add3A_360 : i32
        %mul3A_362 = arith.constant 16 : i32
        %mul3A_363 = arith.muli %add3A_361, %mul3A_362 : i32
        %swap3A_364 = arith.index_cast %mul3A_363 : i32 to index
        %swap3A_365 = tpu.vector_load %arg7[%swap3A_364] {strides = array<i32>} : memref<4096xi32, #tpu.memory_space<vmem>>, vector<16xi32>,
        tpu.vector_store %arg7[%swap3A_364], %broadcast_in_dim3A_36 {strides = array<i32>} : memref<4096xi32, #tpu.memory_space<vmem>>, vector<16xi32>,
        %mul3A_366 = arith.constant 8 : i32
        %mul3A_367 = arith.muli %scan3A_342, %mul3A_366 : i32
        %add3A_368 = arith.constant 3 : i32
        %add3A_369 = arith.addi %mul3A_367, %add3A_368 : i32
        %mul3A_370 = arith.constant 16 : i32
        %mul3A_371 = arith.muli %add3A_369, %mul3A_370 : i32
        %swap3A_372 = arith.index_cast %mul3A_371 : i32 to index
        %swap3A_373 = tpu.vector_load %arg7[%swap3A_372] {strides = array<i32>} : memref<4096xi32, #tpu.memory_space<vmem>>, vector<16xi32>,
        tpu.vector_store %arg7[%swap3A_372], %broadcast_in_dim3A_36 {strides = array<i32>} : memref<4096xi32, #tpu.memory_space<vmem>>, vector<16xi32>,
        %mul3A_374 = arith.constant 8 : i32
        %mul3A_375 = arith.muli %scan3A_342, %mul3A_374 : i32
        %add3A_376 = arith.constant 4 : i32
        %add3A_377 = arith.addi %mul3A_375, %add3A_376 : i32
        %mul3A_378 = arith.constant 16 : i32
        %mul3A_379 = arith.muli %add3A_377, %mul3A_378 : i32
        %swap3A_380 = arith.index_cast %mul3A_379 : i32 to index
        %swap3A_381 = tpu.vector_load %arg7[%swap3A_380] {strides = array<i32>} : memref<4096xi32, #tpu.memory_space<vmem>>, vector<16xi32>,
        tpu.vector_store %arg7[%swap3A_380], %broadcast_in_dim3A_36 {strides = array<i32>} : memref<4096xi32, #tpu.memory_space<vmem>>, vector<16xi32>,
        %mul3A_382 = arith.constant 8 : i32
        %mul3A_383 = arith.muli %scan3A_342, %mul3A_382 : i32
        %add3A_384 = arith.constant 5 : i32
        %add3A_385 = arith.addi %mul3A_383, %add3A_384 : i32
        %mul3A_386 = arith.constant 16 : i32
        %mul3A_387 = arith.muli %add3A_385, %mul3A_386 : i32
        %swap3A_388 = arith.index_cast %mul3A_387 : i32 to index
        %swap3A_389 = tpu.vector_load %arg7[%swap3A_388] {strides = array<i32>} : memref<4096xi32, #tpu.memory_space<vmem>>, vector<16xi32>,
        tpu.vector_store %arg7[%swap3A_388], %broadcast_in_dim3A_36 {strides = array<i32>} : memref<4096xi32, #tpu.memory_space<vmem>>, vector<16xi32>,
        %mul3A_390 = arith.constant 8 : i32
        %mul3A_391 = arith.muli %scan3A_342, %mul3A_390 : i32
        %add3A_392 = arith.constant 6 : i32
        %add3A_393 = arith.addi %mul3A_391, %add3A_392 : i32
        %mul3A_394 = arith.constant 16 : i32
        %mul3A_395 = arith.muli %add3A_393, %mul3A_394 : i32
        %swap3A_396 = arith.index_cast %mul3A_395 : i32 to index
        %swap3A_397 = tpu.vector_load %arg7[%swap3A_396] {strides = array<i32>} : memref<4096xi32, #tpu.memory_space<vmem>>, vector<16xi32>,
        tpu.vector_store %arg7[%swap3A_396], %broadcast_in_dim3A_36 {strides = array<i32>} : memref<4096xi32, #tpu.memory_space<vmem>>, vector<16xi32>,
        %mul3A_398 = arith.constant 8 : i32
        %mul3A_399 = arith.muli %scan3A_342, %mul3A_398 : i32
        %add3A_400 = arith.constant 7 : i32
        %add3A_401 = arith.addi %mul3A_399, %add3A_400 : i32
        %mul3A_402 = arith.constant 16 : i32
        %mul3A_403 = arith.muli %add3A_401, %mul3A_402 : i32
        %swap3A_404 = arith.index_cast %mul3A_403 : i32 to index
        %swap3A_405 = tpu.vector_load %arg7[%swap3A_404] {strides = array<i32>} : memref<4096xi32, #tpu.memory_space<vmem>>, vector<16xi32>,
        tpu.vector_store %arg7[%swap3A_404], %broadcast_in_dim3A_36 {strides = array<i32>} : memref<4096xi32, #tpu.memory_space<vmem>>, vector<16xi32>,
      }
      %scan3A_265 = arith.constant 8 : i32
      %scan3A_266 = arith.constant 0 : i32
      %scan3A_267 = arith.constant 0 : i32
      %scan3A_268 = arith.constant 32 : i32
      %scan3A_269 = arith.addi %scan3A_267, %scan3A_268 : i32
      %scan3A_270 = arith.constant 1 : i32
      scf.for %scan3A_342 = %scan3A_267 to %scan3A_269 step %scan3A_270  : i32 {
        %mul3A_343 = arith.constant 8 : i32
        %mul3A_344 = arith.muli %scan3A_342, %mul3A_343 : i32
        %add3A_345 = arith.constant 0 : i32
        %add3A_346 = arith.addi %mul3A_344, %add3A_345 : i32
        %mul3A_347 = arith.constant 16 : i32
        %mul3A_348 = arith.muli %add3A_346, %mul3A_347 : i32
        %get3A = arith.index_cast %mul3A_348 : i32 to index
        %get3A_349 = tpu.vector_load %arg5[%get3A] {strides = array<i32>} : memref<4096xi32, #tpu.memory_space<vmem>>, vector<16xi32>,
        %shift_right_arithmetic3A = arith.constant 6 : i32
        %shift_right_arithmetic3A_350 = vector.broadcast %shift_right_arithmetic3A : i32 to vector<16xi32>
        %shift_right_arithmetic3A_351 = arith.shrsi %get3A_349, %shift_right_arithmetic3A_350 : vector<16xi32>
        %eq3A_352 = vector.broadcast %or3A_259 : i32 to vector<16xi32>
        %eq3A_353 = arith.cmpi eq, %shift_right_arithmetic3A_351, %eq3A_352 : vector<16xi32>
        %shift_right_arithmetic3A_354 = arith.constant 0 : i32
        %shift_right_arithmetic3A_355 = vector.broadcast %shift_right_arithmetic3A_354 : i32 to vector<16xi32>
        %shift_right_arithmetic3A_356 = arith.shrsi %get3A_349, %shift_right_arithmetic3A_355 : vector<16xi32>
        %and3A_357 = arith.constant 63 : i32
        %and3A_358 = vector.broadcast %and3A_357 : i32 to vector<16xi32>
        %and3A_359 = arith.andi %shift_right_arithmetic3A_356, %and3A_358 : vector<16xi32>
        %mul3A_360 = arith.constant 16 : i32
        %mul3A_361 = vector.broadcast %mul3A_360 : i32 to vector<16xi32>
        %mul3A_362 = arith.muli %and3A_359, %mul3A_361 : vector<16xi32>
        %add3A_363 = arith.addi %mul3A_362, %iota3A : vector<16xi32>
        tpu.vector_store_idx %arg7[%add3A_363], %broadcast_in_dim3A_34 masked %eq3A_353 {add = true} : memref<4096xi32, #tpu.memory_space<vmem>>[vector<16xi32>], vector<16xi32>, vector<16xi1>
        %mul3A_364 = arith.constant 8 : i32
        %mul3A_365 = arith.muli %scan3A_342, %mul3A_364 : i32
        %add3A_366 = arith.constant 1 : i32
        %add3A_367 = arith.addi %mul3A_365, %add3A_366 : i32
        %mul3A_368 = arith.constant 16 : i32
        %mul3A_369 = arith.muli %add3A_367, %mul3A_368 : i32
        %get3A_370 = arith.index_cast %mul3A_369 : i32 to index
        %get3A_371 = tpu.vector_load %arg5[%get3A_370] {strides = array<i32>} : memref<4096xi32, #tpu.memory_space<vmem>>, vector<16xi32>,
        %shift_right_arithmetic3A_372 = arith.constant 6 : i32
        %shift_right_arithmetic3A_373 = vector.broadcast %shift_right_arithmetic3A_372 : i32 to vector<16xi32>
        %shift_right_arithmetic3A_374 = arith.shrsi %get3A_371, %shift_right_arithmetic3A_373 : vector<16xi32>
        %eq3A_375 = vector.broadcast %or3A_259 : i32 to vector<16xi32>
        %eq3A_376 = arith.cmpi eq, %shift_right_arithmetic3A_374, %eq3A_375 : vector<16xi32>
        %shift_right_arithmetic3A_377 = arith.constant 0 : i32
        %shift_right_arithmetic3A_378 = vector.broadcast %shift_right_arithmetic3A_377 : i32 to vector<16xi32>
        %shift_right_arithmetic3A_379 = arith.shrsi %get3A_371, %shift_right_arithmetic3A_378 : vector<16xi32>
        %and3A_380 = arith.constant 63 : i32
        %and3A_381 = vector.broadcast %and3A_380 : i32 to vector<16xi32>
        %and3A_382 = arith.andi %shift_right_arithmetic3A_379, %and3A_381 : vector<16xi32>
        %mul3A_383 = arith.constant 16 : i32
        %mul3A_384 = vector.broadcast %mul3A_383 : i32 to vector<16xi32>
        %mul3A_385 = arith.muli %and3A_382, %mul3A_384 : vector<16xi32>
        %add3A_386 = arith.addi %mul3A_385, %iota3A : vector<16xi32>
        tpu.vector_store_idx %arg7[%add3A_386], %broadcast_in_dim3A_34 masked %eq3A_376 {add = true} : memref<4096xi32, #tpu.memory_space<vmem>>[vector<16xi32>], vector<16xi32>, vector<16xi1>
        %mul3A_387 = arith.constant 8 : i32
        %mul3A_388 = arith.muli %scan3A_342, %mul3A_387 : i32
        %add3A_389 = arith.constant 2 : i32
        %add3A_390 = arith.addi %mul3A_388, %add3A_389 : i32
        %mul3A_391 = arith.constant 16 : i32
        %mul3A_392 = arith.muli %add3A_390, %mul3A_391 : i32
        %get3A_393 = arith.index_cast %mul3A_392 : i32 to index
        %get3A_394 = tpu.vector_load %arg5[%get3A_393] {strides = array<i32>} : memref<4096xi32, #tpu.memory_space<vmem>>, vector<16xi32>,
        %shift_right_arithmetic3A_395 = arith.constant 6 : i32
        %shift_right_arithmetic3A_396 = vector.broadcast %shift_right_arithmetic3A_395 : i32 to vector<16xi32>
        %shift_right_arithmetic3A_397 = arith.shrsi %get3A_394, %shift_right_arithmetic3A_396 : vector<16xi32>
        %eq3A_398 = vector.broadcast %or3A_259 : i32 to vector<16xi32>
        %eq3A_399 = arith.cmpi eq, %shift_right_arithmetic3A_397, %eq3A_398 : vector<16xi32>
        %shift_right_arithmetic3A_400 = arith.constant 0 : i32
        %shift_right_arithmetic3A_401 = vector.broadcast %shift_right_arithmetic3A_400 : i32 to vector<16xi32>
        %shift_right_arithmetic3A_402 = arith.shrsi %get3A_394, %shift_right_arithmetic3A_401 : vector<16xi32>
        %and3A_403 = arith.constant 63 : i32
        %and3A_404 = vector.broadcast %and3A_403 : i32 to vector<16xi32>
        %and3A_405 = arith.andi %shift_right_arithmetic3A_402, %and3A_404 : vector<16xi32>
        %mul3A_406 = arith.constant 16 : i32
        %mul3A_407 = vector.broadcast %mul3A_406 : i32 to vector<16xi32>
        %mul3A_408 = arith.muli %and3A_405, %mul3A_407 : vector<16xi32>
        %add3A_409 = arith.addi %mul3A_408, %iota3A : vector<16xi32>
        tpu.vector_store_idx %arg7[%add3A_409], %broadcast_in_dim3A_34 masked %eq3A_399 {add = true} : memref<4096xi32, #tpu.memory_space<vmem>>[vector<16xi32>], vector<16xi32>, vector<16xi1>
        %mul3A_410 = arith.constant 8 : i32
        %mul3A_411 = arith.muli %scan3A_342, %mul3A_410 : i32
        %add3A_412 = arith.constant 3 : i32
        %add3A_413 = arith.addi %mul3A_411, %add3A_412 : i32
        %mul3A_414 = arith.constant 16 : i32
        %mul3A_415 = arith.muli %add3A_413, %mul3A_414 : i32
        %get3A_416 = arith.index_cast %mul3A_415 : i32 to index
        %get3A_417 = tpu.vector_load %arg5[%get3A_416] {strides = array<i32>} : memref<4096xi32, #tpu.memory_space<vmem>>, vector<16xi32>,
        %shift_right_arithmetic3A_418 = arith.constant 6 : i32
        %shift_right_arithmetic3A_419 = vector.broadcast %shift_right_arithmetic3A_418 : i32 to vector<16xi32>
        %shift_right_arithmetic3A_420 = arith.shrsi %get3A_417, %shift_right_arithmetic3A_419 : vector<16xi32>
        %eq3A_421 = vector.broadcast %or3A_259 : i32 to vector<16xi32>
        %eq3A_422 = arith.cmpi eq, %shift_right_arithmetic3A_420, %eq3A_421 : vector<16xi32>
        %shift_right_arithmetic3A_423 = arith.constant 0 : i32
        %shift_right_arithmetic3A_424 = vector.broadcast %shift_right_arithmetic3A_423 : i32 to vector<16xi32>
        %shift_right_arithmetic3A_425 = arith.shrsi %get3A_417, %shift_right_arithmetic3A_424 : vector<16xi32>
        %and3A_426 = arith.constant 63 : i32
        %and3A_427 = vector.broadcast %and3A_426 : i32 to vector<16xi32>
        %and3A_428 = arith.andi %shift_right_arithmetic3A_425, %and3A_427 : vector<16xi32>
        %mul3A_429 = arith.constant 16 : i32
        %mul3A_430 = vector.broadcast %mul3A_429 : i32 to vector<16xi32>
        %mul3A_431 = arith.muli %and3A_428, %mul3A_430 : vector<16xi32>
        %add3A_432 = arith.addi %mul3A_431, %iota3A : vector<16xi32>
        tpu.vector_store_idx %arg7[%add3A_432], %broadcast_in_dim3A_34 masked %eq3A_422 {add = true} : memref<4096xi32, #tpu.memory_space<vmem>>[vector<16xi32>], vector<16xi32>, vector<16xi1>
        %mul3A_433 = arith.constant 8 : i32
        %mul3A_434 = arith.muli %scan3A_342, %mul3A_433 : i32
        %add3A_435 = arith.constant 4 : i32
        %add3A_436 = arith.addi %mul3A_434, %add3A_435 : i32
        %mul3A_437 = arith.constant 16 : i32
        %mul3A_438 = arith.muli %add3A_436, %mul3A_437 : i32
        %get3A_439 = arith.index_cast %mul3A_438 : i32 to index
        %get3A_440 = tpu.vector_load %arg5[%get3A_439] {strides = array<i32>} : memref<4096xi32, #tpu.memory_space<vmem>>, vector<16xi32>,
        %shift_right_arithmetic3A_441 = arith.constant 6 : i32
        %shift_right_arithmetic3A_442 = vector.broadcast %shift_right_arithmetic3A_441 : i32 to vector<16xi32>
        %shift_right_arithmetic3A_443 = arith.shrsi %get3A_440, %shift_right_arithmetic3A_442 : vector<16xi32>
        %eq3A_444 = vector.broadcast %or3A_259 : i32 to vector<16xi32>
        %eq3A_445 = arith.cmpi eq, %shift_right_arithmetic3A_443, %eq3A_444 : vector<16xi32>
        %shift_right_arithmetic3A_446 = arith.constant 0 : i32
        %shift_right_arithmetic3A_447 = vector.broadcast %shift_right_arithmetic3A_446 : i32 to vector<16xi32>
        %shift_right_arithmetic3A_448 = arith.shrsi %get3A_440, %shift_right_arithmetic3A_447 : vector<16xi32>
        %and3A_449 = arith.constant 63 : i32
        %and3A_450 = vector.broadcast %and3A_449 : i32 to vector<16xi32>
        %and3A_451 = arith.andi %shift_right_arithmetic3A_448, %and3A_450 : vector<16xi32>
        %mul3A_452 = arith.constant 16 : i32
        %mul3A_453 = vector.broadcast %mul3A_452 : i32 to vector<16xi32>
        %mul3A_454 = arith.muli %and3A_451, %mul3A_453 : vector<16xi32>
        %add3A_455 = arith.addi %mul3A_454, %iota3A : vector<16xi32>
        tpu.vector_store_idx %arg7[%add3A_455], %broadcast_in_dim3A_34 masked %eq3A_445 {add = true} : memref<4096xi32, #tpu.memory_space<vmem>>[vector<16xi32>], vector<16xi32>, vector<16xi1>
        %mul3A_456 = arith.constant 8 : i32
        %mul3A_457 = arith.muli %scan3A_342, %mul3A_456 : i32
        %add3A_458 = arith.constant 5 : i32
        %add3A_459 = arith.addi %mul3A_457, %add3A_458 : i32
        %mul3A_460 = arith.constant 16 : i32
        %mul3A_461 = arith.muli %add3A_459, %mul3A_460 : i32
        %get3A_462 = arith.index_cast %mul3A_461 : i32 to index
        %get3A_463 = tpu.vector_load %arg5[%get3A_462] {strides = array<i32>} : memref<4096xi32, #tpu.memory_space<vmem>>, vector<16xi32>,
        %shift_right_arithmetic3A_464 = arith.constant 6 : i32
        %shift_right_arithmetic3A_465 = vector.broadcast %shift_right_arithmetic3A_464 : i32 to vector<16xi32>
        %shift_right_arithmetic3A_466 = arith.shrsi %get3A_463, %shift_right_arithmetic3A_465 : vector<16xi32>
        %eq3A_467 = vector.broadcast %or3A_259 : i32 to vector<16xi32>
        %eq3A_468 = arith.cmpi eq, %shift_right_arithmetic3A_466, %eq3A_467 : vector<16xi32>
        %shift_right_arithmetic3A_469 = arith.constant 0 : i32
        %shift_right_arithmetic3A_470 = vector.broadcast %shift_right_arithmetic3A_469 : i32 to vector<16xi32>
        %shift_right_arithmetic3A_471 = arith.shrsi %get3A_463, %shift_right_arithmetic3A_470 : vector<16xi32>
        %and3A_472 = arith.constant 63 : i32
        %and3A_473 = vector.broadcast %and3A_472 : i32 to vector<16xi32>
        %and3A_474 = arith.andi %shift_right_arithmetic3A_471, %and3A_473 : vector<16xi32>
        %mul3A_475 = arith.constant 16 : i32
        %mul3A_476 = vector.broadcast %mul3A_475 : i32 to vector<16xi32>
        %mul3A_477 = arith.muli %and3A_474, %mul3A_476 : vector<16xi32>
        %add3A_478 = arith.addi %mul3A_477, %iota3A : vector<16xi32>
        tpu.vector_store_idx %arg7[%add3A_478], %broadcast_in_dim3A_34 masked %eq3A_468 {add = true} : memref<4096xi32, #tpu.memory_space<vmem>>[vector<16xi32>], vector<16xi32>, vector<16xi1>
        %mul3A_479 = arith.constant 8 : i32
        %mul3A_480 = arith.muli %scan3A_342, %mul3A_479 : i32
        %add3A_481 = arith.constant 6 : i32
        %add3A_482 = arith.addi %mul3A_480, %add3A_481 : i32
        %mul3A_483 = arith.constant 16 : i32
        %mul3A_484 = arith.muli %add3A_482, %mul3A_483 : i32
        %get3A_485 = arith.index_cast %mul3A_484 : i32 to index
        %get3A_486 = tpu.vector_load %arg5[%get3A_485] {strides = array<i32>} : memref<4096xi32, #tpu.memory_space<vmem>>, vector<16xi32>,
        %shift_right_arithmetic3A_487 = arith.constant 6 : i32
        %shift_right_arithmetic3A_488 = vector.broadcast %shift_right_arithmetic3A_487 : i32 to vector<16xi32>
        %shift_right_arithmetic3A_489 = arith.shrsi %get3A_486, %shift_right_arithmetic3A_488 : vector<16xi32>
        %eq3A_490 = vector.broadcast %or3A_259 : i32 to vector<16xi32>
        %eq3A_491 = arith.cmpi eq, %shift_right_arithmetic3A_489, %eq3A_490 : vector<16xi32>
        %shift_right_arithmetic3A_492 = arith.constant 0 : i32
        %shift_right_arithmetic3A_493 = vector.broadcast %shift_right_arithmetic3A_492 : i32 to vector<16xi32>
        %shift_right_arithmetic3A_494 = arith.shrsi %get3A_486, %shift_right_arithmetic3A_493 : vector<16xi32>
        %and3A_495 = arith.constant 63 : i32
        %and3A_496 = vector.broadcast %and3A_495 : i32 to vector<16xi32>
        %and3A_497 = arith.andi %shift_right_arithmetic3A_494, %and3A_496 : vector<16xi32>
        %mul3A_498 = arith.constant 16 : i32
        %mul3A_499 = vector.broadcast %mul3A_498 : i32 to vector<16xi32>
        %mul3A_500 = arith.muli %and3A_497, %mul3A_499 : vector<16xi32>
        %add3A_501 = arith.addi %mul3A_500, %iota3A : vector<16xi32>
        tpu.vector_store_idx %arg7[%add3A_501], %broadcast_in_dim3A_34 masked %eq3A_491 {add = true} : memref<4096xi32, #tpu.memory_space<vmem>>[vector<16xi32>], vector<16xi32>, vector<16xi1>
        %mul3A_502 = arith.constant 8 : i32
        %mul3A_503 = arith.muli %scan3A_342, %mul3A_502 : i32
        %add3A_504 = arith.constant 7 : i32
        %add3A_505 = arith.addi %mul3A_503, %add3A_504 : i32
        %mul3A_506 = arith.constant 16 : i32
        %mul3A_507 = arith.muli %add3A_505, %mul3A_506 : i32
        %get3A_508 = arith.index_cast %mul3A_507 : i32 to index
        %get3A_509 = tpu.vector_load %arg5[%get3A_508] {strides = array<i32>} : memref<4096xi32, #tpu.memory_space<vmem>>, vector<16xi32>,
        %shift_right_arithmetic3A_510 = arith.constant 6 : i32
        %shift_right_arithmetic3A_511 = vector.broadcast %shift_right_arithmetic3A_510 : i32 to vector<16xi32>
        %shift_right_arithmetic3A_512 = arith.shrsi %get3A_509, %shift_right_arithmetic3A_511 : vector<16xi32>
        %eq3A_513 = vector.broadcast %or3A_259 : i32 to vector<16xi32>
        %eq3A_514 = arith.cmpi eq, %shift_right_arithmetic3A_512, %eq3A_513 : vector<16xi32>
        %shift_right_arithmetic3A_515 = arith.constant 0 : i32
        %shift_right_arithmetic3A_516 = vector.broadcast %shift_right_arithmetic3A_515 : i32 to vector<16xi32>
        %shift_right_arithmetic3A_517 = arith.shrsi %get3A_509, %shift_right_arithmetic3A_516 : vector<16xi32>
        %and3A_518 = arith.constant 63 : i32
        %and3A_519 = vector.broadcast %and3A_518 : i32 to vector<16xi32>
        %and3A_520 = arith.andi %shift_right_arithmetic3A_517, %and3A_519 : vector<16xi32>
        %mul3A_521 = arith.constant 16 : i32
        %mul3A_522 = vector.broadcast %mul3A_521 : i32 to vector<16xi32>
        %mul3A_523 = arith.muli %and3A_520, %mul3A_522 : vector<16xi32>
        %add3A_524 = arith.addi %mul3A_523, %iota3A : vector<16xi32>
        tpu.vector_store_idx %arg7[%add3A_524], %broadcast_in_dim3A_34 masked %eq3A_514 {add = true} : memref<4096xi32, #tpu.memory_space<vmem>>[vector<16xi32>], vector<16xi32>, vector<16xi1>
      }
      %scan3A_271 = arith.constant 32 : i32
      %scan3A_272 = arith.constant 0 : i32
      %scan3A_273 = arith.constant 4 : i32
      %scan3A_274 = arith.addi %scan3A_272, %scan3A_273 : i32
      %scan3A_275 = arith.constant 1 : i32
      %scan3A_276 = scf.for %scan3A_342 = %scan3A_272 to %scan3A_274 step %scan3A_275 iter_args(%scan3A_343 = %broadcast_in_dim3A_36) -> (vector<16xi32>)  : i32 {
        %mul3A_344 = arith.constant 256 : i32
        %mul3A_345 = arith.muli %scan3A_342, %mul3A_344 : i32
        %add3A_346 = arith.constant 0 : i32
        %add3A_347 = arith.addi %mul3A_345, %add3A_346 : i32
        %get3A = arith.index_cast %add3A_347 : i32 to index
        %get3A_348 = tpu.vector_load %arg7[%get3A] {strides = array<i32>} : memref<4096xi32, #tpu.memory_space<vmem>>, vector<16xi32>,
        %add3A_349 = arith.addi %broadcast_in_dim3A_36, %get3A_348 : vector<16xi32>
        %mul3A_350 = arith.constant 256 : i32
        %mul3A_351 = arith.muli %scan3A_342, %mul3A_350 : i32
        %add3A_352 = arith.constant 16 : i32
        %add3A_353 = arith.addi %mul3A_351, %add3A_352 : i32
        %get3A_354 = arith.index_cast %add3A_353 : i32 to index
        %get3A_355 = tpu.vector_load %arg7[%get3A_354] {strides = array<i32>} : memref<4096xi32, #tpu.memory_space<vmem>>, vector<16xi32>,
        %add3A_356 = arith.addi %add3A_349, %get3A_355 : vector<16xi32>
        %mul3A_357 = arith.constant 256 : i32
        %mul3A_358 = arith.muli %scan3A_342, %mul3A_357 : i32
        %add3A_359 = arith.constant 32 : i32
        %add3A_360 = arith.addi %mul3A_358, %add3A_359 : i32
        %get3A_361 = arith.index_cast %add3A_360 : i32 to index
        %get3A_362 = tpu.vector_load %arg7[%get3A_361] {strides = array<i32>} : memref<4096xi32, #tpu.memory_space<vmem>>, vector<16xi32>,
        %add3A_363 = arith.addi %add3A_356, %get3A_362 : vector<16xi32>
        %mul3A_364 = arith.constant 256 : i32
        %mul3A_365 = arith.muli %scan3A_342, %mul3A_364 : i32
        %add3A_366 = arith.constant 48 : i32
        %add3A_367 = arith.addi %mul3A_365, %add3A_366 : i32
        %get3A_368 = arith.index_cast %add3A_367 : i32 to index
        %get3A_369 = tpu.vector_load %arg7[%get3A_368] {strides = array<i32>} : memref<4096xi32, #tpu.memory_space<vmem>>, vector<16xi32>,
        %add3A_370 = arith.addi %add3A_363, %get3A_369 : vector<16xi32>
        %mul3A_371 = arith.constant 256 : i32
        %mul3A_372 = arith.muli %scan3A_342, %mul3A_371 : i32
        %add3A_373 = arith.constant 64 : i32
        %add3A_374 = arith.addi %mul3A_372, %add3A_373 : i32
        %get3A_375 = arith.index_cast %add3A_374 : i32 to index
        %get3A_376 = tpu.vector_load %arg7[%get3A_375] {strides = array<i32>} : memref<4096xi32, #tpu.memory_space<vmem>>, vector<16xi32>,
        %add3A_377 = arith.addi %add3A_370, %get3A_376 : vector<16xi32>
        %mul3A_378 = arith.constant 256 : i32
        %mul3A_379 = arith.muli %scan3A_342, %mul3A_378 : i32
        %add3A_380 = arith.constant 80 : i32
        %add3A_381 = arith.addi %mul3A_379, %add3A_380 : i32
        %get3A_382 = arith.index_cast %add3A_381 : i32 to index
        %get3A_383 = tpu.vector_load %arg7[%get3A_382] {strides = array<i32>} : memref<4096xi32, #tpu.memory_space<vmem>>, vector<16xi32>,
        %add3A_384 = arith.addi %add3A_377, %get3A_383 : vector<16xi32>
        %mul3A_385 = arith.constant 256 : i32
        %mul3A_386 = arith.muli %scan3A_342, %mul3A_385 : i32
        %add3A_387 = arith.constant 96 : i32
        %add3A_388 = arith.addi %mul3A_386, %add3A_387 : i32
        %get3A_389 = arith.index_cast %add3A_388 : i32 to index
        %get3A_390 = tpu.vector_load %arg7[%get3A_389] {strides = array<i32>} : memref<4096xi32, #tpu.memory_space<vmem>>, vector<16xi32>,
        %add3A_391 = arith.addi %add3A_384, %get3A_390 : vector<16xi32>
        %mul3A_392 = arith.constant 256 : i32
        %mul3A_393 = arith.muli %scan3A_342, %mul3A_392 : i32
        %add3A_394 = arith.constant 112 : i32
        %add3A_395 = arith.addi %mul3A_393, %add3A_394 : i32
        %get3A_396 = arith.index_cast %add3A_395 : i32 to index
        %get3A_397 = tpu.vector_load %arg7[%get3A_396] {strides = array<i32>} : memref<4096xi32, #tpu.memory_space<vmem>>, vector<16xi32>,
        %add3A_398 = arith.addi %add3A_391, %get3A_397 : vector<16xi32>
        %mul3A_399 = arith.constant 256 : i32
        %mul3A_400 = arith.muli %scan3A_342, %mul3A_399 : i32
        %add3A_401 = arith.constant 128 : i32
        %add3A_402 = arith.addi %mul3A_400, %add3A_401 : i32
        %get3A_403 = arith.index_cast %add3A_402 : i32 to index
        %get3A_404 = tpu.vector_load %arg7[%get3A_403] {strides = array<i32>} : memref<4096xi32, #tpu.memory_space<vmem>>, vector<16xi32>,
        %add3A_405 = arith.addi %add3A_398, %get3A_404 : vector<16xi32>
        %mul3A_406 = arith.constant 256 : i32
        %mul3A_407 = arith.muli %scan3A_342, %mul3A_406 : i32
        %add3A_408 = arith.constant 144 : i32
        %add3A_409 = arith.addi %mul3A_407, %add3A_408 : i32
        %get3A_410 = arith.index_cast %add3A_409 : i32 to index
        %get3A_411 = tpu.vector_load %arg7[%get3A_410] {strides = array<i32>} : memref<4096xi32, #tpu.memory_space<vmem>>, vector<16xi32>,
        %add3A_412 = arith.addi %add3A_405, %get3A_411 : vector<16xi32>
        %mul3A_413 = arith.constant 256 : i32
        %mul3A_414 = arith.muli %scan3A_342, %mul3A_413 : i32
        %add3A_415 = arith.constant 160 : i32
        %add3A_416 = arith.addi %mul3A_414, %add3A_415 : i32
        %get3A_417 = arith.index_cast %add3A_416 : i32 to index
        %get3A_418 = tpu.vector_load %arg7[%get3A_417] {strides = array<i32>} : memref<4096xi32, #tpu.memory_space<vmem>>, vector<16xi32>,
        %add3A_419 = arith.addi %add3A_412, %get3A_418 : vector<16xi32>
        %mul3A_420 = arith.constant 256 : i32
        %mul3A_421 = arith.muli %scan3A_342, %mul3A_420 : i32
        %add3A_422 = arith.constant 176 : i32
        %add3A_423 = arith.addi %mul3A_421, %add3A_422 : i32
        %get3A_424 = arith.index_cast %add3A_423 : i32 to index
        %get3A_425 = tpu.vector_load %arg7[%get3A_424] {strides = array<i32>} : memref<4096xi32, #tpu.memory_space<vmem>>, vector<16xi32>,
        %add3A_426 = arith.addi %add3A_419, %get3A_425 : vector<16xi32>
        %mul3A_427 = arith.constant 256 : i32
        %mul3A_428 = arith.muli %scan3A_342, %mul3A_427 : i32
        %add3A_429 = arith.constant 192 : i32
        %add3A_430 = arith.addi %mul3A_428, %add3A_429 : i32
        %get3A_431 = arith.index_cast %add3A_430 : i32 to index
        %get3A_432 = tpu.vector_load %arg7[%get3A_431] {strides = array<i32>} : memref<4096xi32, #tpu.memory_space<vmem>>, vector<16xi32>,
        %add3A_433 = arith.addi %add3A_426, %get3A_432 : vector<16xi32>
        %mul3A_434 = arith.constant 256 : i32
        %mul3A_435 = arith.muli %scan3A_342, %mul3A_434 : i32
        %add3A_436 = arith.constant 208 : i32
        %add3A_437 = arith.addi %mul3A_435, %add3A_436 : i32
        %get3A_438 = arith.index_cast %add3A_437 : i32 to index
        %get3A_439 = tpu.vector_load %arg7[%get3A_438] {strides = array<i32>} : memref<4096xi32, #tpu.memory_space<vmem>>, vector<16xi32>,
        %add3A_440 = arith.addi %add3A_433, %get3A_439 : vector<16xi32>
        %mul3A_441 = arith.constant 256 : i32
        %mul3A_442 = arith.muli %scan3A_342, %mul3A_441 : i32
        %add3A_443 = arith.constant 224 : i32
        %add3A_444 = arith.addi %mul3A_442, %add3A_443 : i32
        %get3A_445 = arith.index_cast %add3A_444 : i32 to index
        %get3A_446 = tpu.vector_load %arg7[%get3A_445] {strides = array<i32>} : memref<4096xi32, #tpu.memory_space<vmem>>, vector<16xi32>,
        %add3A_447 = arith.addi %add3A_440, %get3A_446 : vector<16xi32>
        %mul3A_448 = arith.constant 256 : i32
        %mul3A_449 = arith.muli %scan3A_342, %mul3A_448 : i32
        %add3A_450 = arith.constant 240 : i32
        %add3A_451 = arith.addi %mul3A_449, %add3A_450 : i32
        %get3A_452 = arith.index_cast %add3A_451 : i32 to index
        %get3A_453 = tpu.vector_load %arg7[%get3A_452] {strides = array<i32>} : memref<4096xi32, #tpu.memory_space<vmem>>, vector<16xi32>,
        %add3A_454 = arith.addi %add3A_447, %get3A_453 : vector<16xi32>
        %eq3A_455 = vector.broadcast %scan3A_342 : i32 to vector<16xi32>
        %eq3A_456 = arith.cmpi eq, %iota3A, %eq3A_455 : vector<16xi32>
        %reduce_sum3A_457 = arith.constant true
        %reduce_sum3A_458 = vector.broadcast %reduce_sum3A_457 : i1 to vector<16xi1>
        %reduce_sum3A_459 = tpu.scan <sum>, %add3A_454 masked %reduce_sum3A_458 : vector<16xi32>, vector<16xi1> -> vector<16xi32>
        %reduce_sum3A_460 = vector.extract %reduce_sum3A_459[15] : i32 from vector<16xi32>
        %broadcast_in_dim3A_461 = vector.broadcast %reduce_sum3A_460 : i32 to vector<16xi32>
        %select_n3A_462 = arith.select %eq3A_456, %broadcast_in_dim3A_461, %scan3A_343 : vector<16xi1>, vector<16xi32>
        scf.yield %select_n3A_462 : vector<16xi32>
      }
      %scan3A_277 = arith.constant 4 : i32
      %broadcast_in_dim3A_278 = arith.constant true
      %broadcast_in_dim3A_279 = vector.broadcast %broadcast_in_dim3A_278 : i1 to vector<16xi1>
      %masked_cumsum3A_280 = tpu.scan <sum>, %scan3A_276 masked %broadcast_in_dim3A_279 : vector<16xi32>, vector<16xi1> -> vector<16xi32>
      %ge3A_281 = vector.broadcast %sub3A_253 : i32 to vector<16xi32>
      %ge3A_282 = arith.cmpi sge, %masked_cumsum3A_280, %ge3A_281 : vector<16xi32>
      %all_reduce_ffs3A_283 = tpu.all_reduce %ge3A_282 {dim = 0 : i64, kind = #tpu.reduction_kind<find_first_set>} : vector<16xi1> -> vector<16xi32>
      %reduce_max3A_284 = arith.constant true
      %reduce_max3A_285 = vector.broadcast %reduce_max3A_284 : i1 to vector<16xi1>
      %reduce_max3A_286 = arith.constant -2147483648 : i32
      %reduce_max3A_287 = vector.broadcast %reduce_max3A_286 : i32 to vector<16xi32>
      %reduce_max3A_288 = arith.xori %all_reduce_ffs3A_283, %reduce_max3A_287 : vector<16xi32>
      %reduce_max3A_289 = tpu.scan <max>, %reduce_max3A_288 masked %reduce_max3A_285 : vector<16xi32>, vector<16xi1> -> vector<16xi32>
      %reduce_max3A_290 = arith.xori %reduce_max3A_289, %reduce_max3A_287 : vector<16xi32>
      %reduce_max3A_291 = vector.extract %reduce_max3A_290[15] : i32 from vector<16xi32>
      %eq3A_292 = vector.broadcast %reduce_max3A_291 : i32 to vector<16xi32>
      %eq3A_293 = arith.cmpi eq, %iota3A, %eq3A_292 : vector<16xi32>
      %sub3A_294 = arith.subi %masked_cumsum3A_280, %scan3A_276 : vector<16xi32>
      %select_n3A_295 = arith.select %eq3A_293, %sub3A_294, %broadcast_in_dim3A_36 : vector<16xi1>, vector<16xi32>
      %reduce_sum3A_296 = arith.constant true
      %reduce_sum3A_297 = vector.broadcast %reduce_sum3A_296 : i1 to vector<16xi1>
      %reduce_sum3A_298 = tpu.scan <sum>, %select_n3A_295 masked %reduce_sum3A_297 : vector<16xi32>, vector<16xi1> -> vector<16xi32>
      %reduce_sum3A_299 = vector.extract %reduce_sum3A_298[15] : i32 from vector<16xi32>
      %sub3A_300 = arith.subi %sub3A_253, %reduce_sum3A_299 : i32
      %scan3A_301 = arith.constant 0 : i32
      %scan3A_302 = arith.constant 16 : i32
      %scan3A_303 = arith.addi %scan3A_301, %scan3A_302 : i32
      %scan3A_304 = arith.constant 1 : i32
      %scan3A_305 = scf.for %scan3A_342 = %scan3A_301 to %scan3A_303 step %scan3A_304 iter_args(%scan3A_343 = %broadcast_in_dim3A_36) -> (vector<16xi32>)  : i32 {
        %mul3A_344 = arith.constant 16 : i32
        %mul3A_345 = arith.muli %reduce_max3A_291, %mul3A_344 : i32
        %add3A_346 = arith.addi %mul3A_345, %scan3A_342 : i32
        %mul3A_347 = arith.constant 16 : i32
        %mul3A_348 = arith.muli %add3A_346, %mul3A_347 : i32
        %get3A = arith.index_cast %mul3A_348 : i32 to index
        %get3A_349 = tpu.vector_load %arg7[%get3A] {strides = array<i32>} : memref<4096xi32, #tpu.memory_space<vmem>>, vector<16xi32>,
        %eq3A_350 = vector.broadcast %scan3A_342 : i32 to vector<16xi32>
        %eq3A_351 = arith.cmpi eq, %iota3A, %eq3A_350 : vector<16xi32>
        %reduce_sum3A_352 = arith.constant true
        %reduce_sum3A_353 = vector.broadcast %reduce_sum3A_352 : i1 to vector<16xi1>
        %reduce_sum3A_354 = tpu.scan <sum>, %get3A_349 masked %reduce_sum3A_353 : vector<16xi32>, vector<16xi1> -> vector<16xi32>
        %reduce_sum3A_355 = vector.extract %reduce_sum3A_354[15] : i32 from vector<16xi32>
        %broadcast_in_dim3A_356 = vector.broadcast %reduce_sum3A_355 : i32 to vector<16xi32>
        %select_n3A_357 = arith.select %eq3A_351, %broadcast_in_dim3A_356, %scan3A_343 : vector<16xi1>, vector<16xi32>
        scf.yield %select_n3A_357 : vector<16xi32>
      }
      %scan3A_306 = arith.constant 16 : i32
      %broadcast_in_dim3A_307 = arith.constant true
      %broadcast_in_dim3A_308 = vector.broadcast %broadcast_in_dim3A_307 : i1 to vector<16xi1>
      %masked_cumsum3A_309 = tpu.scan <sum>, %scan3A_305 masked %broadcast_in_dim3A_308 : vector<16xi32>, vector<16xi1> -> vector<16xi32>
      %ge3A_310 = vector.broadcast %sub3A_300 : i32 to vector<16xi32>
      %ge3A_311 = arith.cmpi sge, %masked_cumsum3A_309, %ge3A_310 : vector<16xi32>
      %all_reduce_ffs3A_312 = tpu.all_reduce %ge3A_311 {dim = 0 : i64, kind = #tpu.reduction_kind<find_first_set>} : vector<16xi1> -> vector<16xi32>
      %reduce_max3A_313 = arith.constant true
      %reduce_max3A_314 = vector.broadcast %reduce_max3A_313 : i1 to vector<16xi1>
      %reduce_max3A_315 = arith.constant -2147483648 : i32
      %reduce_max3A_316 = vector.broadcast %reduce_max3A_315 : i32 to vector<16xi32>
      %reduce_max3A_317 = arith.xori %all_reduce_ffs3A_312, %reduce_max3A_316 : vector<16xi32>
      %reduce_max3A_318 = tpu.scan <max>, %reduce_max3A_317 masked %reduce_max3A_314 : vector<16xi32>, vector<16xi1> -> vector<16xi32>
      %reduce_max3A_319 = arith.xori %reduce_max3A_318, %reduce_max3A_316 : vector<16xi32>
      %reduce_max3A_320 = vector.extract %reduce_max3A_319[15] : i32 from vector<16xi32>
      %eq3A_321 = vector.broadcast %reduce_max3A_320 : i32 to vector<16xi32>
      %eq3A_322 = arith.cmpi eq, %iota3A, %eq3A_321 : vector<16xi32>
      %sub3A_323 = arith.subi %masked_cumsum3A_309, %scan3A_305 : vector<16xi32>
      %select_n3A_324 = arith.select %eq3A_322, %sub3A_323, %broadcast_in_dim3A_36 : vector<16xi1>, vector<16xi32>
      %reduce_sum3A_325 = arith.constant true
      %reduce_sum3A_326 = vector.broadcast %reduce_sum3A_325 : i1 to vector<16xi1>
      %reduce_sum3A_327 = tpu.scan <sum>, %select_n3A_324 masked %reduce_sum3A_326 : vector<16xi32>, vector<16xi1> -> vector<16xi32>
      %reduce_sum3A_328 = vector.extract %reduce_sum3A_327[15] : i32 from vector<16xi32>
      %sub3A_329 = arith.subi %sub3A_300, %reduce_sum3A_328 : i32
      %shift_left3A_330 = arith.constant 6 : i32
      %shift_left3A_331 = arith.shli %or3A_259, %shift_left3A_330 : i32
      %mul3A_332 = arith.constant 16 : i32
      %mul3A_333 = arith.muli %reduce_max3A_291, %mul3A_332 : i32
      %add3A_334 = arith.addi %mul3A_333, %reduce_max3A_320 : i32
      %or3A_335 = arith.ori %shift_left3A_331, %add3A_334 : i32
      %scan3A_336 = arith.constant 0 : i32
      %scan3A_337 = arith.constant 0 : i32
      %scan3A_338 = arith.constant 32 : i32
      %scan3A_339 = arith.addi %scan3A_337, %scan3A_338 : i32
      %scan3A_340 = arith.constant 1 : i32
      scf.for %scan3A_342 = %scan3A_337 to %scan3A_339 step %scan3A_340  : i32 {
        %mul3A_343 = arith.constant 8 : i32
        %mul3A_344 = arith.muli %scan3A_342, %mul3A_343 : i32
        %add3A_345 = arith.constant 0 : i32
        %add3A_346 = arith.addi %mul3A_344, %add3A_345 : i32
        %mul3A_347 = arith.constant 16 : i32
        %mul3A_348 = arith.muli %add3A_346, %mul3A_347 : i32
        %get3A = arith.index_cast %mul3A_348 : i32 to index
        %get3A_349 = tpu.vector_load %arg5[%get3A] {strides = array<i32>} : memref<4096xi32, #tpu.memory_space<vmem>>, vector<16xi32>,
        %gt3A = vector.broadcast %or3A_335 : i32 to vector<16xi32>
        %gt3A_350 = arith.cmpi sgt, %get3A_349, %gt3A : vector<16xi32>
        %get3A_351 = arith.index_cast %mul3A_348 : i32 to index
        %get3A_352 = tpu.vector_load %arg6[%get3A_351] {strides = array<i32>} : memref<4096xi32, #tpu.memory_space<vmem>>, vector<16xi32>,
        %eq3A_353 = arith.constant 0 : i32
        %eq3A_354 = vector.broadcast %eq3A_353 : i32 to vector<16xi32>
        %eq3A_355 = arith.cmpi eq, %get3A_352, %eq3A_354 : vector<16xi32>
        %and3A_356 = arith.andi %gt3A_350, %eq3A_355 : vector<16xi1>
        %convert_element_type3A_357 = arith.extui %and3A_356 : vector<16xi1> to vector<16xi32>
        %swap3A = arith.index_cast %mul3A_348 : i32 to index
        %swap3A_358 = tpu.vector_load %arg6[%swap3A] {strides = array<i32>} : memref<4096xi32, #tpu.memory_space<vmem>>, vector<16xi32>,
        tpu.vector_store %arg6[%swap3A], %convert_element_type3A_357 {strides = array<i32>} : memref<4096xi32, #tpu.memory_space<vmem>>, vector<16xi32>,
        %mul3A_359 = arith.constant 8 : i32
        %mul3A_360 = arith.muli %scan3A_342, %mul3A_359 : i32
        %add3A_361 = arith.constant 1 : i32
        %add3A_362 = arith.addi %mul3A_360, %add3A_361 : i32
        %mul3A_363 = arith.constant 16 : i32
        %mul3A_364 = arith.muli %add3A_362, %mul3A_363 : i32
        %get3A_365 = arith.index_cast %mul3A_364 : i32 to index
        %get3A_366 = tpu.vector_load %arg5[%get3A_365] {strides = array<i32>} : memref<4096xi32, #tpu.memory_space<vmem>>, vector<16xi32>,
        %gt3A_367 = vector.broadcast %or3A_335 : i32 to vector<16xi32>
        %gt3A_368 = arith.cmpi sgt, %get3A_366, %gt3A_367 : vector<16xi32>
        %get3A_369 = arith.index_cast %mul3A_364 : i32 to index
        %get3A_370 = tpu.vector_load %arg6[%get3A_369] {strides = array<i32>} : memref<4096xi32, #tpu.memory_space<vmem>>, vector<16xi32>,
        %eq3A_371 = arith.constant 0 : i32
        %eq3A_372 = vector.broadcast %eq3A_371 : i32 to vector<16xi32>
        %eq3A_373 = arith.cmpi eq, %get3A_370, %eq3A_372 : vector<16xi32>
        %and3A_374 = arith.andi %gt3A_368, %eq3A_373 : vector<16xi1>
        %convert_element_type3A_375 = arith.extui %and3A_374 : vector<16xi1> to vector<16xi32>
        %swap3A_376 = arith.index_cast %mul3A_364 : i32 to index
        %swap3A_377 = tpu.vector_load %arg6[%swap3A_376] {strides = array<i32>} : memref<4096xi32, #tpu.memory_space<vmem>>, vector<16xi32>,
        tpu.vector_store %arg6[%swap3A_376], %convert_element_type3A_375 {strides = array<i32>} : memref<4096xi32, #tpu.memory_space<vmem>>, vector<16xi32>,
        %mul3A_378 = arith.constant 8 : i32
        %mul3A_379 = arith.muli %scan3A_342, %mul3A_378 : i32
        %add3A_380 = arith.constant 2 : i32
        %add3A_381 = arith.addi %mul3A_379, %add3A_380 : i32
        %mul3A_382 = arith.constant 16 : i32
        %mul3A_383 = arith.muli %add3A_381, %mul3A_382 : i32
        %get3A_384 = arith.index_cast %mul3A_383 : i32 to index
        %get3A_385 = tpu.vector_load %arg5[%get3A_384] {strides = array<i32>} : memref<4096xi32, #tpu.memory_space<vmem>>, vector<16xi32>,
        %gt3A_386 = vector.broadcast %or3A_335 : i32 to vector<16xi32>
        %gt3A_387 = arith.cmpi sgt, %get3A_385, %gt3A_386 : vector<16xi32>
        %get3A_388 = arith.index_cast %mul3A_383 : i32 to index
        %get3A_389 = tpu.vector_load %arg6[%get3A_388] {strides = array<i32>} : memref<4096xi32, #tpu.memory_space<vmem>>, vector<16xi32>,
        %eq3A_390 = arith.constant 0 : i32
        %eq3A_391 = vector.broadcast %eq3A_390 : i32 to vector<16xi32>
        %eq3A_392 = arith.cmpi eq, %get3A_389, %eq3A_391 : vector<16xi32>
        %and3A_393 = arith.andi %gt3A_387, %eq3A_392 : vector<16xi1>
        %convert_element_type3A_394 = arith.extui %and3A_393 : vector<16xi1> to vector<16xi32>
        %swap3A_395 = arith.index_cast %mul3A_383 : i32 to index
        %swap3A_396 = tpu.vector_load %arg6[%swap3A_395] {strides = array<i32>} : memref<4096xi32, #tpu.memory_space<vmem>>, vector<16xi32>,
        tpu.vector_store %arg6[%swap3A_395], %convert_element_type3A_394 {strides = array<i32>} : memref<4096xi32, #tpu.memory_space<vmem>>, vector<16xi32>,
        %mul3A_397 = arith.constant 8 : i32
        %mul3A_398 = arith.muli %scan3A_342, %mul3A_397 : i32
        %add3A_399 = arith.constant 3 : i32
        %add3A_400 = arith.addi %mul3A_398, %add3A_399 : i32
        %mul3A_401 = arith.constant 16 : i32
        %mul3A_402 = arith.muli %add3A_400, %mul3A_401 : i32
        %get3A_403 = arith.index_cast %mul3A_402 : i32 to index
        %get3A_404 = tpu.vector_load %arg5[%get3A_403] {strides = array<i32>} : memref<4096xi32, #tpu.memory_space<vmem>>, vector<16xi32>,
        %gt3A_405 = vector.broadcast %or3A_335 : i32 to vector<16xi32>
        %gt3A_406 = arith.cmpi sgt, %get3A_404, %gt3A_405 : vector<16xi32>
        %get3A_407 = arith.index_cast %mul3A_402 : i32 to index
        %get3A_408 = tpu.vector_load %arg6[%get3A_407] {strides = array<i32>} : memref<4096xi32, #tpu.memory_space<vmem>>, vector<16xi32>,
        %eq3A_409 = arith.constant 0 : i32
        %eq3A_410 = vector.broadcast %eq3A_409 : i32 to vector<16xi32>
        %eq3A_411 = arith.cmpi eq, %get3A_408, %eq3A_410 : vector<16xi32>
        %and3A_412 = arith.andi %gt3A_406, %eq3A_411 : vector<16xi1>
        %convert_element_type3A_413 = arith.extui %and3A_412 : vector<16xi1> to vector<16xi32>
        %swap3A_414 = arith.index_cast %mul3A_402 : i32 to index
        %swap3A_415 = tpu.vector_load %arg6[%swap3A_414] {strides = array<i32>} : memref<4096xi32, #tpu.memory_space<vmem>>, vector<16xi32>,
        tpu.vector_store %arg6[%swap3A_414], %convert_element_type3A_413 {strides = array<i32>} : memref<4096xi32, #tpu.memory_space<vmem>>, vector<16xi32>,
        %mul3A_416 = arith.constant 8 : i32
        %mul3A_417 = arith.muli %scan3A_342, %mul3A_416 : i32
        %add3A_418 = arith.constant 4 : i32
        %add3A_419 = arith.addi %mul3A_417, %add3A_418 : i32
        %mul3A_420 = arith.constant 16 : i32
        %mul3A_421 = arith.muli %add3A_419, %mul3A_420 : i32
        %get3A_422 = arith.index_cast %mul3A_421 : i32 to index
        %get3A_423 = tpu.vector_load %arg5[%get3A_422] {strides = array<i32>} : memref<4096xi32, #tpu.memory_space<vmem>>, vector<16xi32>,
        %gt3A_424 = vector.broadcast %or3A_335 : i32 to vector<16xi32>
        %gt3A_425 = arith.cmpi sgt, %get3A_423, %gt3A_424 : vector<16xi32>
        %get3A_426 = arith.index_cast %mul3A_421 : i32 to index
        %get3A_427 = tpu.vector_load %arg6[%get3A_426] {strides = array<i32>} : memref<4096xi32, #tpu.memory_space<vmem>>, vector<16xi32>,
        %eq3A_428 = arith.constant 0 : i32
        %eq3A_429 = vector.broadcast %eq3A_428 : i32 to vector<16xi32>
        %eq3A_430 = arith.cmpi eq, %get3A_427, %eq3A_429 : vector<16xi32>
        %and3A_431 = arith.andi %gt3A_425, %eq3A_430 : vector<16xi1>
        %convert_element_type3A_432 = arith.extui %and3A_431 : vector<16xi1> to vector<16xi32>
        %swap3A_433 = arith.index_cast %mul3A_421 : i32 to index
        %swap3A_434 = tpu.vector_load %arg6[%swap3A_433] {strides = array<i32>} : memref<4096xi32, #tpu.memory_space<vmem>>, vector<16xi32>,
        tpu.vector_store %arg6[%swap3A_433], %convert_element_type3A_432 {strides = array<i32>} : memref<4096xi32, #tpu.memory_space<vmem>>, vector<16xi32>,
        %mul3A_435 = arith.constant 8 : i32
        %mul3A_436 = arith.muli %scan3A_342, %mul3A_435 : i32
        %add3A_437 = arith.constant 5 : i32
        %add3A_438 = arith.addi %mul3A_436, %add3A_437 : i32
        %mul3A_439 = arith.constant 16 : i32
        %mul3A_440 = arith.muli %add3A_438, %mul3A_439 : i32
        %get3A_441 = arith.index_cast %mul3A_440 : i32 to index
        %get3A_442 = tpu.vector_load %arg5[%get3A_441] {strides = array<i32>} : memref<4096xi32, #tpu.memory_space<vmem>>, vector<16xi32>,
        %gt3A_443 = vector.broadcast %or3A_335 : i32 to vector<16xi32>
        %gt3A_444 = arith.cmpi sgt, %get3A_442, %gt3A_443 : vector<16xi32>
        %get3A_445 = arith.index_cast %mul3A_440 : i32 to index
        %get3A_446 = tpu.vector_load %arg6[%get3A_445] {strides = array<i32>} : memref<4096xi32, #tpu.memory_space<vmem>>, vector<16xi32>,
        %eq3A_447 = arith.constant 0 : i32
        %eq3A_448 = vector.broadcast %eq3A_447 : i32 to vector<16xi32>
        %eq3A_449 = arith.cmpi eq, %get3A_446, %eq3A_448 : vector<16xi32>
        %and3A_450 = arith.andi %gt3A_444, %eq3A_449 : vector<16xi1>
        %convert_element_type3A_451 = arith.extui %and3A_450 : vector<16xi1> to vector<16xi32>
        %swap3A_452 = arith.index_cast %mul3A_440 : i32 to index
        %swap3A_453 = tpu.vector_load %arg6[%swap3A_452] {strides = array<i32>} : memref<4096xi32, #tpu.memory_space<vmem>>, vector<16xi32>,
        tpu.vector_store %arg6[%swap3A_452], %convert_element_type3A_451 {strides = array<i32>} : memref<4096xi32, #tpu.memory_space<vmem>>, vector<16xi32>,
        %mul3A_454 = arith.constant 8 : i32
        %mul3A_455 = arith.muli %scan3A_342, %mul3A_454 : i32
        %add3A_456 = arith.constant 6 : i32
        %add3A_457 = arith.addi %mul3A_455, %add3A_456 : i32
        %mul3A_458 = arith.constant 16 : i32
        %mul3A_459 = arith.muli %add3A_457, %mul3A_458 : i32
        %get3A_460 = arith.index_cast %mul3A_459 : i32 to index
        %get3A_461 = tpu.vector_load %arg5[%get3A_460] {strides = array<i32>} : memref<4096xi32, #tpu.memory_space<vmem>>, vector<16xi32>,
        %gt3A_462 = vector.broadcast %or3A_335 : i32 to vector<16xi32>
        %gt3A_463 = arith.cmpi sgt, %get3A_461, %gt3A_462 : vector<16xi32>
        %get3A_464 = arith.index_cast %mul3A_459 : i32 to index
        %get3A_465 = tpu.vector_load %arg6[%get3A_464] {strides = array<i32>} : memref<4096xi32, #tpu.memory_space<vmem>>, vector<16xi32>,
        %eq3A_466 = arith.constant 0 : i32
        %eq3A_467 = vector.broadcast %eq3A_466 : i32 to vector<16xi32>
        %eq3A_468 = arith.cmpi eq, %get3A_465, %eq3A_467 : vector<16xi32>
        %and3A_469 = arith.andi %gt3A_463, %eq3A_468 : vector<16xi1>
        %convert_element_type3A_470 = arith.extui %and3A_469 : vector<16xi1> to vector<16xi32>
        %swap3A_471 = arith.index_cast %mul3A_459 : i32 to index
        %swap3A_472 = tpu.vector_load %arg6[%swap3A_471] {strides = array<i32>} : memref<4096xi32, #tpu.memory_space<vmem>>, vector<16xi32>,
        tpu.vector_store %arg6[%swap3A_471], %convert_element_type3A_470 {strides = array<i32>} : memref<4096xi32, #tpu.memory_space<vmem>>, vector<16xi32>,
        %mul3A_473 = arith.constant 8 : i32
        %mul3A_474 = arith.muli %scan3A_342, %mul3A_473 : i32
        %add3A_475 = arith.constant 7 : i32
        %add3A_476 = arith.addi %mul3A_474, %add3A_475 : i32
        %mul3A_477 = arith.constant 16 : i32
        %mul3A_478 = arith.muli %add3A_476, %mul3A_477 : i32
        %get3A_479 = arith.index_cast %mul3A_478 : i32 to index
        %get3A_480 = tpu.vector_load %arg5[%get3A_479] {strides = array<i32>} : memref<4096xi32, #tpu.memory_space<vmem>>, vector<16xi32>,
        %gt3A_481 = vector.broadcast %or3A_335 : i32 to vector<16xi32>
        %gt3A_482 = arith.cmpi sgt, %get3A_480, %gt3A_481 : vector<16xi32>
        %get3A_483 = arith.index_cast %mul3A_478 : i32 to index
        %get3A_484 = tpu.vector_load %arg6[%get3A_483] {strides = array<i32>} : memref<4096xi32, #tpu.memory_space<vmem>>, vector<16xi32>,
        %eq3A_485 = arith.constant 0 : i32
        %eq3A_486 = vector.broadcast %eq3A_485 : i32 to vector<16xi32>
        %eq3A_487 = arith.cmpi eq, %get3A_484, %eq3A_486 : vector<16xi32>
        %and3A_488 = arith.andi %gt3A_482, %eq3A_487 : vector<16xi1>
        %convert_element_type3A_489 = arith.extui %and3A_488 : vector<16xi1> to vector<16xi32>
        %swap3A_490 = arith.index_cast %mul3A_478 : i32 to index
        %swap3A_491 = tpu.vector_load %arg6[%swap3A_490] {strides = array<i32>} : memref<4096xi32, #tpu.memory_space<vmem>>, vector<16xi32>,
        tpu.vector_store %arg6[%swap3A_490], %convert_element_type3A_489 {strides = array<i32>} : memref<4096xi32, #tpu.memory_space<vmem>>, vector<16xi32>,
      }
      %scan3A_341 = arith.constant 32 : i32
      "tpu.region"() ({
        %run_scoped3A = tpu.sem_alloc : memref<!tpu.dma_semaphore, #tpu.memory_space<semaphore_mem>>
        %dma_start3A = arith.constant 0 : i32
        %dma_start3A_342 = tpu.memref_slice %arg4[%add3A, %dma_start3A] : memref<4x4096xi32, #tpu.memory_space<hbm>> -> memref<1x4096xi32, #tpu.memory_space<hbm>>
        %dma_start3A_343 = tpu.memref_squeeze %dma_start3A_342 : memref<1x4096xi32, #tpu.memory_space<hbm>> -> memref<4096xi32, #tpu.memory_space<hbm>>
        %dma_start3A_344 = arith.constant 0 : i32
        %dma_start3A_345 = tpu.memref_slice %arg4[%add3A, %dma_start3A_344] : memref<4x4096xi32, #tpu.memory_space<hbm>> -> memref<1x4096xi32, #tpu.memory_space<hbm>>
        %dma_start3A_346 = tpu.memref_squeeze %dma_start3A_345 : memref<1x4096xi32, #tpu.memory_space<hbm>> -> memref<4096xi32, #tpu.memory_space<hbm>>
        tpu.enqueue_dma source(%arg6 : memref<4096xi32, #tpu.memory_space<vmem>>) target(%dma_start3A_346 : memref<4096xi32, #tpu.memory_space<hbm>>) target_semaphore(%run_scoped3A : memref<!tpu.dma_semaphore, #tpu.memory_space<semaphore_mem>>)
        %dma_wait3A = arith.constant 0 : i32
        %dma_wait3A_347 = tpu.memref_slice %arg4[%add3A, %dma_wait3A] : memref<4x4096xi32, #tpu.memory_space<hbm>> -> memref<1x4096xi32, #tpu.memory_space<hbm>>
        %dma_wait3A_348 = tpu.memref_squeeze %dma_wait3A_347 : memref<1x4096xi32, #tpu.memory_space<hbm>> -> memref<4096xi32, #tpu.memory_space<hbm>>
        %dma_wait3A_349 = arith.constant 0 : i32
        %dma_wait3A_350 = tpu.memref_slice %arg4[%add3A, %dma_wait3A_349] : memref<4x4096xi32, #tpu.memory_space<hbm>> -> memref<1x4096xi32, #tpu.memory_space<hbm>>
        %dma_wait3A_351 = tpu.memref_squeeze %dma_wait3A_350 : memref<1x4096xi32, #tpu.memory_space<hbm>> -> memref<4096xi32, #tpu.memory_space<hbm>>
        tpu.wait_dma2 semaphore(%run_scoped3A : memref<!tpu.dma_semaphore, #tpu.memory_space<semaphore_mem>>) src(%arg6 : memref<4096xi32, #tpu.memory_space<vmem>>) dst(%dma_wait3A_351 : memref<4096xi32, #tpu.memory_space<hbm>>)
        tpu.yield
      }) : () -> ()
    } else {
    }
    return
  }
}

module attributes {stable_mosaic.version = 14 : i64} {
  func.func @_score_body(%arg0: i32, %arg1: memref<1x1024x2048xf32, #tpu.memory_space<vmem>>, %arg2: memref<2048x512xf32, #tpu.memory_space<vmem>>, %arg3: memref<1x512xf32, #tpu.memory_space<vmem>>, %arg4: memref<512x128xf32, #tpu.memory_space<vmem>>, %arg5: memref<1x1xf32, #tpu.memory_space<smem>>, %arg6: memref<1x1x1xf32, #tpu.memory_space<smem>>, %arg7: memref<1x1x1024xf32, #tpu.memory_space<vmem>>) attributes {dimension_semantics = [#tpu.dimension_semantics<arbitrary>], iteration_bounds = array<i64: 16>, scalar_prefetch = 0 : i64, scratch_operands = 0 : i64, tpu.core_type = #tpu.core_type<tc>, window_params = [{transform_indices = @transform_0, window_bounds = array<i64: 1, 1024, 2048>}, {pipeline_mode = #tpu.pipeline_mode<synchronous>, transform_indices = @transform_1, window_bounds = array<i64: 2048, 512>}, {pipeline_mode = #tpu.pipeline_mode<synchronous>, transform_indices = @transform_2, window_bounds = array<i64: 1, 512>}, {pipeline_mode = #tpu.pipeline_mode<synchronous>, transform_indices = @transform_3, window_bounds = array<i64: 512, 128>}, {transform_indices = @transform_4, window_bounds = array<i64: 1, 1>}, {transform_indices = @transform_5, window_bounds = array<i64: 1, 1, 1>}, {transform_indices = @transform_6, window_bounds = array<i64: 1, 1, 1024>}]} {
    %get3A = arith.constant 0 : index
    %get3A_0 = arith.constant 0 : index
    %get3A_1 = arith.constant 0 : index
    %get3A_2 = vector.load %arg1[%get3A, %get3A_0, %get3A_1] : memref<1x1024x2048xf32, #tpu.memory_space<vmem>>, vector<1x1024x2048xf32>
    %get3A_3 = vector.shape_cast %get3A_2 : vector<1x1024x2048xf32> to vector<1024x2048xf32>
    %convert_element_type3A = arith.truncf %get3A_3 : vector<1024x2048xf32> to vector<1024x2048xbf16>
    %get3A_4 = arith.constant 0 : index
    %get3A_5 = arith.constant 0 : index
    %get3A_6 = vector.load %arg2[%get3A_4, %get3A_5] : memref<2048x512xf32, #tpu.memory_space<vmem>>, vector<2048x512xf32>
    %convert_element_type3A_7 = arith.truncf %get3A_6 : vector<2048x512xf32> to vector<2048x512xbf16>
    %dot_general3A = arith.constant dense<0.000000e+00> : vector<1024x512xf32>
    %dot_general3A_8 = tpu.matmul %convert_element_type3A, %convert_element_type3A_7, %dot_general3A {dimension_numbers = #tpu.dot_dimension_numbers<[1], [0], [0], [1], [0, 0, 1, 1], [], []>, transpose_lhs_hint = false} : vector<1024x2048xbf16>, vector<2048x512xbf16>, vector<1024x512xf32> -> vector<1024x512xf32>
    %get3A_9 = arith.constant 0 : index
    %get3A_10 = arith.constant 0 : index
    %get3A_11 = vector.load %arg3[%get3A_9, %get3A_10] : memref<1x512xf32, #tpu.memory_space<vmem>>, vector<1x512xf32>
    %add3A = vector.broadcast %get3A_11 : vector<1x512xf32> to vector<1024x512xf32>
    %add3A_12 = arith.addf %dot_general3A_8, %add3A : vector<1024x512xf32>
    %mul3A = arith.constant 5.000000e-01 : f32
    %mul3A_13 = vector.broadcast %mul3A : f32 to vector<1024x512xf32>
    %mul3A_14 = arith.mulf %mul3A_13, %add3A_12 : vector<1024x512xf32>
    %mul3A_15 = arith.constant -0.707106769 : f32
    %mul3A_16 = vector.broadcast %mul3A_15 : f32 to vector<1024x512xf32>
    %mul3A_17 = arith.mulf %add3A_12, %mul3A_16 : vector<1024x512xf32>
    %abs3A = math.absf %mul3A_17 : vector<1024x512xf32>
    %mul3A_18 = arith.mulf %mul3A_17, %mul3A_17 : vector<1024x512xf32>
    %neg3A = arith.constant 0.000000e+00 : f32
    %neg3A_19 = vector.broadcast %neg3A : f32 to vector<1024x512xf32>
    %neg3A_20 = arith.subf %neg3A_19, %mul3A_18 : vector<1024x512xf32>
    %exp3A = math.exp %neg3A_20 : vector<1024x512xf32>
    %div3A = arith.constant 1.000000e+00 : f32
    %div3A_21 = vector.broadcast %div3A : f32 to vector<1024x512xf32>
    %div3A_22 = arith.divf %div3A_21, %abs3A : vector<1024x512xf32>
    %mul3A_23 = arith.mulf %div3A_22, %div3A_22 : vector<1024x512xf32>
    %lt3A = arith.constant 2.000000e+00 : f32
    %lt3A_24 = vector.broadcast %lt3A : f32 to vector<1024x512xf32>
    %lt3A_25 = arith.cmpf olt, %abs3A, %lt3A_24 : vector<1024x512xf32>
    %broadcast_in_dim3A = arith.constant 0.000000e+00 : f32
    %broadcast_in_dim3A_26 = vector.broadcast %broadcast_in_dim3A : f32 to vector<1024x512xf32>
    %mul3A_27 = arith.mulf %broadcast_in_dim3A_26, %mul3A_23 : vector<1024x512xf32>
    %jit3A = arith.constant 2.326820e-02 : f32
    %jit3A_28 = arith.constant 0.000000e+00 : f32
    %broadcast_in_dim3A_29 = vector.broadcast %jit3A : f32 to vector<1024x512xf32>
    %broadcast_in_dim3A_30 = vector.broadcast %jit3A_28 : f32 to vector<1024x512xf32>
    %select_n3A = arith.select %lt3A_25, %broadcast_in_dim3A_29, %broadcast_in_dim3A_30 : vector<1024x512xi1>, vector<1024x512xf32>
    %add3A_31 = arith.addf %mul3A_27, %select_n3A : vector<1024x512xf32>
    %mul3A_32 = arith.mulf %add3A_31, %mul3A_23 : vector<1024x512xf32>
    %jit3A_33 = arith.constant -0.138703942 : f32
    %jit3A_34 = arith.constant -10.477664 : f32
    %broadcast_in_dim3A_35 = vector.broadcast %jit3A_33 : f32 to vector<1024x512xf32>
    %broadcast_in_dim3A_36 = vector.broadcast %jit3A_34 : f32 to vector<1024x512xf32>
    %select_n3A_37 = arith.select %lt3A_25, %broadcast_in_dim3A_35, %broadcast_in_dim3A_36 : vector<1024x512xi1>, vector<1024x512xf32>
    %add3A_38 = arith.addf %mul3A_32, %select_n3A_37 : vector<1024x512xf32>
    %mul3A_39 = arith.mulf %add3A_38, %mul3A_23 : vector<1024x512xf32>
    %jit3A_40 = arith.constant 0.368742466 : f32
    %jit3A_41 = arith.constant 1.297720e+01 : f32
    %broadcast_in_dim3A_42 = vector.broadcast %jit3A_40 : f32 to vector<1024x512xf32>
    %broadcast_in_dim3A_43 = vector.broadcast %jit3A_41 : f32 to vector<1024x512xf32>
    %select_n3A_44 = arith.select %lt3A_25, %broadcast_in_dim3A_42, %broadcast_in_dim3A_43 : vector<1024x512xi1>, vector<1024x512xf32>
    %add3A_45 = arith.addf %mul3A_39, %select_n3A_44 : vector<1024x512xf32>
    %mul3A_46 = arith.mulf %add3A_45, %mul3A_23 : vector<1024x512xf32>
    %jit3A_47 = arith.constant -0.582473278 : f32
    %jit3A_48 = arith.constant -7.49551868 : f32
    %broadcast_in_dim3A_49 = vector.broadcast %jit3A_47 : f32 to vector<1024x512xf32>
    %broadcast_in_dim3A_50 = vector.broadcast %jit3A_48 : f32 to vector<1024x512xf32>
    %select_n3A_51 = arith.select %lt3A_25, %broadcast_in_dim3A_49, %broadcast_in_dim3A_50 : vector<1024x512xi1>, vector<1024x512xf32>
    %add3A_52 = arith.addf %mul3A_46, %select_n3A_51 : vector<1024x512xf32>
    %mul3A_53 = arith.mulf %add3A_52, %mul3A_23 : vector<1024x512xf32>
    %jit3A_54 = arith.constant 0.621000468 : f32
    %jit3A_55 = arith.constant 2.92101908 : f32
    %broadcast_in_dim3A_56 = vector.broadcast %jit3A_54 : f32 to vector<1024x512xf32>
    %broadcast_in_dim3A_57 = vector.broadcast %jit3A_55 : f32 to vector<1024x512xf32>
    %select_n3A_58 = arith.select %lt3A_25, %broadcast_in_dim3A_56, %broadcast_in_dim3A_57 : vector<1024x512xi1>, vector<1024x512xf32>
    %add3A_59 = arith.addf %mul3A_53, %select_n3A_58 : vector<1024x512xf32>
    %mul3A_60 = arith.mulf %add3A_59, %mul3A_23 : vector<1024x512xf32>
    %jit3A_61 = arith.constant -0.494451523 : f32
    %jit3A_62 = arith.constant -1.01526523 : f32
    %broadcast_in_dim3A_63 = vector.broadcast %jit3A_61 : f32 to vector<1024x512xf32>
    %broadcast_in_dim3A_64 = vector.broadcast %jit3A_62 : f32 to vector<1024x512xf32>
    %select_n3A_65 = arith.select %lt3A_25, %broadcast_in_dim3A_63, %broadcast_in_dim3A_64 : vector<1024x512xi1>, vector<1024x512xf32>
    %add3A_66 = arith.addf %mul3A_60, %select_n3A_65 : vector<1024x512xf32>
    %mul3A_67 = arith.mulf %add3A_66, %mul3A_23 : vector<1024x512xf32>
    %jit3A_68 = arith.constant 3.404880e-01 : f32
    %jit3A_69 = arith.constant 0.42184633 : f32
    %broadcast_in_dim3A_70 = vector.broadcast %jit3A_68 : f32 to vector<1024x512xf32>
    %broadcast_in_dim3A_71 = vector.broadcast %jit3A_69 : f32 to vector<1024x512xf32>
    %select_n3A_72 = arith.select %lt3A_25, %broadcast_in_dim3A_70, %broadcast_in_dim3A_71 : vector<1024x512xi1>, vector<1024x512xf32>
    %add3A_73 = arith.addf %mul3A_67, %select_n3A_72 : vector<1024x512xf32>
    %mul3A_74 = arith.mulf %add3A_73, %mul3A_23 : vector<1024x512xf32>
    %jit3A_75 = arith.constant -0.274112701 : f32
    %jit3A_76 = arith.constant -0.282076746 : f32
    %broadcast_in_dim3A_77 = vector.broadcast %jit3A_75 : f32 to vector<1024x512xf32>
    %broadcast_in_dim3A_78 = vector.broadcast %jit3A_76 : f32 to vector<1024x512xf32>
    %select_n3A_79 = arith.select %lt3A_25, %broadcast_in_dim3A_77, %broadcast_in_dim3A_78 : vector<1024x512xi1>, vector<1024x512xf32>
    %add3A_80 = arith.addf %mul3A_74, %select_n3A_79 : vector<1024x512xf32>
    %mul3A_81 = arith.mulf %add3A_80, %mul3A_23 : vector<1024x512xf32>
    %jit3A_82 = arith.constant 0.563825965 : f32
    %jit3A_83 = arith.constant 0.564189494 : f32
    %broadcast_in_dim3A_84 = vector.broadcast %jit3A_82 : f32 to vector<1024x512xf32>
    %broadcast_in_dim3A_85 = vector.broadcast %jit3A_83 : f32 to vector<1024x512xf32>
    %select_n3A_86 = arith.select %lt3A_25, %broadcast_in_dim3A_84, %broadcast_in_dim3A_85 : vector<1024x512xi1>, vector<1024x512xf32>
    %add3A_87 = arith.addf %mul3A_81, %select_n3A_86 : vector<1024x512xf32>
    %mul3A_88 = arith.mulf %exp3A, %div3A_22 : vector<1024x512xf32>
    %mul3A_89 = arith.mulf %mul3A_88, %add3A_87 : vector<1024x512xf32>
    %lt3A_90 = arith.constant -88.7228394 : f32
    %lt3A_91 = vector.broadcast %lt3A_90 : f32 to vector<1024x512xf32>
    %lt3A_92 = arith.cmpf olt, %neg3A_20, %lt3A_91 : vector<1024x512xf32>
    %jit3A_93 = arith.constant 0.000000e+00 : f32
    %broadcast_in_dim3A_94 = vector.broadcast %jit3A_93 : f32 to vector<1024x512xf32>
    %select_n3A_95 = arith.select %lt3A_92, %broadcast_in_dim3A_94, %mul3A_89 : vector<1024x512xi1>, vector<1024x512xf32>
    %lt3A_96 = arith.constant 0.000000e+00 : f32
    %lt3A_97 = vector.broadcast %lt3A_96 : f32 to vector<1024x512xf32>
    %lt3A_98 = arith.cmpf olt, %mul3A_17, %lt3A_97 : vector<1024x512xf32>
    %sub3A = arith.constant 2.000000e+00 : f32
    %sub3A_99 = vector.broadcast %sub3A : f32 to vector<1024x512xf32>
    %sub3A_100 = arith.subf %sub3A_99, %select_n3A_95 : vector<1024x512xf32>
    %select_n3A_101 = arith.select %lt3A_98, %sub3A_100, %select_n3A_95 : vector<1024x512xi1>, vector<1024x512xf32>
    %mul3A_102 = arith.mulf %mul3A_17, %mul3A_17 : vector<1024x512xf32>
    %broadcast_in_dim3A_103 = arith.constant 0.000000e+00 : f32
    %broadcast_in_dim3A_104 = vector.broadcast %broadcast_in_dim3A_103 : f32 to vector<1024x512xf32>
    %mul3A_105 = arith.mulf %broadcast_in_dim3A_104, %mul3A_102 : vector<1024x512xf32>
    %add3A_106 = arith.constant 7.85386146E-5 : f32
    %add3A_107 = vector.broadcast %add3A_106 : f32 to vector<1024x512xf32>
    %add3A_108 = arith.addf %mul3A_105, %add3A_107 : vector<1024x512xf32>
    %mul3A_109 = arith.mulf %add3A_108, %mul3A_102 : vector<1024x512xf32>
    %add3A_110 = arith.constant -8.0101937E-4 : f32
    %add3A_111 = vector.broadcast %add3A_110 : f32 to vector<1024x512xf32>
    %add3A_112 = arith.addf %mul3A_109, %add3A_111 : vector<1024x512xf32>
    %mul3A_113 = arith.mulf %add3A_112, %mul3A_102 : vector<1024x512xf32>
    %add3A_114 = arith.constant 0.00518832775 : f32
    %add3A_115 = vector.broadcast %add3A_114 : f32 to vector<1024x512xf32>
    %add3A_116 = arith.addf %mul3A_113, %add3A_115 : vector<1024x512xf32>
    %mul3A_117 = arith.mulf %add3A_116, %mul3A_102 : vector<1024x512xf32>
    %add3A_118 = arith.constant -0.0268538129 : f32
    %add3A_119 = vector.broadcast %add3A_118 : f32 to vector<1024x512xf32>
    %add3A_120 = arith.addf %mul3A_117, %add3A_119 : vector<1024x512xf32>
    %mul3A_121 = arith.mulf %add3A_120, %mul3A_102 : vector<1024x512xf32>
    %add3A_122 = arith.constant 0.112835854 : f32
    %add3A_123 = vector.broadcast %add3A_122 : f32 to vector<1024x512xf32>
    %add3A_124 = arith.addf %mul3A_121, %add3A_123 : vector<1024x512xf32>
    %mul3A_125 = arith.mulf %add3A_124, %mul3A_102 : vector<1024x512xf32>
    %add3A_126 = arith.constant -0.37612626 : f32
    %add3A_127 = vector.broadcast %add3A_126 : f32 to vector<1024x512xf32>
    %add3A_128 = arith.addf %mul3A_125, %add3A_127 : vector<1024x512xf32>
    %mul3A_129 = arith.mulf %add3A_128, %mul3A_102 : vector<1024x512xf32>
    %add3A_130 = arith.constant 1.12837911 : f32
    %add3A_131 = vector.broadcast %add3A_130 : f32 to vector<1024x512xf32>
    %add3A_132 = arith.addf %mul3A_129, %add3A_131 : vector<1024x512xf32>
    %mul3A_133 = arith.mulf %mul3A_17, %add3A_132 : vector<1024x512xf32>
    %gt3A = arith.constant 1.000000e+00 : f32
    %gt3A_134 = vector.broadcast %gt3A : f32 to vector<1024x512xf32>
    %gt3A_135 = arith.cmpf ogt, %abs3A, %gt3A_134 : vector<1024x512xf32>
    %sub3A_136 = arith.constant 1.000000e+00 : f32
    %sub3A_137 = vector.broadcast %sub3A_136 : f32 to vector<1024x512xf32>
    %sub3A_138 = arith.subf %sub3A_137, %mul3A_133 : vector<1024x512xf32>
    %select_n3A_139 = arith.select %gt3A_135, %select_n3A_101, %sub3A_138 : vector<1024x512xi1>, vector<1024x512xf32>
    %mul3A_140 = arith.mulf %mul3A_14, %select_n3A_139 : vector<1024x512xf32>
    %convert_element_type3A_141 = arith.truncf %mul3A_140 : vector<1024x512xf32> to vector<1024x512xbf16>
    %get3A_142 = arith.constant 0 : index
    %get3A_143 = arith.constant 0 : index
    %get3A_144 = vector.load %arg4[%get3A_142, %get3A_143] : memref<512x128xf32, #tpu.memory_space<vmem>>, vector<512x128xf32>
    %convert_element_type3A_145 = arith.truncf %get3A_144 : vector<512x128xf32> to vector<512x128xbf16>
    %dot_general3A_146 = arith.constant dense<0.000000e+00> : vector<1024x128xf32>
    %dot_general3A_147 = tpu.matmul %convert_element_type3A_141, %convert_element_type3A_145, %dot_general3A_146 {dimension_numbers = #tpu.dot_dimension_numbers<[1], [0], [0], [1], [0, 0, 1, 1], [], []>, transpose_lhs_hint = false} : vector<1024x512xbf16>, vector<512x128xbf16>, vector<1024x128xf32> -> vector<1024x128xf32>
    %slice3A = vector.extract_strided_slice %dot_general3A_147 {offsets = [0, 0], sizes = [1024, 1], strides = [1, 1]} : vector<1024x128xf32> to vector<1024x1xf32>
    %squeeze3A = vector.shape_cast %slice3A : vector<1024x1xf32> to vector<1024xf32>
    %get3A_148 = arith.constant 0 : index
    %get3A_149 = arith.constant 0 : index
    %get3A_150 = memref.load %arg5[%get3A_148, %get3A_149] : memref<1x1xf32, #tpu.memory_space<smem>>
    %add3A_151 = vector.broadcast %get3A_150 : f32 to vector<1024xf32>
    %add3A_152 = arith.addf %squeeze3A, %add3A_151 : vector<1024xf32>
    %neg3A_153 = arith.constant 0.000000e+00 : f32
    %neg3A_154 = vector.broadcast %neg3A_153 : f32 to vector<1024xf32>
    %neg3A_155 = arith.subf %neg3A_154, %add3A_152 : vector<1024xf32>
    %exp3A_156 = math.exp %neg3A_155 : vector<1024xf32>
    %add3A_157 = arith.constant 1.000000e+00 : f32
    %add3A_158 = vector.broadcast %add3A_157 : f32 to vector<1024xf32>
    %add3A_159 = arith.addf %add3A_158, %exp3A_156 : vector<1024xf32>
    %div3A_160 = arith.constant 1.000000e+00 : f32
    %div3A_161 = vector.broadcast %div3A_160 : f32 to vector<1024xf32>
    %div3A_162 = arith.divf %div3A_161, %add3A_159 : vector<1024xf32>
    %get3A_163 = arith.constant 0 : index
    %get3A_164 = arith.constant 0 : index
    %get3A_165 = arith.constant 0 : index
    %get3A_166 = memref.load %arg6[%get3A_163, %get3A_164, %get3A_165] : memref<1x1x1xf32, #tpu.memory_space<smem>>
    %mul3A_167 = vector.broadcast %get3A_166 : f32 to vector<1024xf32>
    %mul3A_168 = arith.mulf %div3A_162, %mul3A_167 : vector<1024xf32>
    %swap3A = arith.constant 0 : index
    %swap3A_169 = arith.constant 0 : index
    %swap3A_170 = arith.constant 0 : index
    %swap3A_171 = vector.load %arg7[%swap3A, %swap3A_169, %swap3A_170] : memref<1x1x1024xf32, #tpu.memory_space<vmem>>, vector<1x1x1024xf32>
    %swap3A_172 = vector.shape_cast %swap3A_171 : vector<1x1x1024xf32> to vector<1024xf32>
    %swap3A_173 = vector.shape_cast %mul3A_168 : vector<1024xf32> to vector<1x1x1024xf32>
    tpu.vector_store %arg7[%swap3A, %swap3A_169, %swap3A_170], %swap3A_173 {strides = array<i32>} : memref<1x1x1024xf32, #tpu.memory_space<vmem>>, vector<1x1x1024xf32>,
    return
  }
  func.func @transform_0(%arg0: i32) -> (i32, i32, i32) {
    %c0_i32 = arith.constant 0 : i32
    %c0_i32_0 = arith.constant 0 : i32
    %c0_i32_1 = arith.constant 0 : i32
    return %arg0, %c0_i32, %c0_i32_0 : i32, i32, i32
  }
  func.func @transform_1(%arg0: i32) -> (i32, i32) {
    %c0_i32 = arith.constant 0 : i32
    %c0_i32_0 = arith.constant 0 : i32
    %c0_i32_1 = arith.constant 0 : i32
    return %c0_i32, %c0_i32_0 : i32, i32
  }
  func.func @transform_2(%arg0: i32) -> (i32, i32) {
    %c0_i32 = arith.constant 0 : i32
    %c0_i32_0 = arith.constant 0 : i32
    %c0_i32_1 = arith.constant 0 : i32
    return %c0_i32, %c0_i32_0 : i32, i32
  }
  func.func @transform_3(%arg0: i32) -> (i32, i32) {
    %c0_i32 = arith.constant 0 : i32
    %c0_i32_0 = arith.constant 0 : i32
    %c0_i32_1 = arith.constant 0 : i32
    return %c0_i32, %c0_i32_0 : i32, i32
  }
  func.func @transform_4(%arg0: i32) -> (i32, i32) {
    %c0_i32 = arith.constant 0 : i32
    %c0_i32_0 = arith.constant 0 : i32
    %c0_i32_1 = arith.constant 0 : i32
    return %c0_i32, %c0_i32_0 : i32, i32
  }
  func.func @transform_5(%arg0: i32) -> (i32, i32, i32) {
    %c0_i32 = arith.constant 0 : i32
    %c0_i32_0 = arith.constant 0 : i32
    %c0_i32_1 = arith.constant 0 : i32
    return %arg0, %c0_i32, %c0_i32_0 : i32, i32, i32
  }
  func.func @transform_6(%arg0: i32) -> (i32, i32, i32) {
    %c0_i32 = arith.constant 0 : i32
    %c0_i32_0 = arith.constant 0 : i32
    %c0_i32_1 = arith.constant 0 : i32
    return %arg0, %c0_i32, %c0_i32_0 : i32, i32, i32
  }
}

</mosaic_0001>

<sc_bundles>
// kernel: kernel.4.cloned.1.call-start
scs
__scs_entry_jumppad:
0x0: {  	(pc) =	sbr.rel $0x88, $3  }
0x1: {  	(tag) =	ssettag $0x0;
	lr =	simm.s32 $0x1  }
0x2: {  	[smem:$0x3F9A] =	sst lr;
	_ =	strace $0xD0000000  }
0x3: {  	_ = 	snop  }
0x4: {  	_ = 	snop  }
0x5: {  	_ = 	snop  }
0x6: {  	_ = 	snop  }
0x7: {  	_ = 	snop  }
__scs_overlays_trampoline_lowered:
0x8: {  	[smem:$0x3FA9] =	sst s0  }
0x9: {  	[smem:$0x3FAA] =	sst s1  }
0xa: {  	[smem:$0x3FAB] =	sst s2  }
0xb: {  	[smem:$0x3FAC] =	sst s3  }
0xc: {  	[smem:$0x3FAD] =	sst s4  }
0xd: {  	[smem:$0x3FAE] =	sst s5  }
0xe: {  	[smem:$0x3FAF] =	sst s6  }
0xf: {  	[smem:$0x3FB0] =	sst s7  }
0x10: {  	[smem:$0x3FB1] =	sst s8  }
0x11: {  	[smem:$0x3FB2] =	sst s9;
	s0 =	simm.s32 @!p0 $0x0  }
0x12: {  	s1 =	sld [smem:$0x3F98];
	s0 =	simm.s32 @p0 $0x1  }
0x13: {  	[smem:$0x3FB3] =	sst s0;
	s0 =	simm.s32 @!p1 $0x0  }
0x14: {  	s2 =	sld [smem:$0x3F97];
	s0 =	simm.s32 @p1 $0x1  }
0x15: {  	[smem:$0x3FB4] =	sst s0;
	s0 =	simm.s32 @!p2 $0x0  }
0x16: {  	s3 =	sld [smem:$0x3FDB];
	s0 =	simm.s32 @p2 $0x1  }
0x17: {  	s4 =	simm.s32 $0x1BF5;
	[smem:$0x3FB6] =	sst s0  }
0x18: {  	s0 =	sld [smem:$0x3F99];
	_ =	swait.ge [sflag:s4], $0x0  }
0x19: {  	s7 =	sld [smem:$0x3F9A]  }
0x1a: {  	s8 =	sadd.s32 $0xFFFFE003, lr  }
0x1b: {  	s9 =	sadd.s32 $0xFFFFFEF7, lr;
	s5 =	simm.s32 $0xFFFFFFFF;
	p2 =	slt.u32 s8, $0xFFFFF086  }
0x1c: {  	p1 =	slt.u32 s9, $0xF7A;
	s5 =	simm.s32 @!p2 $0x0  }
0x1d: {  	s5 =	simm.s32 @p1 $0x1;
	p0 =	seq.s32 s7, s2  }
0x1e: {  	s7 =	smul.u32 @!p0 $0xF7A, s2;
	p2 =	seq.s32 @!p0 s5, $0x0  }
0x1f: {  	s9 =	smul.u32 $0xF7A, s1;
	s8 =	simm.s32 @!p0 $0x1BF5;
	p2 =	por !p2, p0  }
0x20: {  	[sflag:s8] =	ssyncset.s32 @!p0 $0xFFFFF086;
	s6 =	sadd.s32 @!p0 s3, s7;
	s7 =	simm.s32 @!p0 $0x108  }
0x21: {  	s3 =	sadd.s32 s3, s9;
	s6 =	sadd.s32 @!p0 $0x88, s6;
	s7 =	simm.s32 @p2 $0x1082  }
0x22: {  	[simem:s7], [sflag:s8] =	dma.local @!p0 [hbm:s6], $0xF7A  }
0x23: {  	s9 =	sor.u32 $0xD0000000, s2;
	s6 =	simm.s32 $0x108;
	_ =	swait.ge @!p0 [sflag:s8], $0x0  }
0x24: {  	s3 =	sadd.s32 $0x88, s3;
	s6 =	simm.s32 @!p1 $0x1082;
	[sflag:s4] =	ssyncset.s32 $0xFFFFF086  }
0x25: {  	[simem:s6], [sflag:s4] =	dma.local [hbm:s3], $0xF7A  }
0x26: {  	[smem:$0x3F9A] =	sst s1;
	(tag) =	ssettag s2;
	_ =	strace s9  }
0x27: {  	s1 =	sld [smem:$0x3FAA]  }
0x28: {  	s2 =	sld [smem:$0x3FAB]  }
0x29: {  	s4 =	sld [smem:$0x3FAD]  }
0x2a: {  	p0 =	seq.s32 s5, $0x0;
	s5 =	sld [smem:$0x3FAE]  }
0x2b: {  	s6 =	sld [smem:$0x3FAF]  }
0x2c: {  	s7 =	sld [smem:$0x3FB0]  }
0x2d: {  	s3 =	simm.s32 $0x108;
	s8 =	sld [smem:$0x3FB1]  }
0x2e: {  	s3 =	simm.s32 @!p0 $0x1082;
	s9 =	sld [smem:$0x3FB2]  }
0x2f: {  	lr =	sadd.s32 s0, s3;
	s0 =	sld [smem:$0x3FA9]  }
0x30: {  	s3 =	sld [smem:$0x3FAC]  }
0x31: {  	[smem:$0x3FB5] =	sst s10  }
0x32: {  	s10 =	sld [smem:$0x3FB3];
	_ =	sdelay $0x3  }
0x33: {  	p0 =	seq.s32 s10, $0x1;
	s10 =	sld [smem:$0x3FB5];
	_ =	sdelay $0x3  }
0x34: {  	[smem:$0x3FB5] =	sst s10  }
0x35: {  	s10 =	sld [smem:$0x3FB4];
	_ =	sdelay $0x3  }
0x36: {  	p1 =	seq.s32 s10, $0x1;
	s10 =	sld [smem:$0x3FB5];
	_ =	sdelay $0x3  }
0x37: {  	[smem:$0x3FB5] =	sst s10  }
0x38: {  	s10 =	sld [smem:$0x3FB6]  }
0x39: {  	_ = 	snop;
	(pc) =	sbr.ind lr, $3  }
0x3a: {  	_ = 	snop  }
0x3b: {  	_ = 	snop  }
0x3c: {  	p2 =	seq.s32 s10, $0x1;
	s10 =	sld [smem:$0x3FB5]  }
0x3d: {  	_ =	shalt  }
0x3e: {  	_ =	shalt  }
0x3f: {  	_ =	shalt  }
0x40: {  	_ =	shalt  }
0x41: {  	_ =	shalt  }
0x42: {  	_ =	shalt  }
0x43: {  	_ =	shalt  }
0x44: {  	_ =	shalt  }
0x45: {  	_ =	shalt  }
0x46: {  	_ =	shalt  }
0x47: {  	_ =	shalt  }
0x48: {  	_ =	shalt  }
0x49: {  	_ =	shalt  }
0x4a: {  	_ =	shalt  }
0x4b: {  	_ =	shalt  }
0x4c: {  	_ =	shalt  }
0x4d: {  	_ =	shalt  }
0x4e: {  	_ =	shalt  }
0x4f: {  	_ =	shalt  }
0x50: {  	_ =	shalt  }
0x51: {  	_ =	shalt  }
0x52: {  	_ =	shalt  }
0x53: {  	_ =	shalt  }
0x54: {  	_ =	shalt  }
0x55: {  	_ =	shalt  }
0x56: {  	_ =	shalt  }
0x57: {  	_ =	shalt  }
0x58: {  	_ =	shalt  }
0x59: {  	_ =	shalt  }
0x5a: {  	_ =	shalt  }
0x5b: {  	_ =	shalt  }
0x5c: {  	_ =	shalt  }
0x5d: {  	_ =	shalt  }
0x5e: {  	_ =	shalt  }
0x5f: {  	_ =	shalt  }
0x60: {  	_ =	shalt  }
0x61: {  	_ =	shalt  }
0x62: {  	_ =	shalt  }
0x63: {  	_ =	shalt  }
0x64: {  	_ =	shalt  }
0x65: {  	_ =	shalt  }
0x66: {  	_ =	shalt  }
0x67: {  	_ =	shalt  }
0x68: {  	_ =	shalt  }
0x69: {  	_ =	shalt  }
0x6a: {  	_ =	shalt  }
0x6b: {  	_ =	shalt  }
0x6c: {  	_ =	shalt  }
0x6d: {  	_ =	shalt  }
0x6e: {  	_ =	shalt  }
0x6f: {  	_ =	shalt  }
0x70: {  	_ =	shalt  }
0x71: {  	_ =	shalt  }
0x72: {  	_ =	shalt  }
0x73: {  	_ =	shalt  }
0x74: {  	_ =	shalt  }
0x75: {  	_ =	shalt  }
0x76: {  	_ =	shalt  }
0x77: {  	_ =	shalt  }
0x78: {  	_ =	shalt  }
0x79: {  	_ =	shalt  }
0x7a: {  	_ =	shalt  }
0x7b: {  	_ =	shalt  }
0x7c: {  	_ =	shalt  }
0x7d: {  	_ =	shalt  }
0x7e: {  	_ =	shalt  }
0x7f: {  	_ =	shalt  }
0x80: {  	_ =	shalt  }
0x81: {  	_ =	shalt  }
0x82: {  	_ =	shalt  }
0x83: {  	_ =	shalt  }
0x84: {  	_ =	shalt  }
0x85: {  	_ =	shalt  }
0x86: {  	_ =	shalt  }
0x87: {  	_ =	shalt  }
.Lfunc_end0:
.L_simem_size_0:
called_computation_lowered:
.L_overlay_start_0:
0x88: {  	s2 =	sld [smem:$0x3FD9]  }
0x89: {  	s3 =	sld [smem:$0x3FFE];
	_ =	sdelay $0x1  }
0x8a: {  	s1 =	srdreg.scid  }
0x8b: {  	s0 =	sand.u32 $0x1, s1  }
0x8c: {  	s16 =	sshll.u32 s0, $0xA;
	s2 =	sadd.s32 s3, s2  }
0x8d: {  	s2 =	sadd.s32 s2, s16  }
0x8e: {  	[smem:$0x3FC1] =	sst s2  }
0x8f: {  	_ = 	snop  }
0x90: {  	(tm) =	ssettm $0x1  }
0x91: {  	s17 =	sld [smem:$0x3FFB];
	_ =	sdelay $0x3  }
0x92: {  	_ =	strace s17  }
0x93: {  	s2 =	sld [smem:$0x3FFC];
	_ =	sdelay $0x3  }
0x94: {  	_ =	strace s2  }
0x95: {  	s2 =	sld [smem:$0x3FFD];
	_ =	sdelay $0x3  }
0x96: {  	_ =	strace s2  }
0x97: {  	_ =	strace $0x8FFFFFFF  }
0x98: {  	s18 =	sld [smem:$0x3FDB];
	_ =	sdelay $0x1  }
0x99: {  	s19 =	simm.s32 $_scs_section_size  }
0x9a: {  	s4 =	simm.s32 $_size__tile_overlayer_lowered;
	s5 =	simm.s32 $_tile_overlayer_lowered  }
0x9b: {  	s22 =	simm.s32 $0x1BFF;
	s21 =	sshll.u32 s5, $0x1;
	s2 =	sadd.s32 s19, s18  }
0x9c: {  	s6 =	simm.s32 $0x0;
	s20 =	sshll.u32 s4, $0x1;
	s4 =	sadd.s32 s21, s2  }
0x9d: {  	[timem:s6], [sflag:s22] =	dma.local [hbm:s4], s20  }
0x9e: {  	_ =	swait.ge [sflag:s22], s20  }
0x9f: {  	s3 =	ssub.s32 $0x0, s20;
	[sflag:s22] =	ssyncset.done $0x0  }
0xa0: {  	[sflag:s22] =	ssyncadd.s32 s3;
	_ =	sdelay $0x1  }
0xa1: {  	s23 =	simm.s32 $0x1B8B  }
0xa2: {  	_ =	swait.ge [sflag:s23], $0x1  }
0xa3: {  	[sflag:s23] =	ssyncset.done $0x0  }
0xa4: {  	s25 =	simm.s32 $0x1B8E;
	s24 =	sld [smem:$0x3FFE];
	[sflag:s23] =	ssyncadd.s32 $0xFFFFFFFF  }
0xa5: {  	s26 =	simm.s32 $execute0_lowered;
	[smem:$0x3FD2] =	sst s25  }
0xa6: {  	s4 =	sshll.u32 s26, $0x1;
	_ =	strace $0x80000046;
	[dreg:$0x1] =	wrdreg $0xFFFFFFFF  }
0xa7: {  	s28 =	simm.s32 $_size_execute0_lowered;
	s2 =	sadd.s32 s2, s4;
	[dreg:$0x0] =	wrdreg $0x0  }
0xa8: {  	s4 =	sshll.u32 s28, $0x1;
	[dreg:$0x2] =	wrdreg s2  }
0xa9: {  	[dreg:$0x3] =	wrdreg s4  }
0xaa: {  	[dreg:$0x4] =	wrdreg $0xC0  }
0xab: {  	_ =	task [dreg:s6], $0x5FFFF  }
0xac: {  	[dreg:$0x1] =	wrdreg $0xFFFFFFFF  }
0xad: {  	[dreg:$0x0] =	wrdreg $0x60  }
0xae: {  	[dreg:$0x2] =	wrdreg s24  }
0xaf: {  	[dreg:$0x3] =	wrdreg $0x9  }
0xb0: {  	_ =	task.clear_ibuf [dreg:s6], $0x4FFFF;
	_ =	strace $0x90000046  }
0xb1: {  	s29 =	simm.s32 $0x9;
	_ =	strace $0x80000048  }
0xb2: {  	_ =	swait.ge [sflag:s29], $0x1  }
0xb3: {  	[sflag:s29] =	ssyncadd.s32 $0xFFFFFFFF  }
0xb4: {  	_ =	strace $0x90000048  }
0xb5: {  	_ =	sfence  }
0xb6: {  	s30 =	sld [smem:$0x0];
	_ =	sdelay $0x2  }
0xb7: {  	s31 =	sshll.u32 s1, $0xD;
	s1 =	sshrl.u32 s1, $0x2  }
0xb8: {  	s3 =	sand.u32 $0x4000, s31;
	s1 =	sadd.s32 s1, s30  }
0xb9: {  	s0 =	sor.u32 s3, s0;
	s1 =	sshll.u32 s1, $0x11  }
0xba: {  	s0 =	sor.u32 s1, s0  }
0xbb: {  	s0 =	sadd.s32 $0x8F2B, s0  }
0xbc: {  	[sflag:s0] =	ssyncadd.remote.s32 $0x1  }
0xbd: {  	_ =	sfence.sel $0xFFFF  }
0xbe: {  	[dreg:$0x0] =	wrdreg $0xFFFFFFFF;
	(pc) =	sbr.abs _section_cstart, $3  }
0xbf: {  	[dreg:$0x1] =	wrdreg $0xFFFFFFFF  }
0xc0: {  	_ =	task.clear_ibuf [dreg:s6], $0x2FFFF;
	_ =	strace $0x9FFFFFFF  }
0xc1: {  	(tm) =	ssettm $0x7FFFFFFF  }
tec
execute0_lowered:
.L_overlay_start_1:
0x0: {  	(tag) =	ssettag $0x1  }
0x1: {  	s1 =	stileid.u32  }
0x2: {  	s4 =	sand.u32 $0x7, s1  }
0x3: {  	p0 =	sne.s32 s4, $0x0  }
.Ltmp0:
0x4: {  	_ = 	snop;
	(pc) =	sbr.rel @p0 .LBB2_35-.Ltmp0, $4  }
0x5: {  	_ = 	snop  }
0x6: {  	s3 =	rddreg [dreg:$0x0];
	s2 =	simm.s32 $0x0  }
0x7: {  	[smem:$0x7FF] =	sst s2  }
0x8: {  	s0 =	rddreg [dreg:$0x1];
	_ =	strace $0x80000047  }
0x9: {  	s4 =	srdreg.scid  }
0xa: {  	s6 =	sshll.u32 s1, $0x1;
	s4 =	sand.u32 $0x1, s4  }
0xb: {  	s7 =	sadd.s32 $0x800, s3;
	s9 =	simm.s32 $0x1;
	s5 =	sshll.u32 s4, $0x5  }
0xc: {  	s10 =	simm.s32 $0x1000;
	s31 =	ssub.s32 $0x2, s4;
	s5 =	sor.u32 s6, s5  }
0xd: {  	s11 =	simm.s32 $0x2000;
	s8 =	sshrl.u32 s31, $0x1;
	s3 =	sadd.s32 s3, s5  }
0xe: {  	s6 =	ssub.s32 s31, s8;
	s5 =	sadd.s32 s7, s5;
	s7 =	simm.s32 $0x80  }
0xf: {  	v0 =	vimm.s32 $0x0;
	v1 =	vlaneseq.u32;
	v2 =	vimm.s32 $0x1;
	s8 =	simm.s32 $0x200;
	s4 =	sadd.s32 $0x1000, s3;
	s6 =	smax.u32 s6, $0x1  }
.LBB2_2:
0x10: {  	s12 =	simm.s32 $0x0  }
0x11: {  	[tilespmem:s12], [sflag:$0x1] =	stream.strided.gather [hbm4b:s5+s7], $0x1000, s8, s7, $0x38;
	[tilespmem:$0x3000] =	vst v63  }
0x12: {  	_ =	swait.ge [sflag:s9], $0x1000  }
0x13: {  	[sflag:s9] =	ssyncset.done $0x0  }
0x14: {  	[sflag:s9] =	ssyncadd.s32 $0xFFFFF000  }
0x15: {  	[tilespmem:s10], [sflag:$0x1] =	stream.strided.gather [hbm4b:s3+s7], $0x1000, s8, s7, $0x38;
	[tilespmem:$0x3000] =	vst v63  }
0x16: {  	_ =	swait.ge [sflag:s9], $0x1000  }
0x17: {  	[sflag:s9] =	ssyncset.done $0x0  }
0x18: {  	s13 =	simm.s32 $0x0;
	s14 =	simm.s32 $0x200;
	[sflag:s9] =	ssyncadd.s32 $0xFFFFF000  }
.LBB2_3:
0x19: {  	p0 =	sne.s32 s14, $0x3E00;
	[tilespmem:s13+$0x2070] =	vst v0  }
0x1a: {  	[tilespmem:s13+$0x2000] =	vst v0  }
0x1b: {  	[tilespmem:s13+$0x2010] =	vst v0  }
.Ltmp1:
0x1c: {  	[tilespmem:s13+$0x2020] =	vst v0;
	(pc) =	sbr.rel @p0 .LBB2_3-.Ltmp1, $4  }
0x1d: {  	[tilespmem:s13+$0x2030] =	vst v0  }
0x1e: {  	[tilespmem:s13+$0x2040] =	vst v0  }
0x1f: {  	[tilespmem:s13+$0x2050] =	vst v0  }
0x20: {  	[tilespmem:s13+$0x2060] =	vst v0;
	s13 =	sshra.s32 s14, $0x2;
	s14 =	sadd.s32 $0x200, s14  }
0x21: {  	[tilespmem:s13+$0x2070] =	vst v0  }
0x22: {  	[tilespmem:s13+$0x2000] =	vst v0  }
0x23: {  	[tilespmem:s13+$0x2010] =	vst v0  }
0x24: {  	[tilespmem:s13+$0x2020] =	vst v0  }
0x25: {  	[tilespmem:s13+$0x2030] =	vst v0  }
0x26: {  	[tilespmem:s13+$0x2040] =	vst v0  }
0x27: {  	[tilespmem:s13+$0x2050] =	vst v0  }
0x28: {  	[tilespmem:s13+$0x2060] =	vst v0  }
.LBB2_5:
0x29: {  	s13 =	sshra.s32 s12, $0x2  }
0x2a: {  	v3 =	vld [tilespmem:s13+$0x0];
	_ =	sdelay $0x4  }
0x2b: {  	v3 =	vshrl.u32 v3, $0x12  }
0x2c: {  	v3 =	vand.u32 $0xFF0, v3  }
0x2d: {  	v3 =	vor.u32 v1, v3;
	_ =	sdelay $0x4  }
0x2e: {  	[tilespmem:v3+s11+$0x0] =	vst.idx.add.s32.msk $0xffff, v2  }
0x2f: {  	v3 =	vld [tilespmem:s13+$0x10];
	_ =	sdelay $0x4  }
0x30: {  	v3 =	vshrl.u32 v3, $0x12  }
0x31: {  	v3 =	vand.u32 $0xFF0, v3  }
0x32: {  	v3 =	vor.u32 v1, v3;
	_ =	sdelay $0x4  }
0x33: {  	[tilespmem:v3+s11+$0x0] =	vst.idx.add.s32.msk $0xffff, v2  }
0x34: {  	v3 =	vld [tilespmem:s13+$0x20];
	_ =	sdelay $0x4  }
0x35: {  	v3 =	vshrl.u32 v3, $0x12  }
0x36: {  	v3 =	vand.u32 $0xFF0, v3  }
0x37: {  	v3 =	vor.u32 v1, v3;
	_ =	sdelay $0x4  }
0x38: {  	[tilespmem:v3+s11+$0x0] =	vst.idx.add.s32.msk $0xffff, v2  }
0x39: {  	v3 =	vld [tilespmem:s13+$0x30];
	_ =	sdelay $0x4  }
0x3a: {  	v3 =	vshrl.u32 v3, $0x12  }
0x3b: {  	v3 =	vand.u32 $0xFF0, v3  }
0x3c: {  	v3 =	vor.u32 v1, v3;
	_ =	sdelay $0x4  }
0x3d: {  	[tilespmem:v3+s11+$0x0] =	vst.idx.add.s32.msk $0xffff, v2  }
0x3e: {  	v3 =	vld [tilespmem:s13+$0x40];
	_ =	sdelay $0x4  }
0x3f: {  	v3 =	vshrl.u32 v3, $0x12  }
0x40: {  	v3 =	vand.u32 $0xFF0, v3  }
0x41: {  	v3 =	vor.u32 v1, v3;
	_ =	sdelay $0x4  }
0x42: {  	[tilespmem:v3+s11+$0x0] =	vst.idx.add.s32.msk $0xffff, v2  }
0x43: {  	v3 =	vld [tilespmem:s13+$0x50];
	_ =	sdelay $0x4  }
0x44: {  	v3 =	vshrl.u32 v3, $0x12  }
0x45: {  	v3 =	vand.u32 $0xFF0, v3  }
0x46: {  	v3 =	vor.u32 v1, v3;
	_ =	sdelay $0x4  }
0x47: {  	[tilespmem:v3+s11+$0x0] =	vst.idx.add.s32.msk $0xffff, v2  }
0x48: {  	v3 =	vld [tilespmem:s13+$0x60];
	_ =	sdelay $0x4  }
0x49: {  	v3 =	vshrl.u32 v3, $0x12  }
0x4a: {  	v3 =	vand.u32 $0xFF0, v3  }
0x4b: {  	v3 =	vor.u32 v1, v3;
	_ =	sdelay $0x4  }
0x4c: {  	[tilespmem:v3+s11+$0x0] =	vst.idx.add.s32.msk $0xffff, v2  }
0x4d: {  	v3 =	vld [tilespmem:s13+$0x70];
	_ =	sdelay $0x4  }
0x4e: {  	v3 =	vshrl.u32 v3, $0x12  }
0x4f: {  	v3 =	vand.u32 $0xFF0, v3  }
0x50: {  	p0 =	sne.s32 s12, $0x3E00;
	v3 =	vor.u32 v1, v3  }
.Ltmp2:
0x51: {  	_ = 	snop;
	(pc) =	sbr.rel @p0 .LBB2_5-.Ltmp2, $2  }
0x52: {  	_ =	sdelay $0x2  }
0x53: {  	s12 =	sadd.s32 $0x200, s12;
	[tilespmem:v3+s11+$0x0] =	vst.idx.add.s32.msk $0xffff, v2  }
0x54: {  	s12 =	simm.s32 $0x2080  }
0x55: {  	v3 =	vld [tilespmem:s12+$0xFFFFFF80]  }
0x56: {  	v4 =	vld [tilespmem:s12+$0xFFFFFF90]  }
0x57: {  	v5 =	vld [tilespmem:s12+$0xFFFFFFA0]  }
0x58: {  	v6 =	vld [tilespmem:s12+$0xFFFFFFB0]  }
0x59: {  	v7 =	vld [tilespmem:s12+$0xFFFFFFC0]  }
0x5a: {  	v8 =	vld [tilespmem:s12+$0xFFFFFFD0]  }
0x5b: {  	v3 =	vadd.s32 v3, v4;
	v4 =	vld [tilespmem:s12+$0xFFFFFFE0]  }
0x5c: {  	v3 =	vadd.s32 v5, v3;
	v5 =	vld [tilespmem:s12+$0xFFFFFFF0]  }
0x5d: {  	v3 =	vadd.s32 v6, v3;
	v6 =	vld [tilespmem:s12+$0x0]  }
0x5e: {  	v3 =	vadd.s32 v7, v3;
	v7 =	vld [tilespmem:s12+$0x10]  }
0x5f: {  	v3 =	vadd.s32 v8, v3;
	v8 =	vld [tilespmem:s12+$0x20]  }
0x60: {  	v9 =	vld [tilespmem:s12+$0x30];
	v3 =	vadd.s32 v4, v3  }
0x61: {  	v10 =	vld [tilespmem:s12+$0x40];
	v3 =	vadd.s32 v5, v3  }
0x62: {  	v4 =	vld [tilespmem:s12+$0x50];
	v3 =	vadd.s32 v6, v3  }
0x63: {  	v5 =	vld [tilespmem:s12+$0x60];
	v3 =	vadd.s32 v7, v3  }
0x64: {  	s14 =	simm.s32 $0x2180;
	v6 =	vld [tilespmem:s12+$0x70];
	v3 =	vadd.s32 v8, v3  }
0x65: {  	v7 =	vld [tilespmem:s14+$0xFFFFFF80];
	v8 =	vadd.s32 v9, v3  }
0x66: {  	s13 =	simm.s32 $0x0;
	s15 =	simm.s32 $0x2;
	s12 =	simm.s32 $0x1;
	v3 =	vimm.s32 $0x0;
	v9 =	vld [tilespmem:s14+$0xFFFFFF90];
	v8 =	vadd.s32 v10, v8  }
.LBB2_7:
0x67: {  	p0 =	sne.s32 s15, $0xF;
	v10 =	vld [tilespmem:s14+$0xFFFFFFA0];
	v4 =	vadd.s32 v4, v8  }
0x68: {  	v8 =	vld [tilespmem:s14+$0xFFFFFFB0];
	v4 =	vadd.s32 v5, v4  }
0x69: {  	v5 =	vld [tilespmem:s14+$0xFFFFFFC0];
	v4 =	vadd.s32 v6, v4  }
0x6a: {  	v6 =	vld [tilespmem:s14+$0xFFFFFFD0];
	(xrf0) =	vadd.scan.msk.s32 $0xffff, v4  }
0x6b: {  	v4 =	vadd.s32 v7, v9;
	v7 =	vld [tilespmem:s14+$0xFFFFFFE0]  }
0x6c: {  	v4 =	vadd.s32 v10, v4;
	v9 =	vld [tilespmem:s14+$0xFFFFFFF0]  }
0x6d: {  	v4 =	vadd.s32 v8, v4;
	v8 =	vld [tilespmem:s14+$0x0]  }
0x6e: {  	v4 =	vadd.s32 v5, v4;
	v5 =	vld [tilespmem:s14+$0x10]  }
0x6f: {  	v4 =	vadd.s32 v6, v4;
	v6 =	vld [tilespmem:s14+$0x20]  }
0x70: {  	v4 =	vadd.s32 v7, v4;
	v10 =	vld [tilespmem:s14+$0x30];
	v7, _, _ =	vpop (xrf0)  }
0x71: {  	v4 =	vadd.s32 v9, v4;
	v11 =	vld [tilespmem:s14+$0x40];
	v9 =	vmov s13;
	v7 =	vbroadcast v7, $0xF;
	s13 =	smov.u32 s12;
	s12 =	smov.u32 s15  }
.Ltmp3:
0x72: {  	v8 =	vadd.s32 v8, v4;
	v4 =	vld [tilespmem:s14+$0x50];
	vm0 =	veq.s32 v9, v1;
	(pc) =	sbr.rel @p0 .LBB2_7-.Ltmp3, $4  }
0x73: {  	v8 =	vadd.s32 v5, v8;
	v5 =	vld [tilespmem:s14+$0x60];
	v3 =	vsel vm0, v7, v3  }
0x74: {  	v8 =	vadd.s32 v6, v8;
	v6 =	vld [tilespmem:s14+$0x70];
	s14 =	sadd.s32 $0x100, s14  }
0x75: {  	v7 =	vld [tilespmem:s14+$0xFFFFFF80];
	v8 =	vadd.s32 v10, v8  }
0x76: {  	s15 =	sadd.s32 $0x1, s15;
	v9 =	vld [tilespmem:s14+$0xFFFFFF90];
	v8 =	vadd.s32 v11, v8  }
0x77: {  	v10 =	vld [tilespmem:s14+$0xFFFFFFA0]  }
0x78: {  	v11 =	vld [tilespmem:s14+$0xFFFFFFB0]  }
0x79: {  	v12 =	vld [tilespmem:s14+$0xFFFFFFC0]  }
0x7a: {  	v13 =	vld [tilespmem:s14+$0xFFFFFFD0]  }
0x7b: {  	v54 =	vld [tilespmem:s14+$0xFFFFFFE0];
	v7 =	vadd.s32 v7, v9  }
0x7c: {  	v55 =	vld [tilespmem:s14+$0xFFFFFFF0];
	v7 =	vadd.s32 v10, v7  }
0x7d: {  	v56 =	vld [tilespmem:s14+$0x0];
	v7 =	vadd.s32 v11, v7  }
0x7e: {  	v57 =	vld [tilespmem:s14+$0x10];
	v7 =	vadd.s32 v12, v7  }
0x7f: {  	v58 =	vld [tilespmem:s14+$0x20];
	v7 =	vadd.s32 v13, v7  }
0x80: {  	v59 =	vld [tilespmem:s14+$0x30];
	v7 =	vadd.s32 v54, v7  }
0x81: {  	v60 =	vld [tilespmem:s14+$0x40];
	v7 =	vadd.s32 v55, v7  }
0x82: {  	v61 =	vld [tilespmem:s14+$0x50];
	v7 =	vadd.s32 v56, v7  }
0x83: {  	v62 =	vld [tilespmem:s14+$0x60];
	v7 =	vadd.s32 v57, v7  }
0x84: {  	v63 =	vld [tilespmem:s14+$0x70];
	v7 =	vadd.s32 v58, v7  }
0x85: {  	v7 =	vadd.s32 v59, v7  }
0x86: {  	v4 =	vadd.s32 v4, v8;
	v7 =	vadd.s32 v60, v7  }
0x87: {  	v4 =	vadd.s32 v5, v4;
	v5 =	vadd.s32 v61, v7  }
0x88: {  	v4 =	vadd.s32 v6, v4;
	v5 =	vadd.s32 v62, v5  }
0x89: {  	(xrf0) =	vadd.scan.msk.s32 $0xffff, v4;
	v4 =	vadd.s32 v63, v5  }
0x8a: {  	(xrf0) =	vadd.scan.msk.s32 $0xffff, v4;
	_ =	sdelay $0x4  }
0x8b: {  	v4, _, _ =	vpop (xrf0)  }
0x8c: {  	v5 =	vmov s13;
	v4 =	vbroadcast v4, $0xF;
	v6, _, _ =	vpop (xrf0)  }
0x8d: {  	vm0 =	veq.s32 v5, v1;
	v5 =	vmov s12;
	v6 =	vbroadcast v6, $0xF  }
0x8e: {  	vm14 =	veq.s32 v5, v1;
	v3 =	vsel vm0, v4, v3  }
0x8f: {  	v3 =	vsel vm14, v6, v3  }
0x90: {  	(xrf0) =	vadd.scan.msk.s32 $0xffff, v3;
	_ =	sdelay $0x5  }
0x91: {  	v4, _, _ =	vpop (xrf0)  }
0x92: {  	vm15 =	vgt.s32 v4, $0xCCC  }
0x93: {  	v5 =	vmctz.xlane vm15;
	_ =	sdelay $0x1  }
0x94: {  	v5 =	vxor.u32 $0x80000000, v5  }
0x95: {  	(xrf0) =	vmax.scan.msk.u32 $0xffff, v5;
	_ =	sdelay $0x5  }
0x96: {  	v5, _, _ =	vpop (xrf0)  }
0x97: {  	(v2sf) =	vpush v5, $0xF;
	_ =	sdelay $0xe  }
0x98: {  	s12 =	spop (v2sf)  }
0x99: {  	s26 =	sshll.u32 s12, $0xA  }
0x9a: {  	s13 =	simm.s32 $0x0;
	s28 =	sshra.s32 s26, $0x2  }
0x9b: {  	s29 =	sand.u32 $0x80, s13;
	s15 =	sadd.s32 $0x2000, s28  }
0x9c: {  	s16 =	sand.u32 $0x70, s13;
	s14 =	sadd.s32 s29, s15  }
0x9d: {  	s14 =	sadd.s32 s16, s14  }
0x9e: {  	v6 =	vld [tilespmem:s14+$0x0];
	_ =	sdelay $0x1  }
0x9f: {  	s30 =	simm.s32 $0x10  }
0xa0: {  	s31 =	sand.u32 $0x80, s30  }
0xa1: {  	s16 =	sadd.s32 s31, s15;
	s14 =	sand.u32 $0x70, s30  }
0xa2: {  	s17 =	sadd.s32 s14, s16;
	(xrf0) =	vadd.scan.msk.s32 $0xffff, v6  }
0xa3: {  	v6 =	vld [tilespmem:s17+$0x0]  }
0xa4: {  	v5 =	vimm.s32 $0x0;
	s14 =	simm.s32 $0x1;
	s16 =	simm.s32 $0x2;
	s17 =	simm.s32 $0x20  }
.LBB2_9:
0xa5: {  	s18 =	sand.u32 $0x80, s17  }
0xa6: {  	p0 =	sne.s32 s16, $0xF;
	s19 =	smov.u32 s16;
	s16 =	sadd.s32 $0x1, s16  }
.Ltmp4:
0xa7: {  	s20 =	sand.u32 $0x70, s17;
	s18 =	sadd.s32 s18, s15;
	(pc) =	sbr.rel @p0 .LBB2_9-.Ltmp4, $4  }
0xa8: {  	s18 =	sadd.s32 s20, s18;
	(xrf0) =	vadd.scan.msk.s32 $0xffff, v6;
	v7, _, _ =	vpop (xrf0)  }
0xa9: {  	v8 =	vmov s13;
	s13 =	smov.u32 s14;
	s14 =	smov.u32 s19;
	v6 =	vld [tilespmem:s18+$0x0];
	v7 =	vbroadcast v7, $0xF  }
0xaa: {  	vm0 =	veq.s32 v8, v1  }
0xab: {  	s17 =	sadd.s32 $0x10, s17;
	v5 =	vsel vm0, v7, v5  }
0xac: {  	s15 =	sxor.u32 $0x80000000, s12  }
0xad: {  	v7 =	vmov s15  }
0xae: {  	v3 =	vsub.s32 v4, v3;
	vm0 =	veq.s32 v7, v1  }
0xaf: {  	(xrf0) =	vadd.scan.msk.s32 $0xffff, v6;
	v3 =	vnsel vm0, $0x0, v3  }
0xb0: {  	(xrf0) =	vadd.scan.msk.s32 $0xffff, v3;
	_ =	sdelay $0x3  }
0xb1: {  	v3, _, _ =	vpop (xrf0)  }
0xb2: {  	v4, _, _ =	vpop (xrf0)  }
0xb3: {  	v6, _, _ =	vpop (xrf0)  }
0xb4: {  	(v2sf) =	vpush v6, $0xF;
	_ =	sdelay $0x5  }
0xb5: {  	v3 =	vbroadcast v3, $0xF;
	v6 =	vmov s13  }
0xb6: {  	v4 =	vbroadcast v4, $0xF;
	vm13 =	veq.s32 v6, v1;
	v6 =	vmov s14  }
0xb7: {  	v3 =	vsel vm13, v3, v5;
	vm14 =	veq.s32 v6, v1  }
0xb8: {  	v3 =	vsel vm14, v4, v3  }
0xb9: {  	(xrf0) =	vadd.scan.msk.s32 $0xffff, v3;
	_ =	sdelay $0x4  }
0xba: {  	s31 =	spop (v2sf)  }
0xbb: {  	v4, _, _ =	vpop (xrf0);
	s13 =	ssub.s32 $0xCCD, s31  }
0xbc: {  	vm15 =	vge.s32 v4, s13  }
0xbd: {  	s15 =	simm.s32 $0x200;
	s14 =	simm.s32 $0x0;
	v5 =	vmctz.xlane vm15  }
.LBB2_11:
0xbe: {  	p0 =	seq.s32 s15, $0x3E00;
	[tilespmem:s14+$0x2070] =	vst v0  }
0xbf: {  	[tilespmem:s14+$0x2000] =	vst v0  }
0xc0: {  	[tilespmem:s14+$0x2010] =	vst v0  }
.Ltmp5:
0xc1: {  	[tilespmem:s14+$0x2020] =	vst v0;
	(pc) =	sbr.rel @!p0 .LBB2_11-.Ltmp5, $4  }
0xc2: {  	[tilespmem:s14+$0x2030] =	vst v0  }
0xc3: {  	[tilespmem:s14+$0x2040] =	vst v0  }
0xc4: {  	[tilespmem:s14+$0x2050] =	vst v0  }
0xc5: {  	[tilespmem:s14+$0x2060] =	vst v0;
	s14 =	sshra.s32 s15, $0x2;
	s15 =	sadd.s32 $0x200, s15  }
0xc6: {  	v5 =	vxor.u32 $0x80000000, v5  }
0xc7: {  	(xrf0) =	vmax.scan.msk.u32 $0xffff, v5;
	_ =	sdelay $0x5  }
0xc8: {  	v5, _, _ =	vpop (xrf0)  }
0xc9: {  	(v2sf) =	vpush v5, $0xF;
	_ =	sdelay $0xa  }
0xca: {  	[tilespmem:s14+$0x2070] =	vst v0  }
0xcb: {  	[tilespmem:s14+$0x2000] =	vst v0  }
0xcc: {  	[tilespmem:s14+$0x2010] =	vst v0  }
0xcd: {  	[tilespmem:s14+$0x2020] =	vst v0  }
0xce: {  	[tilespmem:s14+$0x2030] =	vst v0;
	s31 =	spop (v2sf)  }
0xcf: {  	[tilespmem:s14+$0x2040] =	vst v0;
	s12 =	sshll.u32 s12, $0x4;
	s15 =	sxor.u32 $0x80000000, s31  }
0xd0: {  	[tilespmem:s14+$0x2050] =	vst v0;
	s12 =	sadd.s32 s12, s15  }
0xd1: {  	[tilespmem:s14+$0x2060] =	vst v0;
	s14 =	simm.s32 $0x0;
	s16 =	simm.s32 $0x0;
	v5 =	vmov s12  }
.LBB2_13:
0xd2: {  	s17 =	sshra.s32 s16, $0x2  }
0xd3: {  	v6 =	vld [tilespmem:s17+$0x0];
	_ =	sdelay $0x4  }
0xd4: {  	v7 =	vshra.s32 v6, $0x16;
	v6 =	vshrl.u32 v6, $0xA  }
0xd5: {  	vm0 =	veq.s32 v7, v5;
	v6 =	vand.u32 $0xFF0, v6  }
0xd6: {  	v6 =	vor.u32 v1, v6;
	_ =	sdelay $0x4  }
0xd7: {  	[tilespmem:v6+s11+$0x0] =	vst.idx.add.s32.msk vm0, v2  }
0xd8: {  	v6 =	vld [tilespmem:s17+$0x10];
	_ =	sdelay $0x4  }
0xd9: {  	v7 =	vshra.s32 v6, $0x16;
	v6 =	vshrl.u32 v6, $0xA  }
0xda: {  	vm9 =	veq.s32 v7, v5;
	v6 =	vand.u32 $0xFF0, v6  }
0xdb: {  	v6 =	vor.u32 v1, v6;
	_ =	sdelay $0x4  }
0xdc: {  	[tilespmem:v6+s11+$0x0] =	vst.idx.add.s32.msk vm9, v2  }
0xdd: {  	v6 =	vld [tilespmem:s17+$0x20];
	_ =	sdelay $0x4  }
0xde: {  	v7 =	vshra.s32 v6, $0x16;
	v6 =	vshrl.u32 v6, $0xA  }
0xdf: {  	vm10 =	veq.s32 v7, v5;
	v6 =	vand.u32 $0xFF0, v6  }
0xe0: {  	v6 =	vor.u32 v1, v6;
	_ =	sdelay $0x4  }
0xe1: {  	[tilespmem:v6+s11+$0x0] =	vst.idx.add.s32.msk vm10, v2  }
0xe2: {  	v6 =	vld [tilespmem:s17+$0x30];
	_ =	sdelay $0x4  }
0xe3: {  	v7 =	vshra.s32 v6, $0x16;
	v6 =	vshrl.u32 v6, $0xA  }
0xe4: {  	vm11 =	veq.s32 v7, v5;
	v6 =	vand.u32 $0xFF0, v6  }
0xe5: {  	v6 =	vor.u32 v1, v6;
	_ =	sdelay $0x4  }
0xe6: {  	[tilespmem:v6+s11+$0x0] =	vst.idx.add.s32.msk vm11, v2  }
0xe7: {  	v6 =	vld [tilespmem:s17+$0x40];
	_ =	sdelay $0x4  }
0xe8: {  	v7 =	vshra.s32 v6, $0x16;
	v6 =	vshrl.u32 v6, $0xA  }
0xe9: {  	vm12 =	veq.s32 v7, v5;
	v6 =	vand.u32 $0xFF0, v6  }
0xea: {  	v6 =	vor.u32 v1, v6;
	_ =	sdelay $0x4  }
0xeb: {  	[tilespmem:v6+s11+$0x0] =	vst.idx.add.s32.msk vm12, v2  }
0xec: {  	v6 =	vld [tilespmem:s17+$0x50];
	_ =	sdelay $0x4  }
0xed: {  	v7 =	vshra.s32 v6, $0x16;
	v6 =	vshrl.u32 v6, $0xA  }
0xee: {  	vm13 =	veq.s32 v7, v5;
	v6 =	vand.u32 $0xFF0, v6  }
0xef: {  	v6 =	vor.u32 v1, v6;
	_ =	sdelay $0x4  }
0xf0: {  	[tilespmem:v6+s11+$0x0] =	vst.idx.add.s32.msk vm13, v2  }
0xf1: {  	v6 =	vld [tilespmem:s17+$0x60];
	_ =	sdelay $0x4  }
0xf2: {  	v7 =	vshra.s32 v6, $0x16;
	v6 =	vshrl.u32 v6, $0xA  }
0xf3: {  	vm14 =	veq.s32 v7, v5;
	v6 =	vand.u32 $0xFF0, v6  }
0xf4: {  	v6 =	vor.u32 v1, v6;
	_ =	sdelay $0x4  }
0xf5: {  	[tilespmem:v6+s11+$0x0] =	vst.idx.add.s32.msk vm14, v2  }
0xf6: {  	v6 =	vld [tilespmem:s17+$0x70];
	_ =	sdelay $0x4  }
0xf7: {  	v7 =	vshra.s32 v6, $0x16;
	v6 =	vshrl.u32 v6, $0xA  }
0xf8: {  	vm15 =	veq.s32 v7, v5;
	v6 =	vand.u32 $0xFF0, v6  }
0xf9: {  	p0 =	sne.s32 s16, $0x3E00;
	v6 =	vor.u32 v1, v6  }
.Ltmp6:
0xfa: {  	_ = 	snop;
	(pc) =	sbr.rel @p0 .LBB2_13-.Ltmp6, $2  }
0xfb: {  	_ =	sdelay $0x2  }
0xfc: {  	s16 =	sadd.s32 $0x200, s16;
	[tilespmem:v6+s11+$0x0] =	vst.idx.add.s32.msk vm15, v2  }
0xfd: {  	s16 =	simm.s32 $0x2080  }
0xfe: {  	v5 =	vld [tilespmem:s16+$0xFFFFFF80]  }
0xff: {  	v6 =	vld [tilespmem:s16+$0xFFFFFF90]  }
0x100: {  	v7 =	vld [tilespmem:s16+$0xFFFFFFA0]  }
0x101: {  	v8 =	vld [tilespmem:s16+$0xFFFFFFB0]  }
0x102: {  	v9 =	vld [tilespmem:s16+$0xFFFFFFC0]  }
0x103: {  	v10 =	vld [tilespmem:s16+$0xFFFFFFD0]  }
0x104: {  	v5 =	vadd.s32 v5, v6;
	v6 =	vld [tilespmem:s16+$0xFFFFFFE0]  }
0x105: {  	v5 =	vadd.s32 v7, v5;
	v7 =	vld [tilespmem:s16+$0xFFFFFFF0]  }
0x106: {  	v5 =	vadd.s32 v8, v5;
	v8 =	vld [tilespmem:s16+$0x0]  }
0x107: {  	v5 =	vadd.s32 v9, v5;
	v9 =	vld [tilespmem:s16+$0x10]  }
0x108: {  	v5 =	vadd.s32 v10, v5;
	v10 =	vld [tilespmem:s16+$0x20]  }
0x109: {  	v11 =	vld [tilespmem:s16+$0x30];
	v5 =	vadd.s32 v6, v5  }
0x10a: {  	v12 =	vld [tilespmem:s16+$0x40];
	v5 =	vadd.s32 v7, v5  }
0x10b: {  	v6 =	vld [tilespmem:s16+$0x50];
	v5 =	vadd.s32 v8, v5  }
0x10c: {  	v7 =	vld [tilespmem:s16+$0x60];
	v5 =	vadd.s32 v9, v5  }
0x10d: {  	s17 =	simm.s32 $0x2180;
	v8 =	vld [tilespmem:s16+$0x70];
	v5 =	vadd.s32 v10, v5  }
0x10e: {  	v9 =	vld [tilespmem:s17+$0xFFFFFF80];
	v10 =	vadd.s32 v11, v5  }
0x10f: {  	s18 =	simm.s32 $0x2;
	s16 =	simm.s32 $0x1;
	v5 =	vimm.s32 $0x0;
	v11 =	vld [tilespmem:s17+$0xFFFFFF90];
	v10 =	vadd.s32 v12, v10  }
.LBB2_15:
0x110: {  	p0 =	sne.s32 s18, $0xF;
	v12 =	vld [tilespmem:s17+$0xFFFFFFA0];
	v6 =	vadd.s32 v6, v10  }
0x111: {  	v10 =	vld [tilespmem:s17+$0xFFFFFFB0];
	v6 =	vadd.s32 v7, v6  }
0x112: {  	v7 =	vld [tilespmem:s17+$0xFFFFFFC0];
	v6 =	vadd.s32 v8, v6  }
0x113: {  	v8 =	vld [tilespmem:s17+$0xFFFFFFD0];
	(xrf0) =	vadd.scan.msk.s32 $0xffff, v6  }
0x114: {  	v6 =	vadd.s32 v9, v11;
	v9 =	vld [tilespmem:s17+$0xFFFFFFE0]  }
0x115: {  	v6 =	vadd.s32 v12, v6;
	v11 =	vld [tilespmem:s17+$0xFFFFFFF0]  }
0x116: {  	v6 =	vadd.s32 v10, v6;
	v10 =	vld [tilespmem:s17+$0x0]  }
0x117: {  	v6 =	vadd.s32 v7, v6;
	v7 =	vld [tilespmem:s17+$0x10]  }
0x118: {  	v6 =	vadd.s32 v8, v6;
	v8 =	vld [tilespmem:s17+$0x20]  }
0x119: {  	v6 =	vadd.s32 v9, v6;
	v12 =	vld [tilespmem:s17+$0x30];
	v9, _, _ =	vpop (xrf0)  }
0x11a: {  	v6 =	vadd.s32 v11, v6;
	v13 =	vld [tilespmem:s17+$0x40];
	v11 =	vmov s14;
	v9 =	vbroadcast v9, $0xF;
	s14 =	smov.u32 s16;
	s16 =	smov.u32 s18  }
.Ltmp7:
0x11b: {  	v10 =	vadd.s32 v10, v6;
	v6 =	vld [tilespmem:s17+$0x50];
	vm0 =	veq.s32 v11, v1;
	(pc) =	sbr.rel @p0 .LBB2_15-.Ltmp7, $4  }
0x11c: {  	v10 =	vadd.s32 v7, v10;
	v7 =	vld [tilespmem:s17+$0x60];
	v5 =	vsel vm0, v9, v5  }
0x11d: {  	v10 =	vadd.s32 v8, v10;
	v8 =	vld [tilespmem:s17+$0x70];
	s17 =	sadd.s32 $0x100, s17  }
0x11e: {  	v9 =	vld [tilespmem:s17+$0xFFFFFF80];
	v10 =	vadd.s32 v12, v10  }
0x11f: {  	s18 =	sadd.s32 $0x1, s18;
	v11 =	vld [tilespmem:s17+$0xFFFFFF90];
	v10 =	vadd.s32 v13, v10  }
0x120: {  	v12 =	vld [tilespmem:s17+$0xFFFFFFA0]  }
0x121: {  	v13 =	vld [tilespmem:s17+$0xFFFFFFB0]  }
0x122: {  	v14 =	vld [tilespmem:s17+$0xFFFFFFC0]  }
0x123: {  	v15 =	vld [tilespmem:s17+$0xFFFFFFD0]  }
0x124: {  	v54 =	vld [tilespmem:s17+$0xFFFFFFE0];
	v9 =	vadd.s32 v9, v11  }
0x125: {  	v55 =	vld [tilespmem:s17+$0xFFFFFFF0];
	v9 =	vadd.s32 v12, v9  }
0x126: {  	v56 =	vld [tilespmem:s17+$0x0];
	v9 =	vadd.s32 v13, v9  }
0x127: {  	v57 =	vld [tilespmem:s17+$0x10];
	v9 =	vadd.s32 v14, v9  }
0x128: {  	v58 =	vld [tilespmem:s17+$0x20];
	v9 =	vadd.s32 v15, v9  }
0x129: {  	v59 =	vld [tilespmem:s17+$0x30];
	v9 =	vadd.s32 v54, v9  }
0x12a: {  	v60 =	vld [tilespmem:s17+$0x40];
	v9 =	vadd.s32 v55, v9  }
0x12b: {  	v61 =	vld [tilespmem:s17+$0x50];
	v9 =	vadd.s32 v56, v9  }
0x12c: {  	v62 =	vld [tilespmem:s17+$0x60];
	v9 =	vadd.s32 v57, v9  }
0x12d: {  	v63 =	vld [tilespmem:s17+$0x70];
	v9 =	vadd.s32 v58, v9  }
0x12e: {  	v9 =	vadd.s32 v59, v9  }
0x12f: {  	v6 =	vadd.s32 v6, v10;
	v9 =	vadd.s32 v60, v9  }
0x130: {  	v6 =	vadd.s32 v7, v6;
	v7 =	vadd.s32 v61, v9  }
0x131: {  	v6 =	vadd.s32 v8, v6;
	v8 =	vmov s15;
	v7 =	vadd.s32 v62, v7  }
0x132: {  	v3 =	vsub.s32 v4, v3;
	(xrf0) =	vadd.scan.msk.s32 $0xffff, v6;
	vm0 =	veq.s32 v8, v1;
	v6 =	vadd.s32 v63, v7  }
0x133: {  	v3 =	vnsel vm0, $0x0, v3;
	(xrf0) =	vadd.scan.msk.s32 $0xffff, v6  }
0x134: {  	(xrf0) =	vadd.scan.msk.s32 $0xffff, v3;
	_ =	sdelay $0x3  }
0x135: {  	v3, _, _ =	vpop (xrf0)  }
0x136: {  	v4, _, _ =	vpop (xrf0)  }
0x137: {  	v6, _, _ =	vpop (xrf0)  }
0x138: {  	(v2sf) =	vpush v6, $0xF;
	_ =	sdelay $0x5  }
0x139: {  	v3 =	vbroadcast v3, $0xF;
	v6 =	vmov s14  }
0x13a: {  	v4 =	vbroadcast v4, $0xF;
	vm13 =	veq.s32 v6, v1;
	v6 =	vmov s16  }
0x13b: {  	v3 =	vsel vm13, v3, v5;
	vm14 =	veq.s32 v6, v1  }
0x13c: {  	v3 =	vsel vm14, v4, v3  }
0x13d: {  	(xrf0) =	vadd.scan.msk.s32 $0xffff, v3;
	_ =	sdelay $0x4  }
0x13e: {  	s25 =	spop (v2sf)  }
0x13f: {  	v4, _, _ =	vpop (xrf0);
	s13 =	ssub.s32 s13, s25  }
0x140: {  	vm15 =	vge.s32 v4, s13  }
0x141: {  	v5 =	vmctz.xlane vm15;
	_ =	sdelay $0x1  }
0x142: {  	v5 =	vxor.u32 $0x80000000, v5  }
0x143: {  	(xrf0) =	vmax.scan.msk.u32 $0xffff, v5;
	_ =	sdelay $0x5  }
0x144: {  	v5, _, _ =	vpop (xrf0)  }
0x145: {  	(v2sf) =	vpush v5, $0xF;
	_ =	sdelay $0xe  }
0x146: {  	s14 =	spop (v2sf)  }
0x147: {  	s26 =	sshll.u32 s14, $0xA  }
0x148: {  	s15 =	simm.s32 $0x0;
	s28 =	sshra.s32 s26, $0x2  }
0x149: {  	s29 =	sand.u32 $0x80, s15;
	s17 =	sadd.s32 $0x2000, s28  }
0x14a: {  	s18 =	sand.u32 $0x70, s15;
	s16 =	sadd.s32 s29, s17  }
0x14b: {  	s16 =	sadd.s32 s18, s16  }
0x14c: {  	v6 =	vld [tilespmem:s16+$0x0];
	_ =	sdelay $0x1  }
0x14d: {  	s30 =	simm.s32 $0x10  }
0x14e: {  	s31 =	sand.u32 $0x80, s30  }
0x14f: {  	s18 =	sadd.s32 s31, s17;
	s16 =	sand.u32 $0x70, s30  }
0x150: {  	s19 =	sadd.s32 s16, s18;
	(xrf0) =	vadd.scan.msk.s32 $0xffff, v6  }
0x151: {  	v6 =	vld [tilespmem:s19+$0x0]  }
0x152: {  	v5 =	vimm.s32 $0x0;
	s16 =	simm.s32 $0x1;
	s18 =	simm.s32 $0x2;
	s19 =	simm.s32 $0x20  }
.LBB2_17:
0x153: {  	s20 =	sand.u32 $0x80, s19  }
0x154: {  	p0 =	sne.s32 s18, $0xF;
	s21 =	smov.u32 s18;
	s18 =	sadd.s32 $0x1, s18  }
.Ltmp8:
0x155: {  	s22 =	sand.u32 $0x70, s19;
	s20 =	sadd.s32 s20, s17;
	(pc) =	sbr.rel @p0 .LBB2_17-.Ltmp8, $4  }
0x156: {  	s20 =	sadd.s32 s22, s20;
	(xrf0) =	vadd.scan.msk.s32 $0xffff, v6;
	v7, _, _ =	vpop (xrf0)  }
0x157: {  	v8 =	vmov s15;
	s15 =	smov.u32 s16;
	s16 =	smov.u32 s21;
	v6 =	vld [tilespmem:s20+$0x0];
	v7 =	vbroadcast v7, $0xF  }
0x158: {  	vm0 =	veq.s32 v8, v1  }
0x159: {  	s19 =	sadd.s32 $0x10, s19;
	v5 =	vsel vm0, v7, v5  }
0x15a: {  	s17 =	sxor.u32 $0x80000000, s14  }
0x15b: {  	v7 =	vmov s17  }
0x15c: {  	v3 =	vsub.s32 v4, v3;
	vm0 =	veq.s32 v7, v1  }
0x15d: {  	(xrf0) =	vadd.scan.msk.s32 $0xffff, v6;
	v3 =	vnsel vm0, $0x0, v3  }
0x15e: {  	(xrf0) =	vadd.scan.msk.s32 $0xffff, v3;
	_ =	sdelay $0x3  }
0x15f: {  	v3, _, _ =	vpop (xrf0)  }
0x160: {  	v4, _, _ =	vpop (xrf0)  }
0x161: {  	v6, _, _ =	vpop (xrf0)  }
0x162: {  	(v2sf) =	vpush v6, $0xF;
	_ =	sdelay $0x5  }
0x163: {  	v3 =	vbroadcast v3, $0xF;
	v6 =	vmov s15  }
0x164: {  	v4 =	vbroadcast v4, $0xF;
	vm13 =	veq.s32 v6, v1;
	v6 =	vmov s16  }
0x165: {  	v3 =	vsel vm13, v3, v5;
	vm14 =	veq.s32 v6, v1  }
0x166: {  	v3 =	vsel vm14, v4, v3  }
0x167: {  	(xrf0) =	vadd.scan.msk.s32 $0xffff, v3;
	_ =	sdelay $0x4  }
0x168: {  	s31 =	spop (v2sf)  }
0x169: {  	v4, _, _ =	vpop (xrf0);
	s13 =	ssub.s32 s13, s31  }
0x16a: {  	vm15 =	vge.s32 v4, s13  }
0x16b: {  	s15 =	simm.s32 $0x0;
	s16 =	simm.s32 $0x200;
	v5 =	vmctz.xlane vm15  }
.LBB2_19:
0x16c: {  	p0 =	seq.s32 s16, $0x3E00;
	[tilespmem:s15+$0x2070] =	vst v0  }
0x16d: {  	[tilespmem:s15+$0x2000] =	vst v0  }
0x16e: {  	[tilespmem:s15+$0x2010] =	vst v0  }
.Ltmp9:
0x16f: {  	[tilespmem:s15+$0x2020] =	vst v0;
	(pc) =	sbr.rel @!p0 .LBB2_19-.Ltmp9, $4  }
0x170: {  	[tilespmem:s15+$0x2030] =	vst v0  }
0x171: {  	[tilespmem:s15+$0x2040] =	vst v0  }
0x172: {  	[tilespmem:s15+$0x2050] =	vst v0  }
0x173: {  	[tilespmem:s15+$0x2060] =	vst v0;
	s15 =	sshra.s32 s16, $0x2;
	s16 =	sadd.s32 $0x200, s16  }
0x174: {  	v5 =	vxor.u32 $0x80000000, v5  }
0x175: {  	(xrf0) =	vmax.scan.msk.u32 $0xffff, v5;
	_ =	sdelay $0x5  }
0x176: {  	v5, _, _ =	vpop (xrf0)  }
0x177: {  	(v2sf) =	vpush v5, $0xF;
	_ =	sdelay $0x8  }
0x178: {  	[tilespmem:s15+$0x2070] =	vst v0  }
0x179: {  	[tilespmem:s15+$0x2000] =	vst v0  }
0x17a: {  	[tilespmem:s15+$0x2010] =	vst v0  }
0x17b: {  	[tilespmem:s15+$0x2020] =	vst v0  }
0x17c: {  	[tilespmem:s15+$0x2030] =	vst v0  }
0x17d: {  	[tilespmem:s15+$0x2040] =	vst v0  }
0x17e: {  	[tilespmem:s15+$0x2050] =	vst v0;
	s31 =	spop (v2sf)  }
0x17f: {  	[tilespmem:s15+$0x2060] =	vst v0;
	s14 =	sshll.u32 s14, $0x4;
	s15 =	sxor.u32 $0x80000000, s31  }
0x180: {  	s12 =	sshll.u32 s12, $0x8;
	s14 =	sadd.s32 s14, s15  }
0x181: {  	s12 =	sor.u32 s12, s14  }
0x182: {  	s16 =	simm.s32 $0x0;
	s14 =	simm.s32 $0x0;
	v5 =	vmov s12  }
.LBB2_21:
0x183: {  	s17 =	sshra.s32 s16, $0x2  }
0x184: {  	v6 =	vld [tilespmem:s17+$0x0];
	_ =	sdelay $0x4  }
0x185: {  	v7 =	vshra.s32 v6, $0xE;
	v6 =	vshrl.u32 v6, $0x2  }
0x186: {  	vm0 =	veq.s32 v7, v5;
	v6 =	vand.u32 $0xFF0, v6  }
0x187: {  	v6 =	vor.u32 v1, v6;
	_ =	sdelay $0x4  }
0x188: {  	[tilespmem:v6+s11+$0x0] =	vst.idx.add.s32.msk vm0, v2  }
0x189: {  	v6 =	vld [tilespmem:s17+$0x10];
	_ =	sdelay $0x4  }
0x18a: {  	v7 =	vshra.s32 v6, $0xE;
	v6 =	vshrl.u32 v6, $0x2  }
0x18b: {  	vm9 =	veq.s32 v7, v5;
	v6 =	vand.u32 $0xFF0, v6  }
0x18c: {  	v6 =	vor.u32 v1, v6;
	_ =	sdelay $0x4  }
0x18d: {  	[tilespmem:v6+s11+$0x0] =	vst.idx.add.s32.msk vm9, v2  }
0x18e: {  	v6 =	vld [tilespmem:s17+$0x20];
	_ =	sdelay $0x4  }
0x18f: {  	v7 =	vshra.s32 v6, $0xE;
	v6 =	vshrl.u32 v6, $0x2  }
0x190: {  	vm10 =	veq.s32 v7, v5;
	v6 =	vand.u32 $0xFF0, v6  }
0x191: {  	v6 =	vor.u32 v1, v6;
	_ =	sdelay $0x4  }
0x192: {  	[tilespmem:v6+s11+$0x0] =	vst.idx.add.s32.msk vm10, v2  }
0x193: {  	v6 =	vld [tilespmem:s17+$0x30];
	_ =	sdelay $0x4  }
0x194: {  	v7 =	vshra.s32 v6, $0xE;
	v6 =	vshrl.u32 v6, $0x2  }
0x195: {  	vm11 =	veq.s32 v7, v5;
	v6 =	vand.u32 $0xFF0, v6  }
0x196: {  	v6 =	vor.u32 v1, v6;
	_ =	sdelay $0x4  }
0x197: {  	[tilespmem:v6+s11+$0x0] =	vst.idx.add.s32.msk vm11, v2  }
0x198: {  	v6 =	vld [tilespmem:s17+$0x40];
	_ =	sdelay $0x4  }
0x199: {  	v7 =	vshra.s32 v6, $0xE;
	v6 =	vshrl.u32 v6, $0x2  }
0x19a: {  	vm12 =	veq.s32 v7, v5;
	v6 =	vand.u32 $0xFF0, v6  }
0x19b: {  	v6 =	vor.u32 v1, v6;
	_ =	sdelay $0x4  }
0x19c: {  	[tilespmem:v6+s11+$0x0] =	vst.idx.add.s32.msk vm12, v2  }
0x19d: {  	v6 =	vld [tilespmem:s17+$0x50];
	_ =	sdelay $0x4  }
0x19e: {  	v7 =	vshra.s32 v6, $0xE;
	v6 =	vshrl.u32 v6, $0x2  }
0x19f: {  	vm13 =	veq.s32 v7, v5;
	v6 =	vand.u32 $0xFF0, v6  }
0x1a0: {  	v6 =	vor.u32 v1, v6;
	_ =	sdelay $0x4  }
0x1a1: {  	[tilespmem:v6+s11+$0x0] =	vst.idx.add.s32.msk vm13, v2  }
0x1a2: {  	v6 =	vld [tilespmem:s17+$0x60];
	_ =	sdelay $0x4  }
0x1a3: {  	v7 =	vshra.s32 v6, $0xE;
	v6 =	vshrl.u32 v6, $0x2  }
0x1a4: {  	vm14 =	veq.s32 v7, v5;
	v6 =	vand.u32 $0xFF0, v6  }
0x1a5: {  	v6 =	vor.u32 v1, v6;
	_ =	sdelay $0x4  }
0x1a6: {  	[tilespmem:v6+s11+$0x0] =	vst.idx.add.s32.msk vm14, v2  }
0x1a7: {  	v6 =	vld [tilespmem:s17+$0x70];
	_ =	sdelay $0x4  }
0x1a8: {  	v7 =	vshra.s32 v6, $0xE;
	v6 =	vshrl.u32 v6, $0x2  }
0x1a9: {  	vm15 =	veq.s32 v7, v5;
	v6 =	vand.u32 $0xFF0, v6  }
0x1aa: {  	p0 =	sne.s32 s16, $0x3E00;
	v6 =	vor.u32 v1, v6  }
.Ltmp10:
0x1ab: {  	_ = 	snop;
	(pc) =	sbr.rel @p0 .LBB2_21-.Ltmp10, $2  }
0x1ac: {  	_ =	sdelay $0x2  }
0x1ad: {  	s16 =	sadd.s32 $0x200, s16;
	[tilespmem:v6+s11+$0x0] =	vst.idx.add.s32.msk vm15, v2  }
0x1ae: {  	s16 =	simm.s32 $0x2080  }
0x1af: {  	v5 =	vld [tilespmem:s16+$0xFFFFFF80]  }
0x1b0: {  	v6 =	vld [tilespmem:s16+$0xFFFFFF90]  }
0x1b1: {  	v7 =	vld [tilespmem:s16+$0xFFFFFFA0]  }
0x1b2: {  	v8 =	vld [tilespmem:s16+$0xFFFFFFB0]  }
0x1b3: {  	v9 =	vld [tilespmem:s16+$0xFFFFFFC0]  }
0x1b4: {  	v10 =	vld [tilespmem:s16+$0xFFFFFFD0]  }
0x1b5: {  	v5 =	vadd.s32 v5, v6;
	v6 =	vld [tilespmem:s16+$0xFFFFFFE0]  }
0x1b6: {  	v5 =	vadd.s32 v7, v5;
	v7 =	vld [tilespmem:s16+$0xFFFFFFF0]  }
0x1b7: {  	v5 =	vadd.s32 v8, v5;
	v8 =	vld [tilespmem:s16+$0x0]  }
0x1b8: {  	v5 =	vadd.s32 v9, v5;
	v9 =	vld [tilespmem:s16+$0x10]  }
0x1b9: {  	v5 =	vadd.s32 v10, v5;
	v10 =	vld [tilespmem:s16+$0x20]  }
0x1ba: {  	v11 =	vld [tilespmem:s16+$0x30];
	v5 =	vadd.s32 v6, v5  }
0x1bb: {  	v12 =	vld [tilespmem:s16+$0x40];
	v5 =	vadd.s32 v7, v5  }
0x1bc: {  	v6 =	vld [tilespmem:s16+$0x50];
	v5 =	vadd.s32 v8, v5  }
0x1bd: {  	v7 =	vld [tilespmem:s16+$0x60];
	v5 =	vadd.s32 v9, v5  }
0x1be: {  	s17 =	simm.s32 $0x2180;
	v8 =	vld [tilespmem:s16+$0x70];
	v5 =	vadd.s32 v10, v5  }
0x1bf: {  	v9 =	vld [tilespmem:s17+$0xFFFFFF80];
	v10 =	vadd.s32 v11, v5  }
0x1c0: {  	s18 =	simm.s32 $0x2;
	s16 =	simm.s32 $0x1;
	v5 =	vimm.s32 $0x0;
	v11 =	vld [tilespmem:s17+$0xFFFFFF90];
	v10 =	vadd.s32 v12, v10  }
.LBB2_23:
0x1c1: {  	p0 =	sne.s32 s18, $0xF;
	v12 =	vld [tilespmem:s17+$0xFFFFFFA0];
	v6 =	vadd.s32 v6, v10  }
0x1c2: {  	v10 =	vld [tilespmem:s17+$0xFFFFFFB0];
	v6 =	vadd.s32 v7, v6  }
0x1c3: {  	v7 =	vld [tilespmem:s17+$0xFFFFFFC0];
	v6 =	vadd.s32 v8, v6  }
0x1c4: {  	v8 =	vld [tilespmem:s17+$0xFFFFFFD0];
	(xrf0) =	vadd.scan.msk.s32 $0xffff, v6  }
0x1c5: {  	v6 =	vadd.s32 v9, v11;
	v9 =	vld [tilespmem:s17+$0xFFFFFFE0]  }
0x1c6: {  	v6 =	vadd.s32 v12, v6;
	v11 =	vld [tilespmem:s17+$0xFFFFFFF0]  }
0x1c7: {  	v6 =	vadd.s32 v10, v6;
	v10 =	vld [tilespmem:s17+$0x0]  }
0x1c8: {  	v6 =	vadd.s32 v7, v6;
	v7 =	vld [tilespmem:s17+$0x10]  }
0x1c9: {  	v6 =	vadd.s32 v8, v6;
	v8 =	vld [tilespmem:s17+$0x20]  }
0x1ca: {  	v6 =	vadd.s32 v9, v6;
	v12 =	vld [tilespmem:s17+$0x30];
	v9, _, _ =	vpop (xrf0)  }
0x1cb: {  	v6 =	vadd.s32 v11, v6;
	v13 =	vld [tilespmem:s17+$0x40];
	v11 =	vmov s14;
	v9 =	vbroadcast v9, $0xF;
	s14 =	smov.u32 s16;
	s16 =	smov.u32 s18  }
.Ltmp11:
0x1cc: {  	v10 =	vadd.s32 v10, v6;
	v6 =	vld [tilespmem:s17+$0x50];
	vm0 =	veq.s32 v11, v1;
	(pc) =	sbr.rel @p0 .LBB2_23-.Ltmp11, $4  }
0x1cd: {  	v10 =	vadd.s32 v7, v10;
	v7 =	vld [tilespmem:s17+$0x60];
	v5 =	vsel vm0, v9, v5  }
0x1ce: {  	v10 =	vadd.s32 v8, v10;
	v8 =	vld [tilespmem:s17+$0x70];
	s17 =	sadd.s32 $0x100, s17  }
0x1cf: {  	v9 =	vld [tilespmem:s17+$0xFFFFFF80];
	v10 =	vadd.s32 v12, v10  }
0x1d0: {  	s18 =	sadd.s32 $0x1, s18;
	v11 =	vld [tilespmem:s17+$0xFFFFFF90];
	v10 =	vadd.s32 v13, v10  }
0x1d1: {  	v12 =	vld [tilespmem:s17+$0xFFFFFFA0]  }
0x1d2: {  	v13 =	vld [tilespmem:s17+$0xFFFFFFB0]  }
0x1d3: {  	v14 =	vld [tilespmem:s17+$0xFFFFFFC0]  }
0x1d4: {  	v15 =	vld [tilespmem:s17+$0xFFFFFFD0]  }
0x1d5: {  	v54 =	vld [tilespmem:s17+$0xFFFFFFE0];
	v9 =	vadd.s32 v9, v11  }
0x1d6: {  	v55 =	vld [tilespmem:s17+$0xFFFFFFF0];
	v9 =	vadd.s32 v12, v9  }
0x1d7: {  	v56 =	vld [tilespmem:s17+$0x0];
	v9 =	vadd.s32 v13, v9  }
0x1d8: {  	v57 =	vld [tilespmem:s17+$0x10];
	v9 =	vadd.s32 v14, v9  }
0x1d9: {  	v58 =	vld [tilespmem:s17+$0x20];
	v9 =	vadd.s32 v15, v9  }
0x1da: {  	v59 =	vld [tilespmem:s17+$0x30];
	v9 =	vadd.s32 v54, v9  }
0x1db: {  	v60 =	vld [tilespmem:s17+$0x40];
	v9 =	vadd.s32 v55, v9  }
0x1dc: {  	v61 =	vld [tilespmem:s17+$0x50];
	v9 =	vadd.s32 v56, v9  }
0x1dd: {  	v62 =	vld [tilespmem:s17+$0x60];
	v9 =	vadd.s32 v57, v9  }
0x1de: {  	v63 =	vld [tilespmem:s17+$0x70];
	v9 =	vadd.s32 v58, v9  }
0x1df: {  	v9 =	vadd.s32 v59, v9  }
0x1e0: {  	v6 =	vadd.s32 v6, v10;
	v9 =	vadd.s32 v60, v9  }
0x1e1: {  	v6 =	vadd.s32 v7, v6;
	v7 =	vadd.s32 v61, v9  }
0x1e2: {  	v6 =	vadd.s32 v8, v6;
	v8 =	vmov s15;
	v7 =	vadd.s32 v62, v7  }
0x1e3: {  	v3 =	vsub.s32 v4, v3;
	(xrf0) =	vadd.scan.msk.s32 $0xffff, v6;
	vm0 =	veq.s32 v8, v1;
	v6 =	vadd.s32 v63, v7  }
0x1e4: {  	v3 =	vnsel vm0, $0x0, v3;
	(xrf0) =	vadd.scan.msk.s32 $0xffff, v6  }
0x1e5: {  	(xrf0) =	vadd.scan.msk.s32 $0xffff, v3;
	_ =	sdelay $0x3  }
0x1e6: {  	v3, _, _ =	vpop (xrf0)  }
0x1e7: {  	v4, _, _ =	vpop (xrf0)  }
0x1e8: {  	v6, _, _ =	vpop (xrf0)  }
0x1e9: {  	(v2sf) =	vpush v6, $0xF;
	_ =	sdelay $0x5  }
0x1ea: {  	v3 =	vbroadcast v3, $0xF;
	v6 =	vmov s14  }
0x1eb: {  	v4 =	vbroadcast v4, $0xF;
	vm13 =	veq.s32 v6, v1;
	v6 =	vmov s16  }
0x1ec: {  	v3 =	vsel vm13, v3, v5;
	vm14 =	veq.s32 v6, v1  }
0x1ed: {  	v4 =	vsel vm14, v4, v3  }
0x1ee: {  	(xrf0) =	vadd.scan.msk.s32 $0xffff, v4;
	_ =	sdelay $0x4  }
0x1ef: {  	s25 =	spop (v2sf)  }
0x1f0: {  	v5, _, _ =	vpop (xrf0);
	s13 =	ssub.s32 s13, s25  }
0x1f1: {  	vm15 =	vge.s32 v5, s13  }
0x1f2: {  	v3 =	vmctz.xlane vm15;
	_ =	sdelay $0x1  }
0x1f3: {  	v3 =	vxor.u32 $0x80000000, v3  }
0x1f4: {  	(xrf0) =	vmax.scan.msk.u32 $0xffff, v3;
	_ =	sdelay $0x5  }
0x1f5: {  	v3, _, _ =	vpop (xrf0)  }
0x1f6: {  	(v2sf) =	vpush v3, $0xF;
	_ =	sdelay $0xe  }
0x1f7: {  	s14 =	spop (v2sf)  }
0x1f8: {  	s26 =	sshll.u32 s14, $0xA  }
0x1f9: {  	s15 =	simm.s32 $0x0;
	s28 =	sshra.s32 s26, $0x2  }
0x1fa: {  	s29 =	sand.u32 $0x80, s15;
	s17 =	sadd.s32 $0x2000, s28  }
0x1fb: {  	s18 =	sand.u32 $0x70, s15;
	s16 =	sadd.s32 s29, s17  }
0x1fc: {  	s16 =	sadd.s32 s18, s16  }
0x1fd: {  	v6 =	vld [tilespmem:s16+$0x0];
	_ =	sdelay $0x1  }
0x1fe: {  	s30 =	simm.s32 $0x10  }
0x1ff: {  	s31 =	sand.u32 $0x80, s30  }
0x200: {  	s18 =	sadd.s32 s31, s17;
	s16 =	sand.u32 $0x70, s30  }
0x201: {  	s19 =	sadd.s32 s16, s18;
	(xrf0) =	vadd.scan.msk.s32 $0xffff, v6  }
0x202: {  	v6 =	vld [tilespmem:s19+$0x0]  }
0x203: {  	v3 =	vimm.s32 $0x0;
	s16 =	simm.s32 $0x1;
	s18 =	simm.s32 $0x2;
	s19 =	simm.s32 $0x20  }
.LBB2_25:
0x204: {  	s20 =	sand.u32 $0x80, s19  }
0x205: {  	p0 =	sne.s32 s18, $0xF;
	s21 =	smov.u32 s18;
	s18 =	sadd.s32 $0x1, s18  }
.Ltmp12:
0x206: {  	s22 =	sand.u32 $0x70, s19;
	s20 =	sadd.s32 s20, s17;
	(pc) =	sbr.rel @p0 .LBB2_25-.Ltmp12, $4  }
0x207: {  	s20 =	sadd.s32 s22, s20;
	(xrf0) =	vadd.scan.msk.s32 $0xffff, v6;
	v7, _, _ =	vpop (xrf0)  }
0x208: {  	v8 =	vmov s15;
	s15 =	smov.u32 s16;
	s16 =	smov.u32 s21;
	v6 =	vld [tilespmem:s20+$0x0];
	v7 =	vbroadcast v7, $0xF  }
0x209: {  	vm0 =	veq.s32 v8, v1  }
0x20a: {  	s19 =	sadd.s32 $0x10, s19;
	v3 =	vsel vm0, v7, v3  }
0x20b: {  	[tilespmem:$0x2000] =	vst v0  }
0x20c: {  	[tilespmem:$0x2010] =	vst v0  }
0x20d: {  	[tilespmem:$0x2020] =	vst v0  }
0x20e: {  	[tilespmem:$0x2030] =	vst v0  }
0x20f: {  	[tilespmem:$0x2040] =	vst v0  }
0x210: {  	s17 =	sxor.u32 $0x80000000, s14;
	[tilespmem:$0x2050] =	vst v0  }
0x211: {  	[tilespmem:$0x2060] =	vst v0;
	v7 =	vmov s17  }
0x212: {  	v4 =	vsub.s32 v5, v4;
	[tilespmem:$0x2070] =	vst v0;
	vm0 =	veq.s32 v7, v1  }
0x213: {  	[tilespmem:$0x2080] =	vst v0;
	(xrf0) =	vadd.scan.msk.s32 $0xffff, v6;
	v4 =	vnsel vm0, $0x0, v4  }
0x214: {  	[tilespmem:$0x2090] =	vst v0;
	(xrf0) =	vadd.scan.msk.s32 $0xffff, v4  }
0x215: {  	[tilespmem:$0x20A0] =	vst v0  }
0x216: {  	[tilespmem:$0x20B0] =	vst v0  }
0x217: {  	[tilespmem:$0x20C0] =	vst v0  }
0x218: {  	[tilespmem:$0x20D0] =	vst v0;
	v4, _, _ =	vpop (xrf0)  }
0x219: {  	[tilespmem:$0x20E0] =	vst v0;
	v5, _, _ =	vpop (xrf0)  }
0x21a: {  	[tilespmem:$0x20F0] =	vst v0;
	v6, _, _ =	vpop (xrf0)  }
0x21b: {  	[tilespmem:$0x2100] =	vst v0;
	(v2sf) =	vpush v6, $0xF  }
0x21c: {  	[tilespmem:$0x2110] =	vst v0  }
0x21d: {  	[tilespmem:$0x2120] =	vst v0  }
0x21e: {  	[tilespmem:$0x2130] =	vst v0  }
0x21f: {  	[tilespmem:$0x2140] =	vst v0  }
0x220: {  	[tilespmem:$0x2150] =	vst v0  }
0x221: {  	[tilespmem:$0x2160] =	vst v0;
	v4 =	vbroadcast v4, $0xF;
	v6 =	vmov s15  }
0x222: {  	[tilespmem:$0x2170] =	vst v0;
	v5 =	vbroadcast v5, $0xF;
	vm13 =	veq.s32 v6, v1;
	v6 =	vmov s16  }
0x223: {  	[tilespmem:$0x2180] =	vst v0;
	v3 =	vsel vm13, v4, v3;
	vm14 =	veq.s32 v6, v1  }
0x224: {  	[tilespmem:$0x2190] =	vst v0;
	v3 =	vsel vm14, v5, v3  }
0x225: {  	[tilespmem:$0x21A0] =	vst v0;
	(xrf0) =	vadd.scan.msk.s32 $0xffff, v3  }
0x226: {  	[tilespmem:$0x21B0] =	vst v0  }
0x227: {  	[tilespmem:$0x21C0] =	vst v0  }
0x228: {  	[tilespmem:$0x21D0] =	vst v0  }
0x229: {  	[tilespmem:$0x21E0] =	vst v0  }
0x22a: {  	[tilespmem:$0x21F0] =	vst v0;
	s29 =	spop (v2sf)  }
0x22b: {  	[tilespmem:$0x2200] =	vst v0;
	v4, _, _ =	vpop (xrf0);
	s13 =	ssub.s32 s13, s29  }
0x22c: {  	[tilespmem:$0x2210] =	vst v0;
	vm15 =	vge.s32 v4, s13  }
0x22d: {  	[tilespmem:$0x2220] =	vst v0;
	v5 =	vmctz.xlane vm15  }
0x22e: {  	[tilespmem:$0x2230] =	vst v0  }
0x22f: {  	[tilespmem:$0x2240] =	vst v0;
	v5 =	vxor.u32 $0x80000000, v5  }
0x230: {  	[tilespmem:$0x2250] =	vst v0;
	(xrf0) =	vmax.scan.msk.u32 $0xffff, v5  }
0x231: {  	[tilespmem:$0x2260] =	vst v0  }
0x232: {  	[tilespmem:$0x2270] =	vst v0  }
0x233: {  	[tilespmem:$0x2280] =	vst v0  }
0x234: {  	[tilespmem:$0x2290] =	vst v0  }
0x235: {  	[tilespmem:$0x22A0] =	vst v0  }
0x236: {  	[tilespmem:$0x22B0] =	vst v0;
	v5, _, _ =	vpop (xrf0)  }
0x237: {  	[tilespmem:$0x22C0] =	vst v0;
	(v2sf) =	vpush v5, $0xF  }
0x238: {  	[tilespmem:$0x22D0] =	vst v0  }
0x239: {  	[tilespmem:$0x22E0] =	vst v0  }
0x23a: {  	[tilespmem:$0x22F0] =	vst v0  }
0x23b: {  	[tilespmem:$0x2300] =	vst v0  }
0x23c: {  	[tilespmem:$0x2310] =	vst v0  }
0x23d: {  	[tilespmem:$0x2320] =	vst v0  }
0x23e: {  	[tilespmem:$0x2330] =	vst v0  }
0x23f: {  	[tilespmem:$0x2340] =	vst v0  }
0x240: {  	[tilespmem:$0x2350] =	vst v0  }
0x241: {  	[tilespmem:$0x2360] =	vst v0  }
0x242: {  	[tilespmem:$0x2370] =	vst v0  }
0x243: {  	[tilespmem:$0x2380] =	vst v0  }
0x244: {  	[tilespmem:$0x2390] =	vst v0  }
0x245: {  	[tilespmem:$0x23A0] =	vst v0  }
0x246: {  	[tilespmem:$0x23B0] =	vst v0;
	s30 =	spop (v2sf)  }
0x247: {  	[tilespmem:$0x23C0] =	vst v0;
	s31 =	sshll.u32 s14, $0x4;
	s15 =	sxor.u32 $0x80000000, s30  }
0x248: {  	[tilespmem:$0x23D0] =	vst v0;
	s12 =	sshll.u32 s12, $0x8;
	s14 =	sadd.s32 s31, s15  }
0x249: {  	[tilespmem:$0x23E0] =	vst v0;
	s12 =	sor.u32 s12, s14  }
0x24a: {  	[tilespmem:$0x23F0] =	vst v0;
	s16 =	simm.s32 $0x0;
	s14 =	simm.s32 $0x0;
	v5 =	vmov s12  }
.LBB2_27:
0x24b: {  	s17 =	sshra.s32 s16, $0x2  }
0x24c: {  	v6 =	vld [tilespmem:s17+$0x0];
	_ =	sdelay $0x4  }
0x24d: {  	v7 =	vshra.s32 v6, $0x6;
	v6 =	vshll.u32 v6, $0x4  }
0x24e: {  	vm0 =	veq.s32 v7, v5;
	v6 =	vor.u32 v1, v6  }
0x24f: {  	v6 =	vand.u32 $0x3FF, v6;
	_ =	sdelay $0x4  }
0x250: {  	[tilespmem:v6+s11+$0x0] =	vst.idx.add.s32.msk vm0, v2  }
0x251: {  	v6 =	vld [tilespmem:s17+$0x10];
	_ =	sdelay $0x4  }
0x252: {  	v7 =	vshra.s32 v6, $0x6;
	v6 =	vshll.u32 v6, $0x4  }
0x253: {  	vm9 =	veq.s32 v7, v5;
	v6 =	vor.u32 v1, v6  }
0x254: {  	v6 =	vand.u32 $0x3FF, v6;
	_ =	sdelay $0x4  }
0x255: {  	[tilespmem:v6+s11+$0x0] =	vst.idx.add.s32.msk vm9, v2  }
0x256: {  	v6 =	vld [tilespmem:s17+$0x20];
	_ =	sdelay $0x4  }
0x257: {  	v7 =	vshra.s32 v6, $0x6;
	v6 =	vshll.u32 v6, $0x4  }
0x258: {  	vm10 =	veq.s32 v7, v5;
	v6 =	vor.u32 v1, v6  }
0x259: {  	v6 =	vand.u32 $0x3FF, v6;
	_ =	sdelay $0x4  }
0x25a: {  	[tilespmem:v6+s11+$0x0] =	vst.idx.add.s32.msk vm10, v2  }
0x25b: {  	v6 =	vld [tilespmem:s17+$0x30];
	_ =	sdelay $0x4  }
0x25c: {  	v7 =	vshra.s32 v6, $0x6;
	v6 =	vshll.u32 v6, $0x4  }
0x25d: {  	vm11 =	veq.s32 v7, v5;
	v6 =	vor.u32 v1, v6  }
0x25e: {  	v6 =	vand.u32 $0x3FF, v6;
	_ =	sdelay $0x4  }
0x25f: {  	[tilespmem:v6+s11+$0x0] =	vst.idx.add.s32.msk vm11, v2  }
0x260: {  	v6 =	vld [tilespmem:s17+$0x40];
	_ =	sdelay $0x4  }
0x261: {  	v7 =	vshra.s32 v6, $0x6;
	v6 =	vshll.u32 v6, $0x4  }
0x262: {  	vm12 =	veq.s32 v7, v5;
	v6 =	vor.u32 v1, v6  }
0x263: {  	v6 =	vand.u32 $0x3FF, v6;
	_ =	sdelay $0x4  }
0x264: {  	[tilespmem:v6+s11+$0x0] =	vst.idx.add.s32.msk vm12, v2  }
0x265: {  	v6 =	vld [tilespmem:s17+$0x50];
	_ =	sdelay $0x4  }
0x266: {  	v7 =	vshra.s32 v6, $0x6;
	v6 =	vshll.u32 v6, $0x4  }
0x267: {  	vm13 =	veq.s32 v7, v5;
	v6 =	vor.u32 v1, v6  }
0x268: {  	v6 =	vand.u32 $0x3FF, v6;
	_ =	sdelay $0x4  }
0x269: {  	[tilespmem:v6+s11+$0x0] =	vst.idx.add.s32.msk vm13, v2  }
0x26a: {  	v6 =	vld [tilespmem:s17+$0x60];
	_ =	sdelay $0x4  }
0x26b: {  	v7 =	vshra.s32 v6, $0x6;
	v6 =	vshll.u32 v6, $0x4  }
0x26c: {  	vm14 =	veq.s32 v7, v5;
	v6 =	vor.u32 v1, v6  }
0x26d: {  	v6 =	vand.u32 $0x3FF, v6;
	_ =	sdelay $0x4  }
0x26e: {  	[tilespmem:v6+s11+$0x0] =	vst.idx.add.s32.msk vm14, v2  }
0x26f: {  	v6 =	vld [tilespmem:s17+$0x70];
	_ =	sdelay $0x4  }
0x270: {  	v7 =	vshra.s32 v6, $0x6;
	v6 =	vshll.u32 v6, $0x4  }
0x271: {  	vm15 =	veq.s32 v7, v5;
	v6 =	vor.u32 v1, v6  }
0x272: {  	p0 =	sne.s32 s16, $0x3E00;
	v6 =	vand.u32 $0x3FF, v6  }
.Ltmp13:
0x273: {  	_ = 	snop;
	(pc) =	sbr.rel @p0 .LBB2_27-.Ltmp13, $2  }
0x274: {  	_ =	sdelay $0x2  }
0x275: {  	s16 =	sadd.s32 $0x200, s16;
	[tilespmem:v6+s11+$0x0] =	vst.idx.add.s32.msk vm15, v2  }
0x276: {  	s16 =	simm.s32 $0x2080  }
0x277: {  	v5 =	vld [tilespmem:s16+$0xFFFFFF80]  }
0x278: {  	v6 =	vld [tilespmem:s16+$0xFFFFFF90]  }
0x279: {  	v7 =	vld [tilespmem:s16+$0xFFFFFFA0]  }
0x27a: {  	v8 =	vld [tilespmem:s16+$0xFFFFFFB0]  }
0x27b: {  	v9 =	vld [tilespmem:s16+$0xFFFFFFC0]  }
0x27c: {  	v10 =	vld [tilespmem:s16+$0xFFFFFFD0]  }
0x27d: {  	v5 =	vadd.s32 v5, v6;
	v6 =	vld [tilespmem:s16+$0xFFFFFFE0]  }
0x27e: {  	v5 =	vadd.s32 v7, v5;
	v7 =	vld [tilespmem:s16+$0xFFFFFFF0]  }
0x27f: {  	v5 =	vadd.s32 v8, v5;
	v8 =	vld [tilespmem:s16+$0x0]  }
0x280: {  	v5 =	vadd.s32 v9, v5;
	v9 =	vld [tilespmem:s16+$0x10]  }
0x281: {  	v5 =	vadd.s32 v10, v5;
	v10 =	vld [tilespmem:s16+$0x20]  }
0x282: {  	v11 =	vld [tilespmem:s16+$0x30];
	v5 =	vadd.s32 v6, v5  }
0x283: {  	v12 =	vld [tilespmem:s16+$0x40];
	v5 =	vadd.s32 v7, v5  }
0x284: {  	v6 =	vld [tilespmem:s16+$0x50];
	v5 =	vadd.s32 v8, v5  }
0x285: {  	v7 =	vld [tilespmem:s16+$0x60];
	v5 =	vadd.s32 v9, v5  }
0x286: {  	s17 =	simm.s32 $0x2180;
	v8 =	vld [tilespmem:s16+$0x70];
	v5 =	vadd.s32 v10, v5  }
0x287: {  	v9 =	vld [tilespmem:s17+$0xFFFFFF80];
	v10 =	vadd.s32 v11, v5  }
0x288: {  	s18 =	simm.s32 $0x2;
	s16 =	simm.s32 $0x1;
	v5 =	vimm.s32 $0x0;
	v11 =	vld [tilespmem:s17+$0xFFFFFF90];
	v10 =	vadd.s32 v12, v10  }
.LBB2_29:
0x289: {  	p0 =	sne.s32 s18, $0x3;
	v12 =	vld [tilespmem:s17+$0xFFFFFFA0];
	v6 =	vadd.s32 v6, v10  }
0x28a: {  	v10 =	vld [tilespmem:s17+$0xFFFFFFB0];
	v6 =	vadd.s32 v7, v6  }
0x28b: {  	v7 =	vld [tilespmem:s17+$0xFFFFFFC0];
	v6 =	vadd.s32 v8, v6  }
0x28c: {  	v8 =	vld [tilespmem:s17+$0xFFFFFFD0];
	(xrf0) =	vadd.scan.msk.s32 $0xffff, v6  }
0x28d: {  	v6 =	vadd.s32 v9, v11;
	v9 =	vld [tilespmem:s17+$0xFFFFFFE0]  }
0x28e: {  	v6 =	vadd.s32 v12, v6;
	v11 =	vld [tilespmem:s17+$0xFFFFFFF0]  }
0x28f: {  	v6 =	vadd.s32 v10, v6;
	v10 =	vld [tilespmem:s17+$0x0]  }
0x290: {  	v6 =	vadd.s32 v7, v6;
	v7 =	vld [tilespmem:s17+$0x10]  }
0x291: {  	v6 =	vadd.s32 v8, v6;
	v8 =	vld [tilespmem:s17+$0x20]  }
0x292: {  	v6 =	vadd.s32 v9, v6;
	v12 =	vld [tilespmem:s17+$0x30];
	v9, _, _ =	vpop (xrf0)  }
0x293: {  	v6 =	vadd.s32 v11, v6;
	v13 =	vld [tilespmem:s17+$0x40];
	v11 =	vmov s14;
	v9 =	vbroadcast v9, $0xF;
	s14 =	smov.u32 s16;
	s16 =	smov.u32 s18  }
.Ltmp14:
0x294: {  	v10 =	vadd.s32 v10, v6;
	v6 =	vld [tilespmem:s17+$0x50];
	vm0 =	veq.s32 v11, v1;
	(pc) =	sbr.rel @p0 .LBB2_29-.Ltmp14, $4  }
0x295: {  	v10 =	vadd.s32 v7, v10;
	v7 =	vld [tilespmem:s17+$0x60];
	v5 =	vsel vm0, v9, v5  }
0x296: {  	v10 =	vadd.s32 v8, v10;
	v8 =	vld [tilespmem:s17+$0x70];
	s17 =	sadd.s32 $0x100, s17  }
0x297: {  	v9 =	vld [tilespmem:s17+$0xFFFFFF80];
	v10 =	vadd.s32 v12, v10  }
0x298: {  	s18 =	sadd.s32 $0x1, s18;
	v11 =	vld [tilespmem:s17+$0xFFFFFF90];
	v10 =	vadd.s32 v13, v10  }
0x299: {  	v12 =	vld [tilespmem:s17+$0xFFFFFFA0]  }
0x29a: {  	v13 =	vld [tilespmem:s17+$0xFFFFFFB0]  }
0x29b: {  	v14 =	vld [tilespmem:s17+$0xFFFFFFC0]  }
0x29c: {  	v15 =	vld [tilespmem:s17+$0xFFFFFFD0]  }
0x29d: {  	v54 =	vld [tilespmem:s17+$0xFFFFFFE0];
	v9 =	vadd.s32 v9, v11  }
0x29e: {  	v55 =	vld [tilespmem:s17+$0xFFFFFFF0];
	v9 =	vadd.s32 v12, v9  }
0x29f: {  	v56 =	vld [tilespmem:s17+$0x0];
	v9 =	vadd.s32 v13, v9  }
0x2a0: {  	v57 =	vld [tilespmem:s17+$0x10];
	v9 =	vadd.s32 v14, v9  }
0x2a1: {  	v58 =	vld [tilespmem:s17+$0x20];
	v9 =	vadd.s32 v15, v9  }
0x2a2: {  	v59 =	vld [tilespmem:s17+$0x30];
	v9 =	vadd.s32 v54, v9  }
0x2a3: {  	v60 =	vld [tilespmem:s17+$0x40];
	v9 =	vadd.s32 v55, v9  }
0x2a4: {  	v61 =	vld [tilespmem:s17+$0x50];
	v9 =	vadd.s32 v56, v9  }
0x2a5: {  	v62 =	vld [tilespmem:s17+$0x60];
	v9 =	vadd.s32 v57, v9  }
0x2a6: {  	v63 =	vld [tilespmem:s17+$0x70];
	v9 =	vadd.s32 v58, v9  }
0x2a7: {  	v9 =	vadd.s32 v59, v9  }
0x2a8: {  	v6 =	vadd.s32 v6, v10;
	v9 =	vadd.s32 v60, v9  }
0x2a9: {  	v6 =	vadd.s32 v7, v6;
	v7 =	vadd.s32 v61, v9  }
0x2aa: {  	v6 =	vadd.s32 v8, v6;
	v8 =	vmov s15;
	v7 =	vadd.s32 v62, v7  }
0x2ab: {  	v3 =	vsub.s32 v4, v3;
	(xrf0) =	vadd.scan.msk.s32 $0xffff, v6;
	vm0 =	veq.s32 v8, v1;
	v6 =	vadd.s32 v63, v7  }
0x2ac: {  	v3 =	vnsel vm0, $0x0, v3;
	(xrf0) =	vadd.scan.msk.s32 $0xffff, v6  }
0x2ad: {  	(xrf0) =	vadd.scan.msk.s32 $0xffff, v3;
	_ =	sdelay $0x3  }
0x2ae: {  	v3, _, _ =	vpop (xrf0)  }
0x2af: {  	v4, _, _ =	vpop (xrf0)  }
0x2b0: {  	v6, _, _ =	vpop (xrf0)  }
0x2b1: {  	(v2sf) =	vpush v6, $0xF;
	_ =	sdelay $0x5  }
0x2b2: {  	v3 =	vbroadcast v3, $0xF;
	v6 =	vmov s14  }
0x2b3: {  	v4 =	vbroadcast v4, $0xF;
	vm13 =	veq.s32 v6, v1;
	v6 =	vmov s16  }
0x2b4: {  	v3 =	vsel vm13, v3, v5;
	vm14 =	veq.s32 v6, v1  }
0x2b5: {  	v3 =	vsel vm14, v4, v3  }
0x2b6: {  	(xrf0) =	vadd.scan.msk.s32 $0xffff, v3;
	_ =	sdelay $0x4  }
0x2b7: {  	s25 =	spop (v2sf)  }
0x2b8: {  	v4, _, _ =	vpop (xrf0);
	s13 =	ssub.s32 s13, s25  }
0x2b9: {  	vm15 =	vge.s32 v4, s13  }
0x2ba: {  	v5 =	vmctz.xlane vm15;
	_ =	sdelay $0x1  }
0x2bb: {  	v5 =	vxor.u32 $0x80000000, v5  }
0x2bc: {  	(xrf0) =	vmax.scan.msk.u32 $0xffff, v5;
	_ =	sdelay $0x5  }
0x2bd: {  	v5, _, _ =	vpop (xrf0)  }
0x2be: {  	(v2sf) =	vpush v5, $0xF;
	_ =	sdelay $0xe  }
0x2bf: {  	s14 =	spop (v2sf)  }
0x2c0: {  	s26 =	sshll.u32 s14, $0xA  }
0x2c1: {  	s15 =	simm.s32 $0x0;
	s28 =	sshra.s32 s26, $0x2  }
0x2c2: {  	s29 =	sand.u32 $0x80, s15;
	s17 =	sadd.s32 $0x2000, s28  }
0x2c3: {  	s18 =	sand.u32 $0x70, s15;
	s16 =	sadd.s32 s29, s17  }
0x2c4: {  	s16 =	sadd.s32 s18, s16  }
0x2c5: {  	v6 =	vld [tilespmem:s16+$0x0];
	_ =	sdelay $0x1  }
0x2c6: {  	s30 =	simm.s32 $0x10  }
0x2c7: {  	s31 =	sand.u32 $0x80, s30  }
0x2c8: {  	s18 =	sadd.s32 s31, s17;
	s16 =	sand.u32 $0x70, s30  }
0x2c9: {  	s19 =	sadd.s32 s16, s18;
	(xrf0) =	vadd.scan.msk.s32 $0xffff, v6  }
0x2ca: {  	v6 =	vld [tilespmem:s19+$0x0]  }
0x2cb: {  	v5 =	vimm.s32 $0x0;
	s16 =	simm.s32 $0x1;
	s18 =	simm.s32 $0x2;
	s19 =	simm.s32 $0x20  }
.LBB2_31:
0x2cc: {  	s20 =	sand.u32 $0x80, s19  }
0x2cd: {  	p0 =	sne.s32 s18, $0xF;
	s21 =	smov.u32 s18;
	s18 =	sadd.s32 $0x1, s18  }
.Ltmp15:
0x2ce: {  	s22 =	sand.u32 $0x70, s19;
	s20 =	sadd.s32 s20, s17;
	(pc) =	sbr.rel @p0 .LBB2_31-.Ltmp15, $4  }
0x2cf: {  	s20 =	sadd.s32 s22, s20;
	(xrf0) =	vadd.scan.msk.s32 $0xffff, v6;
	v7, _, _ =	vpop (xrf0)  }
0x2d0: {  	v8 =	vmov s15;
	s15 =	smov.u32 s16;
	s16 =	smov.u32 s21;
	v6 =	vld [tilespmem:s20+$0x0];
	v7 =	vbroadcast v7, $0xF  }
0x2d1: {  	vm0 =	veq.s32 v8, v1  }
0x2d2: {  	s19 =	sadd.s32 $0x10, s19;
	v5 =	vsel vm0, v7, v5  }
0x2d3: {  	s17 =	sxor.u32 $0x80000000, s14  }
0x2d4: {  	v7 =	vmov s17  }
0x2d5: {  	v3 =	vsub.s32 v4, v3;
	vm0 =	veq.s32 v7, v1  }
0x2d6: {  	(xrf0) =	vadd.scan.msk.s32 $0xffff, v6;
	v3 =	vnsel vm0, $0x0, v3  }
0x2d7: {  	(xrf0) =	vadd.scan.msk.s32 $0xffff, v3;
	_ =	sdelay $0x3  }
0x2d8: {  	v3, _, _ =	vpop (xrf0)  }
0x2d9: {  	v4, _, _ =	vpop (xrf0)  }
0x2da: {  	v6, _, _ =	vpop (xrf0)  }
0x2db: {  	(v2sf) =	vpush v6, $0xF;
	_ =	sdelay $0x5  }
0x2dc: {  	v3 =	vbroadcast v3, $0xF;
	v6 =	vmov s15  }
0x2dd: {  	v4 =	vbroadcast v4, $0xF;
	vm0 =	veq.s32 v6, v1;
	v6 =	vmov s16  }
0x2de: {  	v3 =	vsel vm0, v3, v5;
	vm0 =	veq.s32 v6, v1  }
0x2df: {  	v3 =	vsel vm0, v4, v3  }
0x2e0: {  	(xrf0) =	vadd.scan.msk.s32 $0xffff, v3;
	_ =	sdelay $0x4  }
0x2e1: {  	s29 =	spop (v2sf)  }
0x2e2: {  	v3, _, _ =	vpop (xrf0);
	s13 =	ssub.s32 s13, s29  }
0x2e3: {  	vm0 =	vge.s32 v3, s13  }
0x2e4: {  	v3 =	vmctz.xlane vm0;
	_ =	sdelay $0x1  }
0x2e5: {  	v3 =	vxor.u32 $0x80000000, v3  }
0x2e6: {  	(xrf0) =	vmax.scan.msk.u32 $0xffff, v3;
	_ =	sdelay $0x5  }
0x2e7: {  	v3, _, _ =	vpop (xrf0)  }
0x2e8: {  	(v2sf) =	vpush v3, $0xF;
	_ =	sdelay $0x6  }
0x2e9: {  	s13 =	simm.s32 $0x0  }
0x2ea: {  	v4 =	vld [tilespmem:s13+$0x0]  }
0x2eb: {  	v5 =	vld [tilespmem:s13+$0x10]  }
0x2ec: {  	v6 =	vld [tilespmem:s13+$0x20]  }
0x2ed: {  	v9 =	vld [tilespmem:s13+$0x30]  }
0x2ee: {  	v10 =	vld [tilespmem:s13+$0x40]  }
0x2ef: {  	v14 =	vld [tilespmem:s13+$0x1000]  }
0x2f0: {  	v15 =	vld [tilespmem:s13+$0x1010]  }
0x2f1: {  	s31 =	sshll.u32 s14, $0x4;
	v11 =	vld [tilespmem:s13+$0x50];
	s30 =	spop (v2sf)  }
0x2f2: {  	v12 =	vld [tilespmem:s13+$0x60];
	s14 =	sadd.s32 s30, s31  }
0x2f3: {  	s12 =	sshll.u32 s12, $0x6;
	v13 =	vld [tilespmem:s13+$0x70];
	s14 =	sadd.s32 $0x80000000, s14  }
0x2f4: {  	v8 =	vld [tilespmem:s13+$0x1020];
	s12 =	sor.u32 s12, s14  }
0x2f5: {  	v7 =	vld [tilespmem:s13+$0x1030];
	vm7 =	veq.s32 v14, $0x0;
	vm8 =	veq.s32 v15, $0x0;
	v3 =	vmov s12  }
0x2f6: {  	vm0 =	vgt.s32 v4, v3;
	vm6 =	vgt.s32 v5, v3;
	vm5 =	vgt.s32 v6, v3;
	v6 =	vld [tilespmem:s13+$0x1040]  }
0x2f7: {  	vm4 =	vgt.s32 v9, v3;
	vm3 =	vgt.s32 v10, v3;
	vm2 =	vgt.s32 v11, v3;
	v5 =	vld [tilespmem:s13+$0x1050]  }
0x2f8: {  	s12 =	simm.s32 $0x200;
	vm1 =	vgt.s32 v12, v3;
	v4 =	vld [tilespmem:s13+$0x1060];
	vm7 =	vmand vm0, vm7;
	vm0 =	vgt.s32 v13, v3  }
.LBB2_33:
0x2f9: {  	s14 =	sshra.s32 s12, $0x2;
	p0 =	sne.s32 s12, $0x3E00;
	v9 =	vsel vm7, $0x1, v0;
	vm6 =	vmand vm6, vm8;
	vm7 =	veq.s32 v8, $0x0;
	v8 =	vld [tilespmem:s13+$0x1070]  }
0x2fa: {  	v10 =	vld [tilespmem:s14+$0x0];
	[tilespmem:s13+$0x1000] =	vst v9;
	v9 =	vsel vm6, $0x1, v0;
	vm5 =	vmand vm5, vm7;
	vm6 =	veq.s32 v7, $0x0  }
0x2fb: {  	v7 =	vld [tilespmem:s14+$0x10];
	[tilespmem:s13+$0x1010] =	vst v9;
	v9 =	vsel vm5, $0x1, v0;
	vm4 =	vmand vm4, vm6;
	vm5 =	veq.s32 v6, $0x0  }
0x2fc: {  	v6 =	vld [tilespmem:s14+$0x20];
	[tilespmem:s13+$0x1020] =	vst v9;
	v9 =	vsel vm4, $0x1, v0;
	vm3 =	vmand vm3, vm5;
	vm4 =	veq.s32 v5, $0x0  }
0x2fd: {  	v5 =	vld [tilespmem:s14+$0x30];
	[tilespmem:s13+$0x1030] =	vst v9;
	v9 =	vsel vm3, $0x1, v0;
	vm2 =	vmand vm2, vm4;
	vm3 =	veq.s32 v4, $0x0  }
0x2fe: {  	v4 =	vld [tilespmem:s14+$0x40];
	[tilespmem:s13+$0x1040] =	vst v9;
	v9 =	vsel vm2, $0x1, v0;
	vm1 =	vmand vm1, vm3;
	vm2 =	veq.s32 v8, $0x0  }
0x2ff: {  	v11 =	vld [tilespmem:s14+$0x50];
	[tilespmem:s13+$0x1050] =	vst v9;
	v8 =	vsel vm1, $0x1, v0;
	vm0 =	vmand vm0, vm2  }
0x300: {  	v9 =	vld [tilespmem:s14+$0x60];
	[tilespmem:s13+$0x1060] =	vst v8;
	v8 =	vsel vm0, $0x1, v0  }
0x301: {  	v12 =	vld [tilespmem:s14+$0x70];
	[tilespmem:s13+$0x1070] =	vst v8;
	s13 =	smov.u32 s14  }
0x302: {  	v13 =	vld [tilespmem:s13+$0x1000]  }
0x303: {  	v14 =	vld [tilespmem:s13+$0x1010]  }
.Ltmp16:
0x304: {  	v8 =	vld [tilespmem:s13+$0x1020];
	(pc) =	sbr.rel @p0 .LBB2_33-.Ltmp16, $4  }
0x305: {  	vm0 =	vgt.s32 v10, v3;
	vm6 =	vgt.s32 v7, v3;
	v7 =	vld [tilespmem:s13+$0x1030]  }
0x306: {  	vm5 =	vgt.s32 v6, v3;
	vm4 =	vgt.s32 v5, v3;
	vm3 =	vgt.s32 v4, v3;
	v6 =	vld [tilespmem:s13+$0x1040]  }
0x307: {  	vm2 =	vgt.s32 v11, v3;
	vm1 =	vgt.s32 v9, v3;
	vm7 =	veq.s32 v13, $0x0;
	v5 =	vld [tilespmem:s13+$0x1050]  }
0x308: {  	s12 =	sadd.s32 $0x200, s12;
	vm7 =	vmand vm0, vm7;
	vm8 =	veq.s32 v14, $0x0;
	v4 =	vld [tilespmem:s13+$0x1060];
	vm0 =	vgt.s32 v12, v3  }
0x309: {  	v3 =	vsel vm7, $0x1, v0;
	vm6 =	vmand vm6, vm8;
	vm10 =	veq.s32 v8, $0x0;
	v63 =	vld [tilespmem:s13+$0x1070]  }
0x30a: {  	[tilespmem:s13+$0x1000] =	vst v3;
	v3 =	vsel vm6, $0x1, v0;
	vm5 =	vmand vm5, vm10;
	vm11 =	veq.s32 v7, $0x0  }
0x30b: {  	[tilespmem:s13+$0x1010] =	vst v3;
	v3 =	vsel vm5, $0x1, v0;
	vm4 =	vmand vm4, vm11;
	vm12 =	veq.s32 v6, $0x0  }
0x30c: {  	[tilespmem:s13+$0x1020] =	vst v3;
	v3 =	vsel vm4, $0x1, v0;
	vm3 =	vmand vm3, vm12;
	vm13 =	veq.s32 v5, $0x0  }
0x30d: {  	[tilespmem:s13+$0x1030] =	vst v3;
	v3 =	vsel vm3, $0x1, v0;
	vm2 =	vmand vm2, vm13;
	vm14 =	veq.s32 v4, $0x0  }
0x30e: {  	[tilespmem:s13+$0x1040] =	vst v3;
	v3 =	vsel vm2, $0x1, v0;
	vm1 =	vmand vm1, vm14;
	vm15 =	veq.s32 v63, $0x0  }
0x30f: {  	s2 =	sadd.s32 $0x1, s2;
	[tilespmem:s13+$0x1050] =	vst v3;
	v3 =	vsel vm1, $0x1, v0;
	vm0 =	vmand vm0, vm15  }
0x310: {  	p0 =	sne.s32 s2, s6;
	[tilespmem:s13+$0x1060] =	vst v3;
	v3 =	vsel vm0, $0x1, v0  }
.Ltmp17:
0x311: {  	[tilespmem:s13+$0x1070] =	vst v3;
	(pc) =	sbr.rel @p0 .LBB2_2-.Ltmp17, $4  }
0x312: {  	[hbm4b:s4+s7] =	stream.strided.scatter [tilespmem:s10], [sflag:$0x1], $0x1000, s8, s7, $0x38;
	[tilespmem:$0x3000] =	vst v63  }
0x313: {  	_ =	swait.ge [sflag:s9], $0x1000  }
0x314: {  	[sflag:s9] =	ssyncset.done $0x0  }
0x315: {  	[sflag:s9] =	ssyncadd.s32 $0xFFFFF000  }
.LBB2_35:
0x316: {  	_ =	sfence.sel $0x180000  }
0x317: {  	[bflag:$0x0] =	sbarrier.arrive $0xFFFF  }
0x318: {  	p0 =	sne.s32 s1, $0x0;
	_ =	strace $0x90000047  }
0x319: {  	s0 =	sadd.s32 @!p0 $0x100000, s0;
	[bflag:$0x2] =	sbarrier.arrive $0xFFFF  }
0x31a: {  	[sflag:s0] =	ssyncadd.tile.s32 @!p0 $0x1;
	_ =	shalt  }
.Lfunc_end2:
_tile_overlayer_lowered:
.L_overlay_start_2:
0x31b: {  	(tag) =	ssettag $0x2  }
0x31c: {  	s0 =	rddreg [dreg:$0x0];
	s2 =	stileid.u32  }
0x31d: {  	s1 =	rddreg [dreg:$0x1];
	p0 =	sne.s32 s2, $0x0  }
0x31e: {  	s3 =	rddreg [dreg:$0x2];
	[bflag:$0x3] =	sbarrier.arrive $0xFFFF;
	s2 =	simm.s32 @!p0 $0x1C01  }
0x31f: {  	[timem:s3], [sflag:s2] =	dma.local @!p0 [hbm:s0], s1  }
0x320: {  	s0 =	simm.s32 @!p0 $0x1  }
0x321: {  	_ =	swait.ge @!p0 [sflag:s0], s1  }
0x322: {  	s1 =	ssub.s32 @!p0 $0x0, s1;
	[sflag:s0] =	ssyncset.done @!p0 $0x0  }
0x323: {  	[sflag:s0] =	ssyncadd.s32 @!p0 s1  }
0x324: {  	[bflag:$0x3] =	sbarrier.arrive $0xFFFF  }
0x325: {  	_ =	shalt  }

</sc_bundles>
